<compile_context>
chip_gen: v7x
topology: tpu7x:2x2x1
jax: 0.10.2.dev20260603
libtpu: 0.0.44.dev20260713+nightly
codegen_flags: <defaults>
</compile_context>

<pallas_src>
import dataclasses
import functools

import jax
import jax.numpy as jnp
from jax import lax
from jax.experimental import pallas as pl
from jax.experimental.pallas import tpu as pltpu
from jax.experimental.pallas import tpu_sc as plsc

ALPHA = 0.1
K_HOPS = 10

NC = 2
NS = 16
LANES = 16
EB = 128
SB = 40
CH = 104


def _sc_appnp(x2, src3, dst3, val3, zeros, n_nodes, dh, nb):
    rows_main = (n_nodes // NS) & ~7
    rem = n_nodes - rows_main * NS
    n_ch = rows_main // CH
    nsg = nb // SB
    assert n_ch * CH == rows_main and CH <= EB and rem <= EB
    assert nsg * SB == nb and nsg % 2 == 0

    mesh = plsc.VectorSubcoreMesh(core_axis_name="c", subcore_axis_name="s")

    cp = pltpu.CompilerParams()
    fields = pltpu.CompilerParams.__dataclass_fields__
    if "needs_layout_passes" in fields:
        cp = dataclasses.replace(cp, needs_layout_passes=False)
    if "use_tc_tiling_on_sc" in fields:
        cp = dataclasses.replace(cp, use_tc_tiling_on_sc=False)

    @functools.partial(
        pl.kernel,
        out_type=jax.ShapeDtypeStruct((NC * n_nodes, dh), jnp.float32),
        mesh=mesh,
        compiler_params=cp,
        scratch_types=[
            pltpu.VMEM((2, SB, EB), jnp.int32),
            pltpu.VMEM((2, SB, EB), jnp.int32),
            pltpu.VMEM((2, SB, EB), jnp.float32),
            pltpu.VMEM((2, EB, dh), jnp.float32),
            pltpu.VMEM_SHARED((n_nodes, dh), jnp.float32),
            pltpu.VMEM_SHARED((n_nodes, dh), jnp.float32),
            pltpu.SemaphoreType.DMA,
            pltpu.SemaphoreType.DMA,
            pltpu.SemaphoreType.DMA,
            pltpu.SemaphoreType.DMA,
            pltpu.SemaphoreType.DMA,
            pltpu.SemaphoreType.DMA,
        ],
    )
    def prop(x2_hbm, src_hbm, dst_hbm, val_hbm, zero_hbm, out_hbm,
             seg_src, seg_dst, seg_val, rows_v, h_sh, acc_sh,
             sem_s0, sem_s1, sem_d0, sem_d1, sem_g0, sem_g1):
        cid = lax.axis_index("c")
        sid = lax.axis_index("s")
        sem_s = (sem_s0, sem_s1)
        sem_d = (sem_d0, sem_d1)
        sem_g = (sem_g0, sem_g1)
        r0 = sid * rows_main

        def src_copy(s, sp):
            return pltpu.make_async_copy(
                src_hbm.at[sid, pl.ds(s * SB, SB)], seg_src.at[sp], sem_s[sp])

        def dst_copy(s, sp):
            return pltpu.make_async_copy(
                dst_hbm.at[sid, pl.ds(s * SB, SB)], seg_dst.at[sp], sem_d[sp])

        def val_copy(s, sp):
            return pltpu.make_async_copy(
                val_hbm.at[sid, pl.ds(s * SB, SB)], seg_val.at[sp], sem_d[sp])

        def stage_seg(s, sp):
            src_copy(s, sp).start()
            dst_copy(s, sp).start()
            val_copy(s, sp).start()

        pltpu.sync_copy(x2_hbm.at[pl.ds(cid * n_nodes + r0, rows_main)],
                        h_sh.at[pl.ds(r0, rows_main)])
        pltpu.sync_copy(zero_hbm.at[pl.ds(r0, rows_main)],
                        acc_sh.at[pl.ds(r0, rows_main)])
        if rem:
            @pl.when(sid == NS - 1)
            def _():
                t0 = rows_main * NS
                pltpu.sync_copy(x2_hbm.at[pl.ds(cid * n_nodes + t0, rem)],
                                h_sh.at[pl.ds(t0, rem)])
                pltpu.sync_copy(zero_hbm.at[pl.ds(t0, rem)],
                                acc_sh.at[pl.ds(t0, rem)])

        plsc.subcore_barrier()

        def substep(s, sp, j, p):
            q = 1 - p
            pltpu.make_async_copy(
                h_sh.at[seg_src.at[sp, j]], rows_v.at[p], sem_g[p]).wait()

            @pl.when(j + 1 < SB)
            def _():
                pltpu.async_copy(
                    h_sh.at[seg_src.at[sp, j + 1]], rows_v.at[q], sem_g[q])

            @pl.when(j + 1 == SB)
            def _():
                @pl.when(s + 1 < nsg)
                def _():
                    src_copy(s + 1, 1 - sp).wait()
                    pltpu.async_copy(
                        h_sh.at[seg_src.at[1 - sp, 0]], rows_v.at[q],
                        sem_g[q])

            @pl.loop(0, EB)
            def _(r):
                vv = plsc.load_gather(
                    seg_val, [jnp.full((LANES,), sp, dtype=jnp.int32),
                              jnp.full((LANES,), j, dtype=jnp.int32),
                              jnp.full((LANES,), r, dtype=jnp.int32)])
                for c in range(dh // LANES):
                    sl = pl.ds(c * LANES, LANES)
                    rows_v[p, r, sl] = rows_v[p, r, sl] * vv

            pltpu.sync_copy(rows_v.at[p], acc_sh.at[seg_dst.at[sp, j]],
                            add=True)

        def seg_body(s, sp):
            dst_copy(s, sp).wait()
            val_copy(s, sp).wait()

            @pl.loop(0, SB // 2)
            def _(jh):
                substep(s, sp, 2 * jh, 0)
                substep(s, sp, 2 * jh + 1, 1)

            @pl.when(s + 2 < nsg)
            def _():
                stage_seg(s + 2, sp)

        def combine_rows(row0, nrows):
            a_v = rows_v.at[0, pl.ds(0, nrows)]
            x_v = rows_v.at[1, pl.ds(0, nrows)]
            pltpu.sync_copy(acc_sh.at[pl.ds(row0, nrows)], a_v)
            pltpu.sync_copy(x2_hbm.at[pl.ds(cid * n_nodes + row0, nrows)], x_v)
            pltpu.sync_copy(zero_hbm.at[pl.ds(row0, nrows)],
                            acc_sh.at[pl.ds(row0, nrows)])

            @pl.loop(0, nrows)
            def _(r):
                for c in range(dh // LANES):
                    sl = pl.ds(c * LANES, LANES)
                    rows_v[0, r, sl] = ((1.0 - ALPHA) * rows_v[0, r, sl]
                                        + ALPHA * rows_v[1, r, sl])

            pltpu.sync_copy(a_v, h_sh.at[pl.ds(row0, nrows)])

        @pl.loop(0, K_HOPS)
        def _(t):
            stage_seg(0, 0)
            stage_seg(1, 1)
            src_copy(0, 0).wait()
            pltpu.async_copy(h_sh.at[seg_src.at[0, 0]], rows_v.at[0], sem_g0)

            @pl.loop(0, nsg // 2)
            def _(i):
                seg_body(2 * i, 0)
                seg_body(2 * i + 1, 1)

            plsc.subcore_barrier()

            @pl.loop(0, n_ch)
            def _(j):
                combine_rows(r0 + j * CH, CH)

            if rem:
                @pl.when(sid == NS - 1)
                def _():
                    combine_rows(rows_main * NS, rem)

            plsc.subcore_barrier()

        pltpu.sync_copy(h_sh.at[pl.ds(r0, rows_main)],
                        out_hbm.at[pl.ds(cid * n_nodes + r0, rows_main)])
        if rem:
            @pl.when(sid == NS - 1)
            def _():
                t0 = rows_main * NS
                pltpu.sync_copy(
                    h_sh.at[pl.ds(t0, rem)],
                    out_hbm.at[pl.ds(cid * n_nodes + t0, rem)])

    return prop(x2, src3, dst3, val3, zeros)


def kernel(x, edge_index, adj_values):
    n_nodes, d = x.shape
    dh = d // NC
    dst = edge_index[0]
    src = edge_index[1]
    e = dst.shape[0]

    nb = -(-e // (NS * EB))
    nb = -(-nb // (2 * SB)) * (2 * SB)
    e_pad = nb * EB * NS
    pad = e_pad - e
    if pad:
        src = jnp.concatenate([src, jnp.zeros((pad,), src.dtype)])
        dst = jnp.concatenate([dst, jnp.zeros((pad,), dst.dtype)])
        adj = jnp.concatenate([adj_values, jnp.zeros((pad,), adj_values.dtype)])
    else:
        adj = adj_values
    src3 = src.reshape(NS, nb, EB)
    dst3 = dst.reshape(NS, nb, EB)
    val3 = adj.reshape(NS, nb, EB)
    zeros = jnp.zeros((n_nodes, dh), jnp.float32)

    x2 = jnp.concatenate([x[:, :dh], x[:, dh:]], axis=0)

    h2 = _sc_appnp(x2, src3, dst3, val3, zeros, n_nodes, dh, nb)

    return jnp.concatenate([h2[:n_nodes], h2[n_nodes:]], axis=1)

# --- scband reference (transcript-rebuilt; emitter-appended) ---
"""Pipeline reference for scband-appnprop-3178275799577 (READ-ONLY COPY).

The authoritative reference and input builder live on the scoring server;
editing this copy changes nothing except your own understanding.
"""

import jax, jax.numpy as jnp
import numpy as np

N = 10000
E = 320000
D = 128
ALPHA = 0.1
K_HOPS = 10


def setup_inputs(seed: int = 0) -> dict:
    key = jax.random.key(seed)
    k1, k2, k3 = jax.random.split(key, 3)
    x = jax.random.normal(k1, (N, D), dtype=jnp.float32)
    # sparse adjacency in COO form: row 0 = dst (row index), row 1 = src (col index)
    edge_index = jax.random.randint(k2, (2, E), 0, N, dtype=jnp.int32)
    # values mimic a normalized adjacency (mean ~ 1/avg_degree) so the K=10
    # power iteration stays numerically stable, matching typical APPNP usage
    adj_values = jax.random.uniform(k3, (E,), dtype=jnp.float32, minval=0.0, maxval=2.0 / 32.0)
    return {"x": x, "edge_index": edge_index, "adj_values": adj_values}


def reference(x, edge_index, adj_values):
    # APPNP propagation: h <- (1-alpha) * A @ h + alpha * x, repeated K times.
    # dropout rate is 0.0 so MixedDropout is the identity at inference.
    dst = edge_index[0]
    src = edge_index[1]
    h = x
    for _ in range(K_HOPS):
        # tf.sparse.sparse_dense_matmul(A, h): out[i] = sum_j A[i, j] * h[j]
        msg = adj_values[:, None] * jnp.take(h, src, axis=0)
        agg = jax.ops.segment_sum(msg, dst, num_segments=N)
        h = (1.0 - ALPHA) * agg + ALPHA * x
    return h

if __name__ == "__main__":
    import jax
    _d = setup_inputs()
    print(jax.jit(kernel)(*tuple(_d.values())))

</pallas_src>

<mosaic_0001>
#map = affine_map<(d0, d1) -> (0, 0)>
#map1 = affine_map<(d0, d1) -> (0, 0, 0)>
module attributes {stable_mosaic.version = 14 : i64} {
  func.func @prop(%arg0: i32, %arg1: i32, %arg2: memref<20000x64xf32, #tpu.memory_space<hbm>>, %arg3: memref<16x160x128xi32, #tpu.memory_space<hbm>>, %arg4: memref<16x160x128xi32, #tpu.memory_space<hbm>>, %arg5: memref<16x160x128xf32, #tpu.memory_space<hbm>>, %arg6: memref<10000x64xf32, #tpu.memory_space<hbm>>, %arg7: memref<20000x64xf32, #tpu.memory_space<hbm>>, %arg8: memref<2x40x128xi32, #tpu.memory_space<vmem>>, %arg9: memref<2x40x128xi32, #tpu.memory_space<vmem>>, %arg10: memref<2x40x128xf32, #tpu.memory_space<vmem>>, %arg11: memref<2x128x64xf32, #tpu.memory_space<vmem>>, %arg12: memref<10000x64xf32, #tpu.memory_space<vmem_shared>>, %arg13: memref<10000x64xf32, #tpu.memory_space<vmem_shared>>, %arg14: memref<!tpu.dma_semaphore, #tpu.memory_space<semaphore_mem>>, %arg15: memref<!tpu.dma_semaphore, #tpu.memory_space<semaphore_mem>>, %arg16: memref<!tpu.dma_semaphore, #tpu.memory_space<semaphore_mem>>, %arg17: memref<!tpu.dma_semaphore, #tpu.memory_space<semaphore_mem>>, %arg18: memref<!tpu.dma_semaphore, #tpu.memory_space<semaphore_mem>>, %arg19: memref<!tpu.dma_semaphore, #tpu.memory_space<semaphore_mem>>) attributes {dimension_semantics = [#tpu.dimension_semantics<core_parallel>, #tpu.dimension_semantics<subcore_parallel>], iteration_bounds = array<i64: 2, 16>, scalar_prefetch = 0 : i64, scratch_operands = 12 : i64, tpu.core_type = #tpu.core_type<sc_vector_subcore>, window_params = [{transform_indices = #map}, {transform_indices = #map1}, {transform_indices = #map1}, {transform_indices = #map1}, {transform_indices = #map}, {transform_indices = #map}]} {
    %mul3A = arith.constant 624 : i32
    %mul3A_0 = arith.muli %arg1, %mul3A : i32
    %mul3A_1 = arith.constant 10000 : i32
    %mul3A_2 = arith.muli %arg0, %mul3A_1 : i32
    %add3A = arith.addi %mul3A_2, %mul3A_0 : i32
    "tpu.region"() ({
      %run_scoped3A = tpu.sem_alloc : memref<!tpu.dma_semaphore, #tpu.memory_space<semaphore_mem>>
      %dma_start3A = arith.constant 0 : i32
      %dma_start3A_17 = tpu.memref_slice %arg12[%mul3A_0, %dma_start3A] : memref<10000x64xf32, #tpu.memory_space<vmem_shared>> -> memref<624x64xf32, #tpu.memory_space<vmem_shared>>
      %dma_start3A_18 = arith.constant 0 : i32
      %dma_start3A_19 = tpu.memref_slice %arg2[%add3A, %dma_start3A_18] : memref<20000x64xf32, #tpu.memory_space<hbm>> -> memref<624x64xf32, #tpu.memory_space<hbm>>
      tpu.enqueue_dma source(%dma_start3A_19 : memref<624x64xf32, #tpu.memory_space<hbm>>) target(%dma_start3A_17 : memref<624x64xf32, #tpu.memory_space<vmem_shared>>) target_semaphore(%run_scoped3A : memref<!tpu.dma_semaphore, #tpu.memory_space<semaphore_mem>>)
      %dma_wait3A = arith.constant 0 : i32
      %dma_wait3A_20 = tpu.memref_slice %arg12[%mul3A_0, %dma_wait3A] : memref<10000x64xf32, #tpu.memory_space<vmem_shared>> -> memref<624x64xf32, #tpu.memory_space<vmem_shared>>
      %dma_wait3A_21 = arith.constant 0 : i32
      %dma_wait3A_22 = tpu.memref_slice %arg2[%add3A, %dma_wait3A_21] : memref<20000x64xf32, #tpu.memory_space<hbm>> -> memref<624x64xf32, #tpu.memory_space<hbm>>
      tpu.wait_dma2 semaphore(%run_scoped3A : memref<!tpu.dma_semaphore, #tpu.memory_space<semaphore_mem>>) src(%dma_wait3A_22 : memref<624x64xf32, #tpu.memory_space<hbm>>) dst(%dma_wait3A_20 : memref<624x64xf32, #tpu.memory_space<vmem_shared>>)
      tpu.yield
    }) : () -> ()
    "tpu.region"() ({
      %run_scoped3A = tpu.sem_alloc : memref<!tpu.dma_semaphore, #tpu.memory_space<semaphore_mem>>
      %dma_start3A = arith.constant 0 : i32
      %dma_start3A_17 = tpu.memref_slice %arg13[%mul3A_0, %dma_start3A] : memref<10000x64xf32, #tpu.memory_space<vmem_shared>> -> memref<624x64xf32, #tpu.memory_space<vmem_shared>>
      %dma_start3A_18 = arith.constant 0 : i32
      %dma_start3A_19 = tpu.memref_slice %arg6[%mul3A_0, %dma_start3A_18] : memref<10000x64xf32, #tpu.memory_space<hbm>> -> memref<624x64xf32, #tpu.memory_space<hbm>>
      tpu.enqueue_dma source(%dma_start3A_19 : memref<624x64xf32, #tpu.memory_space<hbm>>) target(%dma_start3A_17 : memref<624x64xf32, #tpu.memory_space<vmem_shared>>) target_semaphore(%run_scoped3A : memref<!tpu.dma_semaphore, #tpu.memory_space<semaphore_mem>>)
      %dma_wait3A = arith.constant 0 : i32
      %dma_wait3A_20 = tpu.memref_slice %arg13[%mul3A_0, %dma_wait3A] : memref<10000x64xf32, #tpu.memory_space<vmem_shared>> -> memref<624x64xf32, #tpu.memory_space<vmem_shared>>
      %dma_wait3A_21 = arith.constant 0 : i32
      %dma_wait3A_22 = tpu.memref_slice %arg6[%mul3A_0, %dma_wait3A_21] : memref<10000x64xf32, #tpu.memory_space<hbm>> -> memref<624x64xf32, #tpu.memory_space<hbm>>
      tpu.wait_dma2 semaphore(%run_scoped3A : memref<!tpu.dma_semaphore, #tpu.memory_space<semaphore_mem>>) src(%dma_wait3A_22 : memref<624x64xf32, #tpu.memory_space<hbm>>) dst(%dma_wait3A_20 : memref<624x64xf32, #tpu.memory_space<vmem_shared>>)
      tpu.yield
    }) : () -> ()
    %eq3A = arith.constant 15 : i32
    %eq3A_3 = arith.cmpi eq, %arg1, %eq3A : i32
    %convert_element_type3A = arith.extui %eq3A_3 : i1 to i32
    %cond3A = arith.constant 0 : i32
    %cond3A_4 = arith.cmpi ne, %convert_element_type3A, %cond3A : i32
    scf.if %cond3A_4 {
      %mul3A_17 = arith.constant 10000 : i32
      %mul3A_18 = arith.muli %arg0, %mul3A_17 : i32
      %add3A_19 = arith.constant 9984 : i32
      %add3A_20 = arith.addi %mul3A_18, %add3A_19 : i32
      "tpu.region"() ({
        %run_scoped3A = tpu.sem_alloc : memref<!tpu.dma_semaphore, #tpu.memory_space<semaphore_mem>>
        %dma_start3A = arith.constant 9984 : i32
        %dma_start3A_21 = arith.constant 0 : i32
        %dma_start3A_22 = tpu.memref_slice %arg12[%dma_start3A, %dma_start3A_21] : memref<10000x64xf32, #tpu.memory_space<vmem_shared>> -> memref<16x64xf32, #tpu.memory_space<vmem_shared>>
        %dma_start3A_23 = arith.constant 0 : i32
        %dma_start3A_24 = tpu.memref_slice %arg2[%add3A_20, %dma_start3A_23] : memref<20000x64xf32, #tpu.memory_space<hbm>> -> memref<16x64xf32, #tpu.memory_space<hbm>>
        tpu.enqueue_dma source(%dma_start3A_24 : memref<16x64xf32, #tpu.memory_space<hbm>>) target(%dma_start3A_22 : memref<16x64xf32, #tpu.memory_space<vmem_shared>>) target_semaphore(%run_scoped3A : memref<!tpu.dma_semaphore, #tpu.memory_space<semaphore_mem>>)
        %dma_wait3A = arith.constant 9984 : i32
        %dma_wait3A_25 = arith.constant 0 : i32
        %dma_wait3A_26 = tpu.memref_slice %arg12[%dma_wait3A, %dma_wait3A_25] : memref<10000x64xf32, #tpu.memory_space<vmem_shared>> -> memref<16x64xf32, #tpu.memory_space<vmem_shared>>
        %dma_wait3A_27 = arith.constant 0 : i32
        %dma_wait3A_28 = tpu.memref_slice %arg2[%add3A_20, %dma_wait3A_27] : memref<20000x64xf32, #tpu.memory_space<hbm>> -> memref<16x64xf32, #tpu.memory_space<hbm>>
        tpu.wait_dma2 semaphore(%run_scoped3A : memref<!tpu.dma_semaphore, #tpu.memory_space<semaphore_mem>>) src(%dma_wait3A_28 : memref<16x64xf32, #tpu.memory_space<hbm>>) dst(%dma_wait3A_26 : memref<16x64xf32, #tpu.memory_space<vmem_shared>>)
        tpu.yield
      }) : () -> ()
      "tpu.region"() ({
        %run_scoped3A = tpu.sem_alloc : memref<!tpu.dma_semaphore, #tpu.memory_space<semaphore_mem>>
        %dma_start3A = arith.constant 9984 : i32
        %dma_start3A_21 = arith.constant 0 : i32
        %dma_start3A_22 = tpu.memref_slice %arg13[%dma_start3A, %dma_start3A_21] : memref<10000x64xf32, #tpu.memory_space<vmem_shared>> -> memref<16x64xf32, #tpu.memory_space<vmem_shared>>
        %dma_start3A_23 = arith.constant 9984 : i32
        %dma_start3A_24 = arith.constant 0 : i32
        %dma_start3A_25 = tpu.memref_slice %arg6[%dma_start3A_23, %dma_start3A_24] : memref<10000x64xf32, #tpu.memory_space<hbm>> -> memref<16x64xf32, #tpu.memory_space<hbm>>
        tpu.enqueue_dma source(%dma_start3A_25 : memref<16x64xf32, #tpu.memory_space<hbm>>) target(%dma_start3A_22 : memref<16x64xf32, #tpu.memory_space<vmem_shared>>) target_semaphore(%run_scoped3A : memref<!tpu.dma_semaphore, #tpu.memory_space<semaphore_mem>>)
        %dma_wait3A = arith.constant 9984 : i32
        %dma_wait3A_26 = arith.constant 0 : i32
        %dma_wait3A_27 = tpu.memref_slice %arg13[%dma_wait3A, %dma_wait3A_26] : memref<10000x64xf32, #tpu.memory_space<vmem_shared>> -> memref<16x64xf32, #tpu.memory_space<vmem_shared>>
        %dma_wait3A_28 = arith.constant 9984 : i32
        %dma_wait3A_29 = arith.constant 0 : i32
        %dma_wait3A_30 = tpu.memref_slice %arg6[%dma_wait3A_28, %dma_wait3A_29] : memref<10000x64xf32, #tpu.memory_space<hbm>> -> memref<16x64xf32, #tpu.memory_space<hbm>>
        tpu.wait_dma2 semaphore(%run_scoped3A : memref<!tpu.dma_semaphore, #tpu.memory_space<semaphore_mem>>) src(%dma_wait3A_30 : memref<16x64xf32, #tpu.memory_space<hbm>>) dst(%dma_wait3A_27 : memref<16x64xf32, #tpu.memory_space<vmem_shared>>)
        tpu.yield
      }) : () -> ()
    } else {
    }
    %barrier3A = arith.constant 0 : index
    tpu.barrier barrier_id(%barrier3A)
    %scan3A = arith.constant 0 : i32
    %scan3A_5 = arith.constant 10 : i32
    %scan3A_6 = arith.addi %scan3A, %scan3A_5 : i32
    %scan3A_7 = arith.constant 1 : i32
    scf.for %scan3A_17 = %scan3A to %scan3A_6 step %scan3A_7  : i32 {
      %mul3A_18 = arith.constant 1 : i32
      %mul3A_19 = arith.muli %scan3A_17, %mul3A_18 : i32
      %add3A_20 = arith.constant 0 : i32
      %add3A_21 = arith.addi %add3A_20, %mul3A_19 : i32
      %dma_start3A = arith.constant 0 : i32
      %dma_start3A_22 = arith.constant 0 : i32
      %dma_start3A_23 = arith.constant 0 : i32
      %dma_start3A_24 = tpu.memref_slice %arg8[%dma_start3A, %dma_start3A_22, %dma_start3A_23] : memref<2x40x128xi32, #tpu.memory_space<vmem>> -> memref<1x40x128xi32, #tpu.memory_space<vmem>>
      %dma_start3A_25 = tpu.memref_squeeze %dma_start3A_24 : memref<1x40x128xi32, #tpu.memory_space<vmem>> -> memref<40x128xi32, #tpu.memory_space<vmem>>
      %dma_start3A_26 = arith.constant 0 : i32
      %dma_start3A_27 = arith.constant 0 : i32
      %dma_start3A_28 = tpu.memref_slice %arg3[%arg1, %dma_start3A_26, %dma_start3A_27] : memref<16x160x128xi32, #tpu.memory_space<hbm>> -> memref<1x40x128xi32, #tpu.memory_space<hbm>>
      %dma_start3A_29 = tpu.memref_squeeze %dma_start3A_28 : memref<1x40x128xi32, #tpu.memory_space<hbm>> -> memref<40x128xi32, #tpu.memory_space<hbm>>
      %dma_start3A_30 = arith.constant 0 : i32
      %dma_start3A_31 = arith.constant 0 : i32
      %dma_start3A_32 = tpu.memref_slice %arg8[%dma_start3A, %dma_start3A_30, %dma_start3A_31] : memref<2x40x128xi32, #tpu.memory_space<vmem>> -> memref<1x40x128xi32, #tpu.memory_space<vmem>>
      %dma_start3A_33 = tpu.memref_squeeze %dma_start3A_32 : memref<1x40x128xi32, #tpu.memory_space<vmem>> -> memref<40x128xi32, #tpu.memory_space<vmem>>
      %dma_start3A_34 = arith.constant 0 : i32
      %dma_start3A_35 = arith.constant 0 : i32
      %dma_start3A_36 = tpu.memref_slice %arg3[%arg1, %dma_start3A_34, %dma_start3A_35] : memref<16x160x128xi32, #tpu.memory_space<hbm>> -> memref<1x40x128xi32, #tpu.memory_space<hbm>>
      %dma_start3A_37 = tpu.memref_squeeze %dma_start3A_36 : memref<1x40x128xi32, #tpu.memory_space<hbm>> -> memref<40x128xi32, #tpu.memory_space<hbm>>
      tpu.enqueue_dma source(%dma_start3A_37 : memref<40x128xi32, #tpu.memory_space<hbm>>) target(%dma_start3A_33 : memref<40x128xi32, #tpu.memory_space<vmem>>) target_semaphore(%arg14 : memref<!tpu.dma_semaphore, #tpu.memory_space<semaphore_mem>>)
      %dma_start3A_38 = arith.constant 0 : i32
      %dma_start3A_39 = arith.constant 0 : i32
      %dma_start3A_40 = arith.constant 0 : i32
      %dma_start3A_41 = tpu.memref_slice %arg9[%dma_start3A_38, %dma_start3A_39, %dma_start3A_40] : memref<2x40x128xi32, #tpu.memory_space<vmem>> -> memref<1x40x128xi32, #tpu.memory_space<vmem>>
      %dma_start3A_42 = tpu.memref_squeeze %dma_start3A_41 : memref<1x40x128xi32, #tpu.memory_space<vmem>> -> memref<40x128xi32, #tpu.memory_space<vmem>>
      %dma_start3A_43 = arith.constant 0 : i32
      %dma_start3A_44 = arith.constant 0 : i32
      %dma_start3A_45 = tpu.memref_slice %arg4[%arg1, %dma_start3A_43, %dma_start3A_44] : memref<16x160x128xi32, #tpu.memory_space<hbm>> -> memref<1x40x128xi32, #tpu.memory_space<hbm>>
      %dma_start3A_46 = tpu.memref_squeeze %dma_start3A_45 : memref<1x40x128xi32, #tpu.memory_space<hbm>> -> memref<40x128xi32, #tpu.memory_space<hbm>>
      %dma_start3A_47 = arith.constant 0 : i32
      %dma_start3A_48 = arith.constant 0 : i32
      %dma_start3A_49 = tpu.memref_slice %arg9[%dma_start3A_38, %dma_start3A_47, %dma_start3A_48] : memref<2x40x128xi32, #tpu.memory_space<vmem>> -> memref<1x40x128xi32, #tpu.memory_space<vmem>>
      %dma_start3A_50 = tpu.memref_squeeze %dma_start3A_49 : memref<1x40x128xi32, #tpu.memory_space<vmem>> -> memref<40x128xi32, #tpu.memory_space<vmem>>
      %dma_start3A_51 = arith.constant 0 : i32
      %dma_start3A_52 = arith.constant 0 : i32
      %dma_start3A_53 = tpu.memref_slice %arg4[%arg1, %dma_start3A_51, %dma_start3A_52] : memref<16x160x128xi32, #tpu.memory_space<hbm>> -> memref<1x40x128xi32, #tpu.memory_space<hbm>>
      %dma_start3A_54 = tpu.memref_squeeze %dma_start3A_53 : memref<1x40x128xi32, #tpu.memory_space<hbm>> -> memref<40x128xi32, #tpu.memory_space<hbm>>
      tpu.enqueue_dma source(%dma_start3A_54 : memref<40x128xi32, #tpu.memory_space<hbm>>) target(%dma_start3A_50 : memref<40x128xi32, #tpu.memory_space<vmem>>) target_semaphore(%arg16 : memref<!tpu.dma_semaphore, #tpu.memory_space<semaphore_mem>>)
      %dma_start3A_55 = arith.constant 0 : i32
      %dma_start3A_56 = arith.constant 0 : i32
      %dma_start3A_57 = arith.constant 0 : i32
      %dma_start3A_58 = tpu.memref_slice %arg10[%dma_start3A_55, %dma_start3A_56, %dma_start3A_57] : memref<2x40x128xf32, #tpu.memory_space<vmem>> -> memref<1x40x128xf32, #tpu.memory_space<vmem>>
      %dma_start3A_59 = tpu.memref_squeeze %dma_start3A_58 : memref<1x40x128xf32, #tpu.memory_space<vmem>> -> memref<40x128xf32, #tpu.memory_space<vmem>>
      %dma_start3A_60 = arith.constant 0 : i32
      %dma_start3A_61 = arith.constant 0 : i32
      %dma_start3A_62 = tpu.memref_slice %arg5[%arg1, %dma_start3A_60, %dma_start3A_61] : memref<16x160x128xf32, #tpu.memory_space<hbm>> -> memref<1x40x128xf32, #tpu.memory_space<hbm>>
      %dma_start3A_63 = tpu.memref_squeeze %dma_start3A_62 : memref<1x40x128xf32, #tpu.memory_space<hbm>> -> memref<40x128xf32, #tpu.memory_space<hbm>>
      %dma_start3A_64 = arith.constant 0 : i32
      %dma_start3A_65 = arith.constant 0 : i32
      %dma_start3A_66 = tpu.memref_slice %arg10[%dma_start3A_55, %dma_start3A_64, %dma_start3A_65] : memref<2x40x128xf32, #tpu.memory_space<vmem>> -> memref<1x40x128xf32, #tpu.memory_space<vmem>>
      %dma_start3A_67 = tpu.memref_squeeze %dma_start3A_66 : memref<1x40x128xf32, #tpu.memory_space<vmem>> -> memref<40x128xf32, #tpu.memory_space<vmem>>
      %dma_start3A_68 = arith.constant 0 : i32
      %dma_start3A_69 = arith.constant 0 : i32
      %dma_start3A_70 = tpu.memref_slice %arg5[%arg1, %dma_start3A_68, %dma_start3A_69] : memref<16x160x128xf32, #tpu.memory_space<hbm>> -> memref<1x40x128xf32, #tpu.memory_space<hbm>>
      %dma_start3A_71 = tpu.memref_squeeze %dma_start3A_70 : memref<1x40x128xf32, #tpu.memory_space<hbm>> -> memref<40x128xf32, #tpu.memory_space<hbm>>
      tpu.enqueue_dma source(%dma_start3A_71 : memref<40x128xf32, #tpu.memory_space<hbm>>) target(%dma_start3A_67 : memref<40x128xf32, #tpu.memory_space<vmem>>) target_semaphore(%arg16 : memref<!tpu.dma_semaphore, #tpu.memory_space<semaphore_mem>>)
      %dma_start3A_72 = arith.constant 1 : i32
      %dma_start3A_73 = arith.constant 0 : i32
      %dma_start3A_74 = arith.constant 0 : i32
      %dma_start3A_75 = tpu.memref_slice %arg8[%dma_start3A_72, %dma_start3A_73, %dma_start3A_74] : memref<2x40x128xi32, #tpu.memory_space<vmem>> -> memref<1x40x128xi32, #tpu.memory_space<vmem>>
      %dma_start3A_76 = tpu.memref_squeeze %dma_start3A_75 : memref<1x40x128xi32, #tpu.memory_space<vmem>> -> memref<40x128xi32, #tpu.memory_space<vmem>>
      %dma_start3A_77 = arith.constant 40 : i32
      %dma_start3A_78 = arith.constant 0 : i32
      %dma_start3A_79 = tpu.memref_slice %arg3[%arg1, %dma_start3A_77, %dma_start3A_78] : memref<16x160x128xi32, #tpu.memory_space<hbm>> -> memref<1x40x128xi32, #tpu.memory_space<hbm>>
      %dma_start3A_80 = tpu.memref_squeeze %dma_start3A_79 : memref<1x40x128xi32, #tpu.memory_space<hbm>> -> memref<40x128xi32, #tpu.memory_space<hbm>>
      %dma_start3A_81 = arith.constant 0 : i32
      %dma_start3A_82 = arith.constant 0 : i32
      %dma_start3A_83 = tpu.memref_slice %arg8[%dma_start3A_72, %dma_start3A_81, %dma_start3A_82] : memref<2x40x128xi32, #tpu.memory_space<vmem>> -> memref<1x40x128xi32, #tpu.memory_space<vmem>>
      %dma_start3A_84 = tpu.memref_squeeze %dma_start3A_83 : memref<1x40x128xi32, #tpu.memory_space<vmem>> -> memref<40x128xi32, #tpu.memory_space<vmem>>
      %dma_start3A_85 = arith.constant 40 : i32
      %dma_start3A_86 = arith.constant 0 : i32
      %dma_start3A_87 = tpu.memref_slice %arg3[%arg1, %dma_start3A_85, %dma_start3A_86] : memref<16x160x128xi32, #tpu.memory_space<hbm>> -> memref<1x40x128xi32, #tpu.memory_space<hbm>>
      %dma_start3A_88 = tpu.memref_squeeze %dma_start3A_87 : memref<1x40x128xi32, #tpu.memory_space<hbm>> -> memref<40x128xi32, #tpu.memory_space<hbm>>
      tpu.enqueue_dma source(%dma_start3A_88 : memref<40x128xi32, #tpu.memory_space<hbm>>) target(%dma_start3A_84 : memref<40x128xi32, #tpu.memory_space<vmem>>) target_semaphore(%arg15 : memref<!tpu.dma_semaphore, #tpu.memory_space<semaphore_mem>>)
      %dma_start3A_89 = arith.constant 1 : i32
      %dma_start3A_90 = arith.constant 0 : i32
      %dma_start3A_91 = arith.constant 0 : i32
      %dma_start3A_92 = tpu.memref_slice %arg9[%dma_start3A_89, %dma_start3A_90, %dma_start3A_91] : memref<2x40x128xi32, #tpu.memory_space<vmem>> -> memref<1x40x128xi32, #tpu.memory_space<vmem>>
      %dma_start3A_93 = tpu.memref_squeeze %dma_start3A_92 : memref<1x40x128xi32, #tpu.memory_space<vmem>> -> memref<40x128xi32, #tpu.memory_space<vmem>>
      %dma_start3A_94 = arith.constant 40 : i32
      %dma_start3A_95 = arith.constant 0 : i32
      %dma_start3A_96 = tpu.memref_slice %arg4[%arg1, %dma_start3A_94, %dma_start3A_95] : memref<16x160x128xi32, #tpu.memory_space<hbm>> -> memref<1x40x128xi32, #tpu.memory_space<hbm>>
      %dma_start3A_97 = tpu.memref_squeeze %dma_start3A_96 : memref<1x40x128xi32, #tpu.memory_space<hbm>> -> memref<40x128xi32, #tpu.memory_space<hbm>>
      %dma_start3A_98 = arith.constant 0 : i32
      %dma_start3A_99 = arith.constant 0 : i32
      %dma_start3A_100 = tpu.memref_slice %arg9[%dma_start3A_89, %dma_start3A_98, %dma_start3A_99] : memref<2x40x128xi32, #tpu.memory_space<vmem>> -> memref<1x40x128xi32, #tpu.memory_space<vmem>>
      %dma_start3A_101 = tpu.memref_squeeze %dma_start3A_100 : memref<1x40x128xi32, #tpu.memory_space<vmem>> -> memref<40x128xi32, #tpu.memory_space<vmem>>
      %dma_start3A_102 = arith.constant 40 : i32
      %dma_start3A_103 = arith.constant 0 : i32
      %dma_start3A_104 = tpu.memref_slice %arg4[%arg1, %dma_start3A_102, %dma_start3A_103] : memref<16x160x128xi32, #tpu.memory_space<hbm>> -> memref<1x40x128xi32, #tpu.memory_space<hbm>>
      %dma_start3A_105 = tpu.memref_squeeze %dma_start3A_104 : memref<1x40x128xi32, #tpu.memory_space<hbm>> -> memref<40x128xi32, #tpu.memory_space<hbm>>
      tpu.enqueue_dma source(%dma_start3A_105 : memref<40x128xi32, #tpu.memory_space<hbm>>) target(%dma_start3A_101 : memref<40x128xi32, #tpu.memory_space<vmem>>) target_semaphore(%arg17 : memref<!tpu.dma_semaphore, #tpu.memory_space<semaphore_mem>>)
      %dma_start3A_106 = arith.constant 1 : i32
      %dma_start3A_107 = arith.constant 0 : i32
      %dma_start3A_108 = arith.constant 0 : i32
      %dma_start3A_109 = tpu.memref_slice %arg10[%dma_start3A_106, %dma_start3A_107, %dma_start3A_108] : memref<2x40x128xf32, #tpu.memory_space<vmem>> -> memref<1x40x128xf32, #tpu.memory_space<vmem>>
      %dma_start3A_110 = tpu.memref_squeeze %dma_start3A_109 : memref<1x40x128xf32, #tpu.memory_space<vmem>> -> memref<40x128xf32, #tpu.memory_space<vmem>>
      %dma_start3A_111 = arith.constant 40 : i32
      %dma_start3A_112 = arith.constant 0 : i32
      %dma_start3A_113 = tpu.memref_slice %arg5[%arg1, %dma_start3A_111, %dma_start3A_112] : memref<16x160x128xf32, #tpu.memory_space<hbm>> -> memref<1x40x128xf32, #tpu.memory_space<hbm>>
      %dma_start3A_114 = tpu.memref_squeeze %dma_start3A_113 : memref<1x40x128xf32, #tpu.memory_space<hbm>> -> memref<40x128xf32, #tpu.memory_space<hbm>>
      %dma_start3A_115 = arith.constant 0 : i32
      %dma_start3A_116 = arith.constant 0 : i32
      %dma_start3A_117 = tpu.memref_slice %arg10[%dma_start3A_106, %dma_start3A_115, %dma_start3A_116] : memref<2x40x128xf32, #tpu.memory_space<vmem>> -> memref<1x40x128xf32, #tpu.memory_space<vmem>>
      %dma_start3A_118 = tpu.memref_squeeze %dma_start3A_117 : memref<1x40x128xf32, #tpu.memory_space<vmem>> -> memref<40x128xf32, #tpu.memory_space<vmem>>
      %dma_start3A_119 = arith.constant 40 : i32
      %dma_start3A_120 = arith.constant 0 : i32
      %dma_start3A_121 = tpu.memref_slice %arg5[%arg1, %dma_start3A_119, %dma_start3A_120] : memref<16x160x128xf32, #tpu.memory_space<hbm>> -> memref<1x40x128xf32, #tpu.memory_space<hbm>>
      %dma_start3A_122 = tpu.memref_squeeze %dma_start3A_121 : memref<1x40x128xf32, #tpu.memory_space<hbm>> -> memref<40x128xf32, #tpu.memory_space<hbm>>
      tpu.enqueue_dma source(%dma_start3A_122 : memref<40x128xf32, #tpu.memory_space<hbm>>) target(%dma_start3A_118 : memref<40x128xf32, #tpu.memory_space<vmem>>) target_semaphore(%arg17 : memref<!tpu.dma_semaphore, #tpu.memory_space<semaphore_mem>>)
      %dma_wait3A = arith.constant 0 : i32
      %dma_wait3A_123 = arith.constant 0 : i32
      %dma_wait3A_124 = arith.constant 0 : i32
      %dma_wait3A_125 = tpu.memref_slice %arg8[%dma_wait3A, %dma_wait3A_123, %dma_wait3A_124] : memref<2x40x128xi32, #tpu.memory_space<vmem>> -> memref<1x40x128xi32, #tpu.memory_space<vmem>>
      %dma_wait3A_126 = tpu.memref_squeeze %dma_wait3A_125 : memref<1x40x128xi32, #tpu.memory_space<vmem>> -> memref<40x128xi32, #tpu.memory_space<vmem>>
      %dma_wait3A_127 = arith.constant 0 : i32
      %dma_wait3A_128 = arith.constant 0 : i32
      %dma_wait3A_129 = tpu.memref_slice %arg3[%arg1, %dma_wait3A_127, %dma_wait3A_128] : memref<16x160x128xi32, #tpu.memory_space<hbm>> -> memref<1x40x128xi32, #tpu.memory_space<hbm>>
      %dma_wait3A_130 = tpu.memref_squeeze %dma_wait3A_129 : memref<1x40x128xi32, #tpu.memory_space<hbm>> -> memref<40x128xi32, #tpu.memory_space<hbm>>
      %dma_wait3A_131 = arith.constant 0 : i32
      %dma_wait3A_132 = arith.constant 0 : i32
      %dma_wait3A_133 = tpu.memref_slice %arg8[%dma_wait3A, %dma_wait3A_131, %dma_wait3A_132] : memref<2x40x128xi32, #tpu.memory_space<vmem>> -> memref<1x40x128xi32, #tpu.memory_space<vmem>>
      %dma_wait3A_134 = tpu.memref_squeeze %dma_wait3A_133 : memref<1x40x128xi32, #tpu.memory_space<vmem>> -> memref<40x128xi32, #tpu.memory_space<vmem>>
      %dma_wait3A_135 = arith.constant 0 : i32
      %dma_wait3A_136 = arith.constant 0 : i32
      %dma_wait3A_137 = tpu.memref_slice %arg3[%arg1, %dma_wait3A_135, %dma_wait3A_136] : memref<16x160x128xi32, #tpu.memory_space<hbm>> -> memref<1x40x128xi32, #tpu.memory_space<hbm>>
      %dma_wait3A_138 = tpu.memref_squeeze %dma_wait3A_137 : memref<1x40x128xi32, #tpu.memory_space<hbm>> -> memref<40x128xi32, #tpu.memory_space<hbm>>
      tpu.wait_dma2 semaphore(%arg14 : memref<!tpu.dma_semaphore, #tpu.memory_space<semaphore_mem>>) src(%dma_wait3A_138 : memref<40x128xi32, #tpu.memory_space<hbm>>) dst(%dma_wait3A_134 : memref<40x128xi32, #tpu.memory_space<vmem>>)
      %dma_start3A_139 = arith.constant 0 : i32
      %dma_start3A_140 = arith.constant 0 : i32
      %dma_start3A_141 = arith.constant 0 : i32
      %dma_start3A_142 = arith.constant 0 : i32
      %dma_start3A_143 = arith.constant 0 : i32
      %dma_start3A_144 = tpu.memref_slice %arg11[%dma_start3A_141, %dma_start3A_142, %dma_start3A_143] : memref<2x128x64xf32, #tpu.memory_space<vmem>> -> memref<1x128x64xf32, #tpu.memory_space<vmem>>
      %dma_start3A_145 = tpu.memref_squeeze %dma_start3A_144 : memref<1x128x64xf32, #tpu.memory_space<vmem>> -> memref<128x64xf32, #tpu.memory_space<vmem>>
      %dma_start3A_146 = arith.constant 0 : i32
      %dma_start3A_147 = tpu.memref_slice %arg8[%dma_start3A_139, %dma_start3A_140, %dma_start3A_146] : memref<2x40x128xi32, #tpu.memory_space<vmem>> -> memref<1x1x128xi32, #tpu.memory_space<vmem>>
      %dma_start3A_148 = tpu.memref_squeeze %dma_start3A_147 : memref<1x1x128xi32, #tpu.memory_space<vmem>> -> memref<128xi32, #tpu.memory_space<vmem>>
      %dma_start3A_149 = arith.constant 0 : i32
      %dma_start3A_150 = arith.constant 0 : i32
      %dma_start3A_151 = tpu.memref_slice %arg12[%dma_start3A_149, %dma_start3A_150] : memref<10000x64xf32, #tpu.memory_space<vmem_shared>> -> memref<10000x64xf32, #tpu.memory_space<vmem_shared>>
      tpu.enqueue_indirect_dma source(%dma_start3A_151 : memref<10000x64xf32, #tpu.memory_space<vmem_shared>>) target(%dma_start3A_145 : memref<128x64xf32, #tpu.memory_space<vmem>>) offsets(%dma_start3A_148 : memref<128xi32, #tpu.memory_space<vmem>>) semaphore(%arg18 : memref<!tpu.dma_semaphore, #tpu.memory_space<semaphore_mem>>)
      %scan3A_152 = arith.constant 0 : i32
      %scan3A_153 = arith.constant 2 : i32
      %scan3A_154 = arith.addi %scan3A_152, %scan3A_153 : i32
      %scan3A_155 = arith.constant 1 : i32
      scf.for %scan3A_169 = %scan3A_152 to %scan3A_154 step %scan3A_155  : i32 {
        %mul3A_170 = arith.constant 1 : i32
        %mul3A_171 = arith.muli %scan3A_169, %mul3A_170 : i32
        %add3A_172 = arith.constant 0 : i32
        %add3A_173 = arith.addi %add3A_172, %mul3A_171 : i32
        %mul3A_174 = arith.constant 2 : i32
        %mul3A_175 = arith.muli %mul3A_174, %add3A_173 : i32
        %mul3A_176 = arith.constant 40 : i32
        %mul3A_177 = arith.muli %mul3A_175, %mul3A_176 : i32
        %dma_wait3A_178 = arith.constant 0 : i32
        %dma_wait3A_179 = arith.constant 0 : i32
        %dma_wait3A_180 = arith.constant 0 : i32
        %dma_wait3A_181 = tpu.memref_slice %arg9[%dma_wait3A_178, %dma_wait3A_179, %dma_wait3A_180] : memref<2x40x128xi32, #tpu.memory_space<vmem>> -> memref<1x40x128xi32, #tpu.memory_space<vmem>>
        %dma_wait3A_182 = tpu.memref_squeeze %dma_wait3A_181 : memref<1x40x128xi32, #tpu.memory_space<vmem>> -> memref<40x128xi32, #tpu.memory_space<vmem>>
        %dma_wait3A_183 = arith.constant 0 : i32
        %dma_wait3A_184 = tpu.memref_slice %arg4[%arg1, %mul3A_177, %dma_wait3A_183] : memref<16x160x128xi32, #tpu.memory_space<hbm>> -> memref<1x40x128xi32, #tpu.memory_space<hbm>>
        %dma_wait3A_185 = tpu.memref_squeeze %dma_wait3A_184 : memref<1x40x128xi32, #tpu.memory_space<hbm>> -> memref<40x128xi32, #tpu.memory_space<hbm>>
        %dma_wait3A_186 = arith.constant 0 : i32
        %dma_wait3A_187 = arith.constant 0 : i32
        %dma_wait3A_188 = tpu.memref_slice %arg9[%dma_wait3A_178, %dma_wait3A_186, %dma_wait3A_187] : memref<2x40x128xi32, #tpu.memory_space<vmem>> -> memref<1x40x128xi32, #tpu.memory_space<vmem>>
        %dma_wait3A_189 = tpu.memref_squeeze %dma_wait3A_188 : memref<1x40x128xi32, #tpu.memory_space<vmem>> -> memref<40x128xi32, #tpu.memory_space<vmem>>
        %dma_wait3A_190 = arith.constant 0 : i32
        %dma_wait3A_191 = tpu.memref_slice %arg4[%arg1, %mul3A_177, %dma_wait3A_190] : memref<16x160x128xi32, #tpu.memory_space<hbm>> -> memref<1x40x128xi32, #tpu.memory_space<hbm>>
        %dma_wait3A_192 = tpu.memref_squeeze %dma_wait3A_191 : memref<1x40x128xi32, #tpu.memory_space<hbm>> -> memref<40x128xi32, #tpu.memory_space<hbm>>
        tpu.wait_dma2 semaphore(%arg16 : memref<!tpu.dma_semaphore, #tpu.memory_space<semaphore_mem>>) src(%dma_wait3A_192 : memref<40x128xi32, #tpu.memory_space<hbm>>) dst(%dma_wait3A_189 : memref<40x128xi32, #tpu.memory_space<vmem>>)
        %mul3A_193 = arith.constant 40 : i32
        %mul3A_194 = arith.muli %mul3A_175, %mul3A_193 : i32
        %dma_wait3A_195 = arith.constant 0 : i32
        %dma_wait3A_196 = arith.constant 0 : i32
        %dma_wait3A_197 = arith.constant 0 : i32
        %dma_wait3A_198 = tpu.memref_slice %arg10[%dma_wait3A_195, %dma_wait3A_196, %dma_wait3A_197] : memref<2x40x128xf32, #tpu.memory_space<vmem>> -> memref<1x40x128xf32, #tpu.memory_space<vmem>>
        %dma_wait3A_199 = tpu.memref_squeeze %dma_wait3A_198 : memref<1x40x128xf32, #tpu.memory_space<vmem>> -> memref<40x128xf32, #tpu.memory_space<vmem>>
        %dma_wait3A_200 = arith.constant 0 : i32
        %dma_wait3A_201 = tpu.memref_slice %arg5[%arg1, %mul3A_194, %dma_wait3A_200] : memref<16x160x128xf32, #tpu.memory_space<hbm>> -> memref<1x40x128xf32, #tpu.memory_space<hbm>>
        %dma_wait3A_202 = tpu.memref_squeeze %dma_wait3A_201 : memref<1x40x128xf32, #tpu.memory_space<hbm>> -> memref<40x128xf32, #tpu.memory_space<hbm>>
        %dma_wait3A_203 = arith.constant 0 : i32
        %dma_wait3A_204 = arith.constant 0 : i32
        %dma_wait3A_205 = tpu.memref_slice %arg10[%dma_wait3A_195, %dma_wait3A_203, %dma_wait3A_204] : memref<2x40x128xf32, #tpu.memory_space<vmem>> -> memref<1x40x128xf32, #tpu.memory_space<vmem>>
        %dma_wait3A_206 = tpu.memref_squeeze %dma_wait3A_205 : memref<1x40x128xf32, #tpu.memory_space<vmem>> -> memref<40x128xf32, #tpu.memory_space<vmem>>
        %dma_wait3A_207 = arith.constant 0 : i32
        %dma_wait3A_208 = tpu.memref_slice %arg5[%arg1, %mul3A_194, %dma_wait3A_207] : memref<16x160x128xf32, #tpu.memory_space<hbm>> -> memref<1x40x128xf32, #tpu.memory_space<hbm>>
        %dma_wait3A_209 = tpu.memref_squeeze %dma_wait3A_208 : memref<1x40x128xf32, #tpu.memory_space<hbm>> -> memref<40x128xf32, #tpu.memory_space<hbm>>
        tpu.wait_dma2 semaphore(%arg16 : memref<!tpu.dma_semaphore, #tpu.memory_space<semaphore_mem>>) src(%dma_wait3A_209 : memref<40x128xf32, #tpu.memory_space<hbm>>) dst(%dma_wait3A_206 : memref<40x128xf32, #tpu.memory_space<vmem>>)
        %scan3A_210 = arith.constant 0 : i32
        %scan3A_211 = arith.constant 20 : i32
        %scan3A_212 = arith.addi %scan3A_210, %scan3A_211 : i32
        %scan3A_213 = arith.constant 1 : i32
        scf.for %scan3A_271 = %scan3A_210 to %scan3A_212 step %scan3A_213  : i32 {
          %mul3A_272 = arith.constant 1 : i32
          %mul3A_273 = arith.muli %scan3A_271, %mul3A_272 : i32
          %add3A_274 = arith.constant 0 : i32
          %add3A_275 = arith.addi %add3A_274, %mul3A_273 : i32
          %mul3A_276 = arith.constant 2 : i32
          %mul3A_277 = arith.muli %mul3A_276, %add3A_275 : i32
          %dma_wait3A_278 = arith.constant 0 : i32
          %dma_wait3A_279 = arith.constant 0 : i32
          %dma_wait3A_280 = arith.constant 0 : i32
          %dma_wait3A_281 = arith.constant 0 : i32
          %dma_wait3A_282 = tpu.memref_slice %arg11[%dma_wait3A_279, %dma_wait3A_280, %dma_wait3A_281] : memref<2x128x64xf32, #tpu.memory_space<vmem>> -> memref<1x128x64xf32, #tpu.memory_space<vmem>>
          %dma_wait3A_283 = tpu.memref_squeeze %dma_wait3A_282 : memref<1x128x64xf32, #tpu.memory_space<vmem>> -> memref<128x64xf32, #tpu.memory_space<vmem>>
          %dma_wait3A_284 = arith.constant 0 : i32
          %dma_wait3A_285 = tpu.memref_slice %arg8[%dma_wait3A_278, %mul3A_277, %dma_wait3A_284] : memref<2x40x128xi32, #tpu.memory_space<vmem>> -> memref<1x1x128xi32, #tpu.memory_space<vmem>>
          %dma_wait3A_286 = tpu.memref_squeeze %dma_wait3A_285 : memref<1x1x128xi32, #tpu.memory_space<vmem>> -> memref<128xi32, #tpu.memory_space<vmem>>
          %dma_wait3A_287 = arith.constant 0 : i32
          %dma_wait3A_288 = arith.constant 0 : i32
          %dma_wait3A_289 = tpu.memref_slice %arg12[%dma_wait3A_287, %dma_wait3A_288] : memref<10000x64xf32, #tpu.memory_space<vmem_shared>> -> memref<10000x64xf32, #tpu.memory_space<vmem_shared>>
          tpu.wait_indirect_dma semaphore(%arg18 : memref<!tpu.dma_semaphore, #tpu.memory_space<semaphore_mem>>) src(%dma_wait3A_289 : memref<10000x64xf32, #tpu.memory_space<vmem_shared>>) dst(%dma_wait3A_283 : memref<128x64xf32, #tpu.memory_space<vmem>>)
          %add3A_290 = arith.constant 1 : i32
          %add3A_291 = arith.addi %mul3A_277, %add3A_290 : i32
          %lt3A_292 = arith.constant 40 : i32
          %lt3A_293 = arith.cmpi slt, %add3A_291, %lt3A_292 : i32
          %convert_element_type3A_294 = arith.extui %lt3A_293 : i1 to i32
          %cond3A_295 = arith.constant 0 : i32
          %cond3A_296 = arith.cmpi ne, %convert_element_type3A_294, %cond3A_295 : i32
          scf.if %cond3A_296 {
            %add3A_347 = arith.constant 1 : i32
            %add3A_348 = arith.addi %mul3A_277, %add3A_347 : i32
            %dma_start3A_349 = arith.constant 0 : i32
            %dma_start3A_350 = arith.constant 1 : i32
            %dma_start3A_351 = arith.constant 0 : i32
            %dma_start3A_352 = arith.constant 0 : i32
            %dma_start3A_353 = tpu.memref_slice %arg11[%dma_start3A_350, %dma_start3A_351, %dma_start3A_352] : memref<2x128x64xf32, #tpu.memory_space<vmem>> -> memref<1x128x64xf32, #tpu.memory_space<vmem>>
            %dma_start3A_354 = tpu.memref_squeeze %dma_start3A_353 : memref<1x128x64xf32, #tpu.memory_space<vmem>> -> memref<128x64xf32, #tpu.memory_space<vmem>>
            %dma_start3A_355 = arith.constant 0 : i32
            %dma_start3A_356 = tpu.memref_slice %arg8[%dma_start3A_349, %add3A_348, %dma_start3A_355] : memref<2x40x128xi32, #tpu.memory_space<vmem>> -> memref<1x1x128xi32, #tpu.memory_space<vmem>>
            %dma_start3A_357 = tpu.memref_squeeze %dma_start3A_356 : memref<1x1x128xi32, #tpu.memory_space<vmem>> -> memref<128xi32, #tpu.memory_space<vmem>>
            %dma_start3A_358 = arith.constant 0 : i32
            %dma_start3A_359 = arith.constant 0 : i32
            %dma_start3A_360 = tpu.memref_slice %arg12[%dma_start3A_358, %dma_start3A_359] : memref<10000x64xf32, #tpu.memory_space<vmem_shared>> -> memref<10000x64xf32, #tpu.memory_space<vmem_shared>>
            tpu.enqueue_indirect_dma source(%dma_start3A_360 : memref<10000x64xf32, #tpu.memory_space<vmem_shared>>) target(%dma_start3A_354 : memref<128x64xf32, #tpu.memory_space<vmem>>) offsets(%dma_start3A_357 : memref<128xi32, #tpu.memory_space<vmem>>) semaphore(%arg19 : memref<!tpu.dma_semaphore, #tpu.memory_space<semaphore_mem>>)
          } else {
          }
          %add3A_297 = arith.constant 1 : i32
          %add3A_298 = arith.addi %mul3A_277, %add3A_297 : i32
          %eq3A_299 = arith.constant 40 : i32
          %eq3A_300 = arith.cmpi eq, %add3A_298, %eq3A_299 : i32
          %convert_element_type3A_301 = arith.extui %eq3A_300 : i1 to i32
          %cond3A_302 = arith.constant 0 : i32
          %cond3A_303 = arith.cmpi ne, %convert_element_type3A_301, %cond3A_302 : i32
          scf.if %cond3A_303 {
            %add3A_347 = arith.constant 1 : i32
            %add3A_348 = arith.addi %mul3A_175, %add3A_347 : i32
            %lt3A_349 = arith.constant 4 : i32
            %lt3A_350 = arith.cmpi slt, %add3A_348, %lt3A_349 : i32
            %convert_element_type3A_351 = arith.extui %lt3A_350 : i1 to i32
            %cond3A_352 = arith.constant 0 : i32
            %cond3A_353 = arith.cmpi ne, %convert_element_type3A_351, %cond3A_352 : i32
            scf.if %cond3A_353 {
              %add3A_354 = arith.constant 1 : i32
              %add3A_355 = arith.addi %mul3A_175, %add3A_354 : i32
              %mul3A_356 = arith.constant 40 : i32
              %mul3A_357 = arith.muli %add3A_355, %mul3A_356 : i32
              %dma_wait3A_358 = arith.constant 1 : i32
              %dma_wait3A_359 = arith.constant 0 : i32
              %dma_wait3A_360 = arith.constant 0 : i32
              %dma_wait3A_361 = tpu.memref_slice %arg8[%dma_wait3A_358, %dma_wait3A_359, %dma_wait3A_360] : memref<2x40x128xi32, #tpu.memory_space<vmem>> -> memref<1x40x128xi32, #tpu.memory_space<vmem>>
              %dma_wait3A_362 = tpu.memref_squeeze %dma_wait3A_361 : memref<1x40x128xi32, #tpu.memory_space<vmem>> -> memref<40x128xi32, #tpu.memory_space<vmem>>
              %dma_wait3A_363 = arith.constant 0 : i32
              %dma_wait3A_364 = tpu.memref_slice %arg3[%arg1, %mul3A_357, %dma_wait3A_363] : memref<16x160x128xi32, #tpu.memory_space<hbm>> -> memref<1x40x128xi32, #tpu.memory_space<hbm>>
              %dma_wait3A_365 = tpu.memref_squeeze %dma_wait3A_364 : memref<1x40x128xi32, #tpu.memory_space<hbm>> -> memref<40x128xi32, #tpu.memory_space<hbm>>
              %dma_wait3A_366 = arith.constant 0 : i32
              %dma_wait3A_367 = arith.constant 0 : i32
              %dma_wait3A_368 = tpu.memref_slice %arg8[%dma_wait3A_358, %dma_wait3A_366, %dma_wait3A_367] : memref<2x40x128xi32, #tpu.memory_space<vmem>> -> memref<1x40x128xi32, #tpu.memory_space<vmem>>
              %dma_wait3A_369 = tpu.memref_squeeze %dma_wait3A_368 : memref<1x40x128xi32, #tpu.memory_space<vmem>> -> memref<40x128xi32, #tpu.memory_space<vmem>>
              %dma_wait3A_370 = arith.constant 0 : i32
              %dma_wait3A_371 = tpu.memref_slice %arg3[%arg1, %mul3A_357, %dma_wait3A_370] : memref<16x160x128xi32, #tpu.memory_space<hbm>> -> memref<1x40x128xi32, #tpu.memory_space<hbm>>
              %dma_wait3A_372 = tpu.memref_squeeze %dma_wait3A_371 : memref<1x40x128xi32, #tpu.memory_space<hbm>> -> memref<40x128xi32, #tpu.memory_space<hbm>>
              tpu.wait_dma2 semaphore(%arg15 : memref<!tpu.dma_semaphore, #tpu.memory_space<semaphore_mem>>) src(%dma_wait3A_372 : memref<40x128xi32, #tpu.memory_space<hbm>>) dst(%dma_wait3A_369 : memref<40x128xi32, #tpu.memory_space<vmem>>)
              %dma_start3A_373 = arith.constant 1 : i32
              %dma_start3A_374 = arith.constant 0 : i32
              %dma_start3A_375 = arith.constant 1 : i32
              %dma_start3A_376 = arith.constant 0 : i32
              %dma_start3A_377 = arith.constant 0 : i32
              %dma_start3A_378 = tpu.memref_slice %arg11[%dma_start3A_375, %dma_start3A_376, %dma_start3A_377] : memref<2x128x64xf32, #tpu.memory_space<vmem>> -> memref<1x128x64xf32, #tpu.memory_space<vmem>>
              %dma_start3A_379 = tpu.memref_squeeze %dma_start3A_378 : memref<1x128x64xf32, #tpu.memory_space<vmem>> -> memref<128x64xf32, #tpu.memory_space<vmem>>
              %dma_start3A_380 = arith.constant 0 : i32
              %dma_start3A_381 = tpu.memref_slice %arg8[%dma_start3A_373, %dma_start3A_374, %dma_start3A_380] : memref<2x40x128xi32, #tpu.memory_space<vmem>> -> memref<1x1x128xi32, #tpu.memory_space<vmem>>
              %dma_start3A_382 = tpu.memref_squeeze %dma_start3A_381 : memref<1x1x128xi32, #tpu.memory_space<vmem>> -> memref<128xi32, #tpu.memory_space<vmem>>
              %dma_start3A_383 = arith.constant 0 : i32
              %dma_start3A_384 = arith.constant 0 : i32
              %dma_start3A_385 = tpu.memref_slice %arg12[%dma_start3A_383, %dma_start3A_384] : memref<10000x64xf32, #tpu.memory_space<vmem_shared>> -> memref<10000x64xf32, #tpu.memory_space<vmem_shared>>
              tpu.enqueue_indirect_dma source(%dma_start3A_385 : memref<10000x64xf32, #tpu.memory_space<vmem_shared>>) target(%dma_start3A_379 : memref<128x64xf32, #tpu.memory_space<vmem>>) offsets(%dma_start3A_382 : memref<128xi32, #tpu.memory_space<vmem>>) semaphore(%arg19 : memref<!tpu.dma_semaphore, #tpu.memory_space<semaphore_mem>>)
            } else {
            }
          } else {
          }
          %scan3A_304 = arith.constant 0 : i32
          %scan3A_305 = arith.constant 128 : i32
          %scan3A_306 = arith.addi %scan3A_304, %scan3A_305 : i32
          %scan3A_307 = arith.constant 1 : i32
          scf.for %scan3A_347 = %scan3A_304 to %scan3A_306 step %scan3A_307  : i32 {
            %mul3A_348 = arith.constant 1 : i32
            %mul3A_349 = arith.muli %scan3A_347, %mul3A_348 : i32
            %add3A_350 = arith.constant 0 : i32
            %add3A_351 = arith.addi %add3A_350, %mul3A_349 : i32
            %broadcast_in_dim3A = arith.constant 0 : i32
            %broadcast_in_dim3A_352 = vector.broadcast %broadcast_in_dim3A : i32 to vector<16xi32>
            %broadcast_in_dim3A_353 = vector.broadcast %mul3A_277 : i32 to vector<16xi32>
            %broadcast_in_dim3A_354 = vector.broadcast %add3A_351 : i32 to vector<16xi32>
            %gather3A = tpu.vector_load_idx %arg10[%broadcast_in_dim3A_352, %broadcast_in_dim3A_353, %broadcast_in_dim3A_354] : memref<2x40x128xf32, #tpu.memory_space<vmem>>[vector<16xi32>, vector<16xi32>, vector<16xi32>], vector<16xf32>,
            %get3A = arith.constant 0 : i32
            %get3A_355 = arith.index_cast %get3A : i32 to index
            %get3A_356 = arith.index_cast %add3A_351 : i32 to index
            %get3A_357 = arith.constant 0 : index
            %get3A_358 = tpu.vector_load %arg11[%get3A_355, %get3A_356, %get3A_357] {strides = array<i32>} : memref<2x128x64xf32, #tpu.memory_space<vmem>>, vector<16xf32>,
            %mul3A_359 = arith.mulf %get3A_358, %gather3A : vector<16xf32>
            %swap3A = arith.constant 0 : i32
            %swap3A_360 = arith.index_cast %swap3A : i32 to index
            %swap3A_361 = arith.index_cast %add3A_351 : i32 to index
            %swap3A_362 = arith.constant 0 : index
            %swap3A_363 = tpu.vector_load %arg11[%swap3A_360, %swap3A_361, %swap3A_362] {strides = array<i32>} : memref<2x128x64xf32, #tpu.memory_space<vmem>>, vector<16xf32>,
            tpu.vector_store %arg11[%swap3A_360, %swap3A_361, %swap3A_362], %mul3A_359 {strides = array<i32>} : memref<2x128x64xf32, #tpu.memory_space<vmem>>, vector<16xf32>,
            %get3A_364 = arith.constant 0 : i32
            %get3A_365 = arith.index_cast %get3A_364 : i32 to index
            %get3A_366 = arith.index_cast %add3A_351 : i32 to index
            %get3A_367 = arith.constant 16 : index
            %get3A_368 = tpu.vector_load %arg11[%get3A_365, %get3A_366, %get3A_367] {strides = array<i32>} : memref<2x128x64xf32, #tpu.memory_space<vmem>>, vector<16xf32>,
            %mul3A_369 = arith.mulf %get3A_368, %gather3A : vector<16xf32>
            %swap3A_370 = arith.constant 0 : i32
            %swap3A_371 = arith.index_cast %swap3A_370 : i32 to index
            %swap3A_372 = arith.index_cast %add3A_351 : i32 to index
            %swap3A_373 = arith.constant 16 : index
            %swap3A_374 = tpu.vector_load %arg11[%swap3A_371, %swap3A_372, %swap3A_373] {strides = array<i32>} : memref<2x128x64xf32, #tpu.memory_space<vmem>>, vector<16xf32>,
            tpu.vector_store %arg11[%swap3A_371, %swap3A_372, %swap3A_373], %mul3A_369 {strides = array<i32>} : memref<2x128x64xf32, #tpu.memory_space<vmem>>, vector<16xf32>,
            %get3A_375 = arith.constant 0 : i32
            %get3A_376 = arith.index_cast %get3A_375 : i32 to index
            %get3A_377 = arith.index_cast %add3A_351 : i32 to index
            %get3A_378 = arith.constant 32 : index
            %get3A_379 = tpu.vector_load %arg11[%get3A_376, %get3A_377, %get3A_378] {strides = array<i32>} : memref<2x128x64xf32, #tpu.memory_space<vmem>>, vector<16xf32>,
            %mul3A_380 = arith.mulf %get3A_379, %gather3A : vector<16xf32>
            %swap3A_381 = arith.constant 0 : i32
            %swap3A_382 = arith.index_cast %swap3A_381 : i32 to index
            %swap3A_383 = arith.index_cast %add3A_351 : i32 to index
            %swap3A_384 = arith.constant 32 : index
            %swap3A_385 = tpu.vector_load %arg11[%swap3A_382, %swap3A_383, %swap3A_384] {strides = array<i32>} : memref<2x128x64xf32, #tpu.memory_space<vmem>>, vector<16xf32>,
            tpu.vector_store %arg11[%swap3A_382, %swap3A_383, %swap3A_384], %mul3A_380 {strides = array<i32>} : memref<2x128x64xf32, #tpu.memory_space<vmem>>, vector<16xf32>,
            %get3A_386 = arith.constant 0 : i32
            %get3A_387 = arith.index_cast %get3A_386 : i32 to index
            %get3A_388 = arith.index_cast %add3A_351 : i32 to index
            %get3A_389 = arith.constant 48 : index
            %get3A_390 = tpu.vector_load %arg11[%get3A_387, %get3A_388, %get3A_389] {strides = array<i32>} : memref<2x128x64xf32, #tpu.memory_space<vmem>>, vector<16xf32>,
            %mul3A_391 = arith.mulf %get3A_390, %gather3A : vector<16xf32>
            %swap3A_392 = arith.constant 0 : i32
            %swap3A_393 = arith.index_cast %swap3A_392 : i32 to index
            %swap3A_394 = arith.index_cast %add3A_351 : i32 to index
            %swap3A_395 = arith.constant 48 : index
            %swap3A_396 = tpu.vector_load %arg11[%swap3A_393, %swap3A_394, %swap3A_395] {strides = array<i32>} : memref<2x128x64xf32, #tpu.memory_space<vmem>>, vector<16xf32>,
            tpu.vector_store %arg11[%swap3A_393, %swap3A_394, %swap3A_395], %mul3A_391 {strides = array<i32>} : memref<2x128x64xf32, #tpu.memory_space<vmem>>, vector<16xf32>,
          }
          %scan3A_308 = arith.constant 128 : i32
          %run_scoped3A = arith.constant 0 : i32
          %run_scoped3A_309 = arith.constant 0 : i32
          "tpu.region"() ({
            %run_scoped3A_347 = tpu.sem_alloc : memref<!tpu.dma_semaphore, #tpu.memory_space<semaphore_mem>>
            %dma_start3A_348 = arith.constant 0 : i32
            %dma_start3A_349 = arith.constant 0 : i32
            %dma_start3A_350 = tpu.memref_slice %arg11[%run_scoped3A, %dma_start3A_348, %dma_start3A_349] : memref<2x128x64xf32, #tpu.memory_space<vmem>> -> memref<1x128x64xf32, #tpu.memory_space<vmem>>
            %dma_start3A_351 = tpu.memref_squeeze %dma_start3A_350 : memref<1x128x64xf32, #tpu.memory_space<vmem>> -> memref<128x64xf32, #tpu.memory_space<vmem>>
            %dma_start3A_352 = arith.constant 0 : i32
            %dma_start3A_353 = tpu.memref_slice %arg9[%run_scoped3A_309, %mul3A_277, %dma_start3A_352] : memref<2x40x128xi32, #tpu.memory_space<vmem>> -> memref<1x1x128xi32, #tpu.memory_space<vmem>>
            %dma_start3A_354 = tpu.memref_squeeze %dma_start3A_353 : memref<1x1x128xi32, #tpu.memory_space<vmem>> -> memref<128xi32, #tpu.memory_space<vmem>>
            %dma_start3A_355 = arith.constant 0 : i32
            %dma_start3A_356 = arith.constant 0 : i32
            %dma_start3A_357 = tpu.memref_slice %arg13[%dma_start3A_355, %dma_start3A_356] : memref<10000x64xf32, #tpu.memory_space<vmem_shared>> -> memref<10000x64xf32, #tpu.memory_space<vmem_shared>>
            tpu.enqueue_indirect_dma source(%dma_start3A_351 : memref<128x64xf32, #tpu.memory_space<vmem>>) target(%dma_start3A_357 : memref<10000x64xf32, #tpu.memory_space<vmem_shared>>) offsets(%dma_start3A_354 : memref<128xi32, #tpu.memory_space<vmem>>) semaphore(%run_scoped3A_347 : memref<!tpu.dma_semaphore, #tpu.memory_space<semaphore_mem>>) {add = true}
            %dma_wait3A_358 = arith.constant 0 : i32
            %dma_wait3A_359 = arith.constant 0 : i32
            %dma_wait3A_360 = tpu.memref_slice %arg11[%run_scoped3A, %dma_wait3A_358, %dma_wait3A_359] : memref<2x128x64xf32, #tpu.memory_space<vmem>> -> memref<1x128x64xf32, #tpu.memory_space<vmem>>
            %dma_wait3A_361 = tpu.memref_squeeze %dma_wait3A_360 : memref<1x128x64xf32, #tpu.memory_space<vmem>> -> memref<128x64xf32, #tpu.memory_space<vmem>>
            %dma_wait3A_362 = arith.constant 0 : i32
            %dma_wait3A_363 = tpu.memref_slice %arg9[%run_scoped3A_309, %mul3A_277, %dma_wait3A_362] : memref<2x40x128xi32, #tpu.memory_space<vmem>> -> memref<1x1x128xi32, #tpu.memory_space<vmem>>
            %dma_wait3A_364 = tpu.memref_squeeze %dma_wait3A_363 : memref<1x1x128xi32, #tpu.memory_space<vmem>> -> memref<128xi32, #tpu.memory_space<vmem>>
            %dma_wait3A_365 = arith.constant 0 : i32
            %dma_wait3A_366 = arith.constant 0 : i32
            %dma_wait3A_367 = tpu.memref_slice %arg13[%dma_wait3A_365, %dma_wait3A_366] : memref<10000x64xf32, #tpu.memory_space<vmem_shared>> -> memref<10000x64xf32, #tpu.memory_space<vmem_shared>>
            tpu.wait_indirect_dma semaphore(%run_scoped3A_347 : memref<!tpu.dma_semaphore, #tpu.memory_space<semaphore_mem>>) src(%dma_wait3A_361 : memref<128x64xf32, #tpu.memory_space<vmem>>) dst(%dma_wait3A_367 : memref<10000x64xf32, #tpu.memory_space<vmem_shared>>)
            tpu.yield
          }) : () -> ()
          %mul3A_310 = arith.constant 2 : i32
          %mul3A_311 = arith.muli %mul3A_310, %add3A_275 : i32
          %add3A_312 = arith.constant 1 : i32
          %add3A_313 = arith.addi %mul3A_311, %add3A_312 : i32
          %dma_wait3A_314 = arith.constant 0 : i32
          %dma_wait3A_315 = arith.constant 1 : i32
          %dma_wait3A_316 = arith.constant 0 : i32
          %dma_wait3A_317 = arith.constant 0 : i32
          %dma_wait3A_318 = tpu.memref_slice %arg11[%dma_wait3A_315, %dma_wait3A_316, %dma_wait3A_317] : memref<2x128x64xf32, #tpu.memory_space<vmem>> -> memref<1x128x64xf32, #tpu.memory_space<vmem>>
          %dma_wait3A_319 = tpu.memref_squeeze %dma_wait3A_318 : memref<1x128x64xf32, #tpu.memory_space<vmem>> -> memref<128x64xf32, #tpu.memory_space<vmem>>
          %dma_wait3A_320 = arith.constant 0 : i32
          %dma_wait3A_321 = tpu.memref_slice %arg8[%dma_wait3A_314, %add3A_313, %dma_wait3A_320] : memref<2x40x128xi32, #tpu.memory_space<vmem>> -> memref<1x1x128xi32, #tpu.memory_space<vmem>>
          %dma_wait3A_322 = tpu.memref_squeeze %dma_wait3A_321 : memref<1x1x128xi32, #tpu.memory_space<vmem>> -> memref<128xi32, #tpu.memory_space<vmem>>
          %dma_wait3A_323 = arith.constant 0 : i32
          %dma_wait3A_324 = arith.constant 0 : i32
          %dma_wait3A_325 = tpu.memref_slice %arg12[%dma_wait3A_323, %dma_wait3A_324] : memref<10000x64xf32, #tpu.memory_space<vmem_shared>> -> memref<10000x64xf32, #tpu.memory_space<vmem_shared>>
          tpu.wait_indirect_dma semaphore(%arg19 : memref<!tpu.dma_semaphore, #tpu.memory_space<semaphore_mem>>) src(%dma_wait3A_325 : memref<10000x64xf32, #tpu.memory_space<vmem_shared>>) dst(%dma_wait3A_319 : memref<128x64xf32, #tpu.memory_space<vmem>>)
          %add3A_326 = arith.constant 1 : i32
          %add3A_327 = arith.addi %add3A_313, %add3A_326 : i32
          %lt3A_328 = arith.constant 40 : i32
          %lt3A_329 = arith.cmpi slt, %add3A_327, %lt3A_328 : i32
          %convert_element_type3A_330 = arith.extui %lt3A_329 : i1 to i32
          %cond3A_331 = arith.constant 0 : i32
          %cond3A_332 = arith.cmpi ne, %convert_element_type3A_330, %cond3A_331 : i32
          scf.if %cond3A_332 {
            %add3A_347 = arith.constant 1 : i32
            %add3A_348 = arith.addi %add3A_313, %add3A_347 : i32
            %dma_start3A_349 = arith.constant 0 : i32
            %dma_start3A_350 = arith.constant 0 : i32
            %dma_start3A_351 = arith.constant 0 : i32
            %dma_start3A_352 = arith.constant 0 : i32
            %dma_start3A_353 = tpu.memref_slice %arg11[%dma_start3A_350, %dma_start3A_351, %dma_start3A_352] : memref<2x128x64xf32, #tpu.memory_space<vmem>> -> memref<1x128x64xf32, #tpu.memory_space<vmem>>
            %dma_start3A_354 = tpu.memref_squeeze %dma_start3A_353 : memref<1x128x64xf32, #tpu.memory_space<vmem>> -> memref<128x64xf32, #tpu.memory_space<vmem>>
            %dma_start3A_355 = arith.constant 0 : i32
            %dma_start3A_356 = tpu.memref_slice %arg8[%dma_start3A_349, %add3A_348, %dma_start3A_355] : memref<2x40x128xi32, #tpu.memory_space<vmem>> -> memref<1x1x128xi32, #tpu.memory_space<vmem>>
            %dma_start3A_357 = tpu.memref_squeeze %dma_start3A_356 : memref<1x1x128xi32, #tpu.memory_space<vmem>> -> memref<128xi32, #tpu.memory_space<vmem>>
            %dma_start3A_358 = arith.constant 0 : i32
            %dma_start3A_359 = arith.constant 0 : i32
            %dma_start3A_360 = tpu.memref_slice %arg12[%dma_start3A_358, %dma_start3A_359] : memref<10000x64xf32, #tpu.memory_space<vmem_shared>> -> memref<10000x64xf32, #tpu.memory_space<vmem_shared>>
            tpu.enqueue_indirect_dma source(%dma_start3A_360 : memref<10000x64xf32, #tpu.memory_space<vmem_shared>>) target(%dma_start3A_354 : memref<128x64xf32, #tpu.memory_space<vmem>>) offsets(%dma_start3A_357 : memref<128xi32, #tpu.memory_space<vmem>>) semaphore(%arg18 : memref<!tpu.dma_semaphore, #tpu.memory_space<semaphore_mem>>)
          } else {
          }
          %add3A_333 = arith.constant 1 : i32
          %add3A_334 = arith.addi %add3A_313, %add3A_333 : i32
          %eq3A_335 = arith.constant 40 : i32
          %eq3A_336 = arith.cmpi eq, %add3A_334, %eq3A_335 : i32
          %convert_element_type3A_337 = arith.extui %eq3A_336 : i1 to i32
          %cond3A_338 = arith.constant 0 : i32
          %cond3A_339 = arith.cmpi ne, %convert_element_type3A_337, %cond3A_338 : i32
          scf.if %cond3A_339 {
            %add3A_347 = arith.constant 1 : i32
            %add3A_348 = arith.addi %mul3A_175, %add3A_347 : i32
            %lt3A_349 = arith.constant 4 : i32
            %lt3A_350 = arith.cmpi slt, %add3A_348, %lt3A_349 : i32
            %convert_element_type3A_351 = arith.extui %lt3A_350 : i1 to i32
            %cond3A_352 = arith.constant 0 : i32
            %cond3A_353 = arith.cmpi ne, %convert_element_type3A_351, %cond3A_352 : i32
            scf.if %cond3A_353 {
              %add3A_354 = arith.constant 1 : i32
              %add3A_355 = arith.addi %mul3A_175, %add3A_354 : i32
              %mul3A_356 = arith.constant 40 : i32
              %mul3A_357 = arith.muli %add3A_355, %mul3A_356 : i32
              %dma_wait3A_358 = arith.constant 1 : i32
              %dma_wait3A_359 = arith.constant 0 : i32
              %dma_wait3A_360 = arith.constant 0 : i32
              %dma_wait3A_361 = tpu.memref_slice %arg8[%dma_wait3A_358, %dma_wait3A_359, %dma_wait3A_360] : memref<2x40x128xi32, #tpu.memory_space<vmem>> -> memref<1x40x128xi32, #tpu.memory_space<vmem>>
              %dma_wait3A_362 = tpu.memref_squeeze %dma_wait3A_361 : memref<1x40x128xi32, #tpu.memory_space<vmem>> -> memref<40x128xi32, #tpu.memory_space<vmem>>
              %dma_wait3A_363 = arith.constant 0 : i32
              %dma_wait3A_364 = tpu.memref_slice %arg3[%arg1, %mul3A_357, %dma_wait3A_363] : memref<16x160x128xi32, #tpu.memory_space<hbm>> -> memref<1x40x128xi32, #tpu.memory_space<hbm>>
              %dma_wait3A_365 = tpu.memref_squeeze %dma_wait3A_364 : memref<1x40x128xi32, #tpu.memory_space<hbm>> -> memref<40x128xi32, #tpu.memory_space<hbm>>
              %dma_wait3A_366 = arith.constant 0 : i32
              %dma_wait3A_367 = arith.constant 0 : i32
              %dma_wait3A_368 = tpu.memref_slice %arg8[%dma_wait3A_358, %dma_wait3A_366, %dma_wait3A_367] : memref<2x40x128xi32, #tpu.memory_space<vmem>> -> memref<1x40x128xi32, #tpu.memory_space<vmem>>
              %dma_wait3A_369 = tpu.memref_squeeze %dma_wait3A_368 : memref<1x40x128xi32, #tpu.memory_space<vmem>> -> memref<40x128xi32, #tpu.memory_space<vmem>>
              %dma_wait3A_370 = arith.constant 0 : i32
              %dma_wait3A_371 = tpu.memref_slice %arg3[%arg1, %mul3A_357, %dma_wait3A_370] : memref<16x160x128xi32, #tpu.memory_space<hbm>> -> memref<1x40x128xi32, #tpu.memory_space<hbm>>
              %dma_wait3A_372 = tpu.memref_squeeze %dma_wait3A_371 : memref<1x40x128xi32, #tpu.memory_space<hbm>> -> memref<40x128xi32, #tpu.memory_space<hbm>>
              tpu.wait_dma2 semaphore(%arg15 : memref<!tpu.dma_semaphore, #tpu.memory_space<semaphore_mem>>) src(%dma_wait3A_372 : memref<40x128xi32, #tpu.memory_space<hbm>>) dst(%dma_wait3A_369 : memref<40x128xi32, #tpu.memory_space<vmem>>)
              %dma_start3A_373 = arith.constant 1 : i32
              %dma_start3A_374 = arith.constant 0 : i32
              %dma_start3A_375 = arith.constant 0 : i32
              %dma_start3A_376 = arith.constant 0 : i32
              %dma_start3A_377 = arith.constant 0 : i32
              %dma_start3A_378 = tpu.memref_slice %arg11[%dma_start3A_375, %dma_start3A_376, %dma_start3A_377] : memref<2x128x64xf32, #tpu.memory_space<vmem>> -> memref<1x128x64xf32, #tpu.memory_space<vmem>>
              %dma_start3A_379 = tpu.memref_squeeze %dma_start3A_378 : memref<1x128x64xf32, #tpu.memory_space<vmem>> -> memref<128x64xf32, #tpu.memory_space<vmem>>
              %dma_start3A_380 = arith.constant 0 : i32
              %dma_start3A_381 = tpu.memref_slice %arg8[%dma_start3A_373, %dma_start3A_374, %dma_start3A_380] : memref<2x40x128xi32, #tpu.memory_space<vmem>> -> memref<1x1x128xi32, #tpu.memory_space<vmem>>
              %dma_start3A_382 = tpu.memref_squeeze %dma_start3A_381 : memref<1x1x128xi32, #tpu.memory_space<vmem>> -> memref<128xi32, #tpu.memory_space<vmem>>
              %dma_start3A_383 = arith.constant 0 : i32
              %dma_start3A_384 = arith.constant 0 : i32
              %dma_start3A_385 = tpu.memref_slice %arg12[%dma_start3A_383, %dma_start3A_384] : memref<10000x64xf32, #tpu.memory_space<vmem_shared>> -> memref<10000x64xf32, #tpu.memory_space<vmem_shared>>
              tpu.enqueue_indirect_dma source(%dma_start3A_385 : memref<10000x64xf32, #tpu.memory_space<vmem_shared>>) target(%dma_start3A_379 : memref<128x64xf32, #tpu.memory_space<vmem>>) offsets(%dma_start3A_382 : memref<128xi32, #tpu.memory_space<vmem>>) semaphore(%arg18 : memref<!tpu.dma_semaphore, #tpu.memory_space<semaphore_mem>>)
            } else {
            }
          } else {
          }
          %scan3A_340 = arith.constant 0 : i32
          %scan3A_341 = arith.constant 128 : i32
          %scan3A_342 = arith.addi %scan3A_340, %scan3A_341 : i32
          %scan3A_343 = arith.constant 1 : i32
          scf.for %scan3A_347 = %scan3A_340 to %scan3A_342 step %scan3A_343  : i32 {
            %mul3A_348 = arith.constant 1 : i32
            %mul3A_349 = arith.muli %scan3A_347, %mul3A_348 : i32
            %add3A_350 = arith.constant 0 : i32
            %add3A_351 = arith.addi %add3A_350, %mul3A_349 : i32
            %broadcast_in_dim3A = arith.constant 0 : i32
            %broadcast_in_dim3A_352 = vector.broadcast %broadcast_in_dim3A : i32 to vector<16xi32>
            %broadcast_in_dim3A_353 = vector.broadcast %add3A_313 : i32 to vector<16xi32>
            %broadcast_in_dim3A_354 = vector.broadcast %add3A_351 : i32 to vector<16xi32>
            %gather3A = tpu.vector_load_idx %arg10[%broadcast_in_dim3A_352, %broadcast_in_dim3A_353, %broadcast_in_dim3A_354] : memref<2x40x128xf32, #tpu.memory_space<vmem>>[vector<16xi32>, vector<16xi32>, vector<16xi32>], vector<16xf32>,
            %get3A = arith.constant 1 : i32
            %get3A_355 = arith.index_cast %get3A : i32 to index
            %get3A_356 = arith.index_cast %add3A_351 : i32 to index
            %get3A_357 = arith.constant 0 : index
            %get3A_358 = tpu.vector_load %arg11[%get3A_355, %get3A_356, %get3A_357] {strides = array<i32>} : memref<2x128x64xf32, #tpu.memory_space<vmem>>, vector<16xf32>,
            %mul3A_359 = arith.mulf %get3A_358, %gather3A : vector<16xf32>
            %swap3A = arith.constant 1 : i32
            %swap3A_360 = arith.index_cast %swap3A : i32 to index
            %swap3A_361 = arith.index_cast %add3A_351 : i32 to index
            %swap3A_362 = arith.constant 0 : index
            %swap3A_363 = tpu.vector_load %arg11[%swap3A_360, %swap3A_361, %swap3A_362] {strides = array<i32>} : memref<2x128x64xf32, #tpu.memory_space<vmem>>, vector<16xf32>,
            tpu.vector_store %arg11[%swap3A_360, %swap3A_361, %swap3A_362], %mul3A_359 {strides = array<i32>} : memref<2x128x64xf32, #tpu.memory_space<vmem>>, vector<16xf32>,
            %get3A_364 = arith.constant 1 : i32
            %get3A_365 = arith.index_cast %get3A_364 : i32 to index
            %get3A_366 = arith.index_cast %add3A_351 : i32 to index
            %get3A_367 = arith.constant 16 : index
            %get3A_368 = tpu.vector_load %arg11[%get3A_365, %get3A_366, %get3A_367] {strides = array<i32>} : memref<2x128x64xf32, #tpu.memory_space<vmem>>, vector<16xf32>,
            %mul3A_369 = arith.mulf %get3A_368, %gather3A : vector<16xf32>
            %swap3A_370 = arith.constant 1 : i32
            %swap3A_371 = arith.index_cast %swap3A_370 : i32 to index
            %swap3A_372 = arith.index_cast %add3A_351 : i32 to index
            %swap3A_373 = arith.constant 16 : index
            %swap3A_374 = tpu.vector_load %arg11[%swap3A_371, %swap3A_372, %swap3A_373] {strides = array<i32>} : memref<2x128x64xf32, #tpu.memory_space<vmem>>, vector<16xf32>,
            tpu.vector_store %arg11[%swap3A_371, %swap3A_372, %swap3A_373], %mul3A_369 {strides = array<i32>} : memref<2x128x64xf32, #tpu.memory_space<vmem>>, vector<16xf32>,
            %get3A_375 = arith.constant 1 : i32
            %get3A_376 = arith.index_cast %get3A_375 : i32 to index
            %get3A_377 = arith.index_cast %add3A_351 : i32 to index
            %get3A_378 = arith.constant 32 : index
            %get3A_379 = tpu.vector_load %arg11[%get3A_376, %get3A_377, %get3A_378] {strides = array<i32>} : memref<2x128x64xf32, #tpu.memory_space<vmem>>, vector<16xf32>,
            %mul3A_380 = arith.mulf %get3A_379, %gather3A : vector<16xf32>
            %swap3A_381 = arith.constant 1 : i32
            %swap3A_382 = arith.index_cast %swap3A_381 : i32 to index
            %swap3A_383 = arith.index_cast %add3A_351 : i32 to index
            %swap3A_384 = arith.constant 32 : index
            %swap3A_385 = tpu.vector_load %arg11[%swap3A_382, %swap3A_383, %swap3A_384] {strides = array<i32>} : memref<2x128x64xf32, #tpu.memory_space<vmem>>, vector<16xf32>,
            tpu.vector_store %arg11[%swap3A_382, %swap3A_383, %swap3A_384], %mul3A_380 {strides = array<i32>} : memref<2x128x64xf32, #tpu.memory_space<vmem>>, vector<16xf32>,
            %get3A_386 = arith.constant 1 : i32
            %get3A_387 = arith.index_cast %get3A_386 : i32 to index
            %get3A_388 = arith.index_cast %add3A_351 : i32 to index
            %get3A_389 = arith.constant 48 : index
            %get3A_390 = tpu.vector_load %arg11[%get3A_387, %get3A_388, %get3A_389] {strides = array<i32>} : memref<2x128x64xf32, #tpu.memory_space<vmem>>, vector<16xf32>,
            %mul3A_391 = arith.mulf %get3A_390, %gather3A : vector<16xf32>
            %swap3A_392 = arith.constant 1 : i32
            %swap3A_393 = arith.index_cast %swap3A_392 : i32 to index
            %swap3A_394 = arith.index_cast %add3A_351 : i32 to index
            %swap3A_395 = arith.constant 48 : index
            %swap3A_396 = tpu.vector_load %arg11[%swap3A_393, %swap3A_394, %swap3A_395] {strides = array<i32>} : memref<2x128x64xf32, #tpu.memory_space<vmem>>, vector<16xf32>,
            tpu.vector_store %arg11[%swap3A_393, %swap3A_394, %swap3A_395], %mul3A_391 {strides = array<i32>} : memref<2x128x64xf32, #tpu.memory_space<vmem>>, vector<16xf32>,
          }
          %scan3A_344 = arith.constant 128 : i32
          %run_scoped3A_345 = arith.constant 1 : i32
          %run_scoped3A_346 = arith.constant 0 : i32
          "tpu.region"() ({
            %run_scoped3A_347 = tpu.sem_alloc : memref<!tpu.dma_semaphore, #tpu.memory_space<semaphore_mem>>
            %dma_start3A_348 = arith.constant 0 : i32
            %dma_start3A_349 = arith.constant 0 : i32
            %dma_start3A_350 = tpu.memref_slice %arg11[%run_scoped3A_345, %dma_start3A_348, %dma_start3A_349] : memref<2x128x64xf32, #tpu.memory_space<vmem>> -> memref<1x128x64xf32, #tpu.memory_space<vmem>>
            %dma_start3A_351 = tpu.memref_squeeze %dma_start3A_350 : memref<1x128x64xf32, #tpu.memory_space<vmem>> -> memref<128x64xf32, #tpu.memory_space<vmem>>
            %dma_start3A_352 = arith.constant 0 : i32
            %dma_start3A_353 = tpu.memref_slice %arg9[%run_scoped3A_346, %add3A_313, %dma_start3A_352] : memref<2x40x128xi32, #tpu.memory_space<vmem>> -> memref<1x1x128xi32, #tpu.memory_space<vmem>>
            %dma_start3A_354 = tpu.memref_squeeze %dma_start3A_353 : memref<1x1x128xi32, #tpu.memory_space<vmem>> -> memref<128xi32, #tpu.memory_space<vmem>>
            %dma_start3A_355 = arith.constant 0 : i32
            %dma_start3A_356 = arith.constant 0 : i32
            %dma_start3A_357 = tpu.memref_slice %arg13[%dma_start3A_355, %dma_start3A_356] : memref<10000x64xf32, #tpu.memory_space<vmem_shared>> -> memref<10000x64xf32, #tpu.memory_space<vmem_shared>>
            tpu.enqueue_indirect_dma source(%dma_start3A_351 : memref<128x64xf32, #tpu.memory_space<vmem>>) target(%dma_start3A_357 : memref<10000x64xf32, #tpu.memory_space<vmem_shared>>) offsets(%dma_start3A_354 : memref<128xi32, #tpu.memory_space<vmem>>) semaphore(%run_scoped3A_347 : memref<!tpu.dma_semaphore, #tpu.memory_space<semaphore_mem>>) {add = true}
            %dma_wait3A_358 = arith.constant 0 : i32
            %dma_wait3A_359 = arith.constant 0 : i32
            %dma_wait3A_360 = tpu.memref_slice %arg11[%run_scoped3A_345, %dma_wait3A_358, %dma_wait3A_359] : memref<2x128x64xf32, #tpu.memory_space<vmem>> -> memref<1x128x64xf32, #tpu.memory_space<vmem>>
            %dma_wait3A_361 = tpu.memref_squeeze %dma_wait3A_360 : memref<1x128x64xf32, #tpu.memory_space<vmem>> -> memref<128x64xf32, #tpu.memory_space<vmem>>
            %dma_wait3A_362 = arith.constant 0 : i32
            %dma_wait3A_363 = tpu.memref_slice %arg9[%run_scoped3A_346, %add3A_313, %dma_wait3A_362] : memref<2x40x128xi32, #tpu.memory_space<vmem>> -> memref<1x1x128xi32, #tpu.memory_space<vmem>>
            %dma_wait3A_364 = tpu.memref_squeeze %dma_wait3A_363 : memref<1x1x128xi32, #tpu.memory_space<vmem>> -> memref<128xi32, #tpu.memory_space<vmem>>
            %dma_wait3A_365 = arith.constant 0 : i32
            %dma_wait3A_366 = arith.constant 0 : i32
            %dma_wait3A_367 = tpu.memref_slice %arg13[%dma_wait3A_365, %dma_wait3A_366] : memref<10000x64xf32, #tpu.memory_space<vmem_shared>> -> memref<10000x64xf32, #tpu.memory_space<vmem_shared>>
            tpu.wait_indirect_dma semaphore(%run_scoped3A_347 : memref<!tpu.dma_semaphore, #tpu.memory_space<semaphore_mem>>) src(%dma_wait3A_361 : memref<128x64xf32, #tpu.memory_space<vmem>>) dst(%dma_wait3A_367 : memref<10000x64xf32, #tpu.memory_space<vmem_shared>>)
            tpu.yield
          }) : () -> ()
        }
        %scan3A_214 = arith.constant 20 : i32
        %add3A_215 = arith.constant 2 : i32
        %add3A_216 = arith.addi %mul3A_175, %add3A_215 : i32
        %lt3A = arith.constant 4 : i32
        %lt3A_217 = arith.cmpi slt, %add3A_216, %lt3A : i32
        %convert_element_type3A_218 = arith.extui %lt3A_217 : i1 to i32
        %cond3A_219 = arith.constant 0 : i32
        %cond3A_220 = arith.cmpi ne, %convert_element_type3A_218, %cond3A_219 : i32
        scf.if %cond3A_220 {
          %add3A_271 = arith.constant 2 : i32
          %add3A_272 = arith.addi %mul3A_175, %add3A_271 : i32
          %mul3A_273 = arith.constant 40 : i32
          %mul3A_274 = arith.muli %add3A_272, %mul3A_273 : i32
          %dma_start3A_275 = arith.constant 0 : i32
          %dma_start3A_276 = arith.constant 0 : i32
          %dma_start3A_277 = arith.constant 0 : i32
          %dma_start3A_278 = tpu.memref_slice %arg8[%dma_start3A_275, %dma_start3A_276, %dma_start3A_277] : memref<2x40x128xi32, #tpu.memory_space<vmem>> -> memref<1x40x128xi32, #tpu.memory_space<vmem>>
          %dma_start3A_279 = tpu.memref_squeeze %dma_start3A_278 : memref<1x40x128xi32, #tpu.memory_space<vmem>> -> memref<40x128xi32, #tpu.memory_space<vmem>>
          %dma_start3A_280 = arith.constant 0 : i32
          %dma_start3A_281 = tpu.memref_slice %arg3[%arg1, %mul3A_274, %dma_start3A_280] : memref<16x160x128xi32, #tpu.memory_space<hbm>> -> memref<1x40x128xi32, #tpu.memory_space<hbm>>
          %dma_start3A_282 = tpu.memref_squeeze %dma_start3A_281 : memref<1x40x128xi32, #tpu.memory_space<hbm>> -> memref<40x128xi32, #tpu.memory_space<hbm>>
          %dma_start3A_283 = arith.constant 0 : i32
          %dma_start3A_284 = arith.constant 0 : i32
          %dma_start3A_285 = tpu.memref_slice %arg8[%dma_start3A_275, %dma_start3A_283, %dma_start3A_284] : memref<2x40x128xi32, #tpu.memory_space<vmem>> -> memref<1x40x128xi32, #tpu.memory_space<vmem>>
          %dma_start3A_286 = tpu.memref_squeeze %dma_start3A_285 : memref<1x40x128xi32, #tpu.memory_space<vmem>> -> memref<40x128xi32, #tpu.memory_space<vmem>>
          %dma_start3A_287 = arith.constant 0 : i32
          %dma_start3A_288 = tpu.memref_slice %arg3[%arg1, %mul3A_274, %dma_start3A_287] : memref<16x160x128xi32, #tpu.memory_space<hbm>> -> memref<1x40x128xi32, #tpu.memory_space<hbm>>
          %dma_start3A_289 = tpu.memref_squeeze %dma_start3A_288 : memref<1x40x128xi32, #tpu.memory_space<hbm>> -> memref<40x128xi32, #tpu.memory_space<hbm>>
          tpu.enqueue_dma source(%dma_start3A_289 : memref<40x128xi32, #tpu.memory_space<hbm>>) target(%dma_start3A_286 : memref<40x128xi32, #tpu.memory_space<vmem>>) target_semaphore(%arg14 : memref<!tpu.dma_semaphore, #tpu.memory_space<semaphore_mem>>)
          %mul3A_290 = arith.constant 40 : i32
          %mul3A_291 = arith.muli %add3A_272, %mul3A_290 : i32
          %dma_start3A_292 = arith.constant 0 : i32
          %dma_start3A_293 = arith.constant 0 : i32
          %dma_start3A_294 = arith.constant 0 : i32
          %dma_start3A_295 = tpu.memref_slice %arg9[%dma_start3A_292, %dma_start3A_293, %dma_start3A_294] : memref<2x40x128xi32, #tpu.memory_space<vmem>> -> memref<1x40x128xi32, #tpu.memory_space<vmem>>
          %dma_start3A_296 = tpu.memref_squeeze %dma_start3A_295 : memref<1x40x128xi32, #tpu.memory_space<vmem>> -> memref<40x128xi32, #tpu.memory_space<vmem>>
          %dma_start3A_297 = arith.constant 0 : i32
          %dma_start3A_298 = tpu.memref_slice %arg4[%arg1, %mul3A_291, %dma_start3A_297] : memref<16x160x128xi32, #tpu.memory_space<hbm>> -> memref<1x40x128xi32, #tpu.memory_space<hbm>>
          %dma_start3A_299 = tpu.memref_squeeze %dma_start3A_298 : memref<1x40x128xi32, #tpu.memory_space<hbm>> -> memref<40x128xi32, #tpu.memory_space<hbm>>
          %dma_start3A_300 = arith.constant 0 : i32
          %dma_start3A_301 = arith.constant 0 : i32
          %dma_start3A_302 = tpu.memref_slice %arg9[%dma_start3A_292, %dma_start3A_300, %dma_start3A_301] : memref<2x40x128xi32, #tpu.memory_space<vmem>> -> memref<1x40x128xi32, #tpu.memory_space<vmem>>
          %dma_start3A_303 = tpu.memref_squeeze %dma_start3A_302 : memref<1x40x128xi32, #tpu.memory_space<vmem>> -> memref<40x128xi32, #tpu.memory_space<vmem>>
          %dma_start3A_304 = arith.constant 0 : i32
          %dma_start3A_305 = tpu.memref_slice %arg4[%arg1, %mul3A_291, %dma_start3A_304] : memref<16x160x128xi32, #tpu.memory_space<hbm>> -> memref<1x40x128xi32, #tpu.memory_space<hbm>>
          %dma_start3A_306 = tpu.memref_squeeze %dma_start3A_305 : memref<1x40x128xi32, #tpu.memory_space<hbm>> -> memref<40x128xi32, #tpu.memory_space<hbm>>
          tpu.enqueue_dma source(%dma_start3A_306 : memref<40x128xi32, #tpu.memory_space<hbm>>) target(%dma_start3A_303 : memref<40x128xi32, #tpu.memory_space<vmem>>) target_semaphore(%arg16 : memref<!tpu.dma_semaphore, #tpu.memory_space<semaphore_mem>>)
          %mul3A_307 = arith.constant 40 : i32
          %mul3A_308 = arith.muli %add3A_272, %mul3A_307 : i32
          %dma_start3A_309 = arith.constant 0 : i32
          %dma_start3A_310 = arith.constant 0 : i32
          %dma_start3A_311 = arith.constant 0 : i32
          %dma_start3A_312 = tpu.memref_slice %arg10[%dma_start3A_309, %dma_start3A_310, %dma_start3A_311] : memref<2x40x128xf32, #tpu.memory_space<vmem>> -> memref<1x40x128xf32, #tpu.memory_space<vmem>>
          %dma_start3A_313 = tpu.memref_squeeze %dma_start3A_312 : memref<1x40x128xf32, #tpu.memory_space<vmem>> -> memref<40x128xf32, #tpu.memory_space<vmem>>
          %dma_start3A_314 = arith.constant 0 : i32
          %dma_start3A_315 = tpu.memref_slice %arg5[%arg1, %mul3A_308, %dma_start3A_314] : memref<16x160x128xf32, #tpu.memory_space<hbm>> -> memref<1x40x128xf32, #tpu.memory_space<hbm>>
          %dma_start3A_316 = tpu.memref_squeeze %dma_start3A_315 : memref<1x40x128xf32, #tpu.memory_space<hbm>> -> memref<40x128xf32, #tpu.memory_space<hbm>>
          %dma_start3A_317 = arith.constant 0 : i32
          %dma_start3A_318 = arith.constant 0 : i32
          %dma_start3A_319 = tpu.memref_slice %arg10[%dma_start3A_309, %dma_start3A_317, %dma_start3A_318] : memref<2x40x128xf32, #tpu.memory_space<vmem>> -> memref<1x40x128xf32, #tpu.memory_space<vmem>>
          %dma_start3A_320 = tpu.memref_squeeze %dma_start3A_319 : memref<1x40x128xf32, #tpu.memory_space<vmem>> -> memref<40x128xf32, #tpu.memory_space<vmem>>
          %dma_start3A_321 = arith.constant 0 : i32
          %dma_start3A_322 = tpu.memref_slice %arg5[%arg1, %mul3A_308, %dma_start3A_321] : memref<16x160x128xf32, #tpu.memory_space<hbm>> -> memref<1x40x128xf32, #tpu.memory_space<hbm>>
          %dma_start3A_323 = tpu.memref_squeeze %dma_start3A_322 : memref<1x40x128xf32, #tpu.memory_space<hbm>> -> memref<40x128xf32, #tpu.memory_space<hbm>>
          tpu.enqueue_dma source(%dma_start3A_323 : memref<40x128xf32, #tpu.memory_space<hbm>>) target(%dma_start3A_320 : memref<40x128xf32, #tpu.memory_space<vmem>>) target_semaphore(%arg16 : memref<!tpu.dma_semaphore, #tpu.memory_space<semaphore_mem>>)
        } else {
        }
        %mul3A_221 = arith.constant 2 : i32
        %mul3A_222 = arith.muli %mul3A_221, %add3A_173 : i32
        %add3A_223 = arith.constant 1 : i32
        %add3A_224 = arith.addi %mul3A_222, %add3A_223 : i32
        %mul3A_225 = arith.constant 40 : i32
        %mul3A_226 = arith.muli %add3A_224, %mul3A_225 : i32
        %dma_wait3A_227 = arith.constant 1 : i32
        %dma_wait3A_228 = arith.constant 0 : i32
        %dma_wait3A_229 = arith.constant 0 : i32
        %dma_wait3A_230 = tpu.memref_slice %arg9[%dma_wait3A_227, %dma_wait3A_228, %dma_wait3A_229] : memref<2x40x128xi32, #tpu.memory_space<vmem>> -> memref<1x40x128xi32, #tpu.memory_space<vmem>>
        %dma_wait3A_231 = tpu.memref_squeeze %dma_wait3A_230 : memref<1x40x128xi32, #tpu.memory_space<vmem>> -> memref<40x128xi32, #tpu.memory_space<vmem>>
        %dma_wait3A_232 = arith.constant 0 : i32
        %dma_wait3A_233 = tpu.memref_slice %arg4[%arg1, %mul3A_226, %dma_wait3A_232] : memref<16x160x128xi32, #tpu.memory_space<hbm>> -> memref<1x40x128xi32, #tpu.memory_space<hbm>>
        %dma_wait3A_234 = tpu.memref_squeeze %dma_wait3A_233 : memref<1x40x128xi32, #tpu.memory_space<hbm>> -> memref<40x128xi32, #tpu.memory_space<hbm>>
        %dma_wait3A_235 = arith.constant 0 : i32
        %dma_wait3A_236 = arith.constant 0 : i32
        %dma_wait3A_237 = tpu.memref_slice %arg9[%dma_wait3A_227, %dma_wait3A_235, %dma_wait3A_236] : memref<2x40x128xi32, #tpu.memory_space<vmem>> -> memref<1x40x128xi32, #tpu.memory_space<vmem>>
        %dma_wait3A_238 = tpu.memref_squeeze %dma_wait3A_237 : memref<1x40x128xi32, #tpu.memory_space<vmem>> -> memref<40x128xi32, #tpu.memory_space<vmem>>
        %dma_wait3A_239 = arith.constant 0 : i32
        %dma_wait3A_240 = tpu.memref_slice %arg4[%arg1, %mul3A_226, %dma_wait3A_239] : memref<16x160x128xi32, #tpu.memory_space<hbm>> -> memref<1x40x128xi32, #tpu.memory_space<hbm>>
        %dma_wait3A_241 = tpu.memref_squeeze %dma_wait3A_240 : memref<1x40x128xi32, #tpu.memory_space<hbm>> -> memref<40x128xi32, #tpu.memory_space<hbm>>
        tpu.wait_dma2 semaphore(%arg17 : memref<!tpu.dma_semaphore, #tpu.memory_space<semaphore_mem>>) src(%dma_wait3A_241 : memref<40x128xi32, #tpu.memory_space<hbm>>) dst(%dma_wait3A_238 : memref<40x128xi32, #tpu.memory_space<vmem>>)
        %mul3A_242 = arith.constant 40 : i32
        %mul3A_243 = arith.muli %add3A_224, %mul3A_242 : i32
        %dma_wait3A_244 = arith.constant 1 : i32
        %dma_wait3A_245 = arith.constant 0 : i32
        %dma_wait3A_246 = arith.constant 0 : i32
        %dma_wait3A_247 = tpu.memref_slice %arg10[%dma_wait3A_244, %dma_wait3A_245, %dma_wait3A_246] : memref<2x40x128xf32, #tpu.memory_space<vmem>> -> memref<1x40x128xf32, #tpu.memory_space<vmem>>
        %dma_wait3A_248 = tpu.memref_squeeze %dma_wait3A_247 : memref<1x40x128xf32, #tpu.memory_space<vmem>> -> memref<40x128xf32, #tpu.memory_space<vmem>>
        %dma_wait3A_249 = arith.constant 0 : i32
        %dma_wait3A_250 = tpu.memref_slice %arg5[%arg1, %mul3A_243, %dma_wait3A_249] : memref<16x160x128xf32, #tpu.memory_space<hbm>> -> memref<1x40x128xf32, #tpu.memory_space<hbm>>
        %dma_wait3A_251 = tpu.memref_squeeze %dma_wait3A_250 : memref<1x40x128xf32, #tpu.memory_space<hbm>> -> memref<40x128xf32, #tpu.memory_space<hbm>>
        %dma_wait3A_252 = arith.constant 0 : i32
        %dma_wait3A_253 = arith.constant 0 : i32
        %dma_wait3A_254 = tpu.memref_slice %arg10[%dma_wait3A_244, %dma_wait3A_252, %dma_wait3A_253] : memref<2x40x128xf32, #tpu.memory_space<vmem>> -> memref<1x40x128xf32, #tpu.memory_space<vmem>>
        %dma_wait3A_255 = tpu.memref_squeeze %dma_wait3A_254 : memref<1x40x128xf32, #tpu.memory_space<vmem>> -> memref<40x128xf32, #tpu.memory_space<vmem>>
        %dma_wait3A_256 = arith.constant 0 : i32
        %dma_wait3A_257 = tpu.memref_slice %arg5[%arg1, %mul3A_243, %dma_wait3A_256] : memref<16x160x128xf32, #tpu.memory_space<hbm>> -> memref<1x40x128xf32, #tpu.memory_space<hbm>>
        %dma_wait3A_258 = tpu.memref_squeeze %dma_wait3A_257 : memref<1x40x128xf32, #tpu.memory_space<hbm>> -> memref<40x128xf32, #tpu.memory_space<hbm>>
        tpu.wait_dma2 semaphore(%arg17 : memref<!tpu.dma_semaphore, #tpu.memory_space<semaphore_mem>>) src(%dma_wait3A_258 : memref<40x128xf32, #tpu.memory_space<hbm>>) dst(%dma_wait3A_255 : memref<40x128xf32, #tpu.memory_space<vmem>>)
        %scan3A_259 = arith.constant 0 : i32
        %scan3A_260 = arith.constant 20 : i32
        %scan3A_261 = arith.addi %scan3A_259, %scan3A_260 : i32
        %scan3A_262 = arith.constant 1 : i32
        scf.for %scan3A_271 = %scan3A_259 to %scan3A_261 step %scan3A_262  : i32 {
          %mul3A_272 = arith.constant 1 : i32
          %mul3A_273 = arith.muli %scan3A_271, %mul3A_272 : i32
          %add3A_274 = arith.constant 0 : i32
          %add3A_275 = arith.addi %add3A_274, %mul3A_273 : i32
          %mul3A_276 = arith.constant 2 : i32
          %mul3A_277 = arith.muli %mul3A_276, %add3A_275 : i32
          %dma_wait3A_278 = arith.constant 1 : i32
          %dma_wait3A_279 = arith.constant 0 : i32
          %dma_wait3A_280 = arith.constant 0 : i32
          %dma_wait3A_281 = arith.constant 0 : i32
          %dma_wait3A_282 = tpu.memref_slice %arg11[%dma_wait3A_279, %dma_wait3A_280, %dma_wait3A_281] : memref<2x128x64xf32, #tpu.memory_space<vmem>> -> memref<1x128x64xf32, #tpu.memory_space<vmem>>
          %dma_wait3A_283 = tpu.memref_squeeze %dma_wait3A_282 : memref<1x128x64xf32, #tpu.memory_space<vmem>> -> memref<128x64xf32, #tpu.memory_space<vmem>>
          %dma_wait3A_284 = arith.constant 0 : i32
          %dma_wait3A_285 = tpu.memref_slice %arg8[%dma_wait3A_278, %mul3A_277, %dma_wait3A_284] : memref<2x40x128xi32, #tpu.memory_space<vmem>> -> memref<1x1x128xi32, #tpu.memory_space<vmem>>
          %dma_wait3A_286 = tpu.memref_squeeze %dma_wait3A_285 : memref<1x1x128xi32, #tpu.memory_space<vmem>> -> memref<128xi32, #tpu.memory_space<vmem>>
          %dma_wait3A_287 = arith.constant 0 : i32
          %dma_wait3A_288 = arith.constant 0 : i32
          %dma_wait3A_289 = tpu.memref_slice %arg12[%dma_wait3A_287, %dma_wait3A_288] : memref<10000x64xf32, #tpu.memory_space<vmem_shared>> -> memref<10000x64xf32, #tpu.memory_space<vmem_shared>>
          tpu.wait_indirect_dma semaphore(%arg18 : memref<!tpu.dma_semaphore, #tpu.memory_space<semaphore_mem>>) src(%dma_wait3A_289 : memref<10000x64xf32, #tpu.memory_space<vmem_shared>>) dst(%dma_wait3A_283 : memref<128x64xf32, #tpu.memory_space<vmem>>)
          %add3A_290 = arith.constant 1 : i32
          %add3A_291 = arith.addi %mul3A_277, %add3A_290 : i32
          %lt3A_292 = arith.constant 40 : i32
          %lt3A_293 = arith.cmpi slt, %add3A_291, %lt3A_292 : i32
          %convert_element_type3A_294 = arith.extui %lt3A_293 : i1 to i32
          %cond3A_295 = arith.constant 0 : i32
          %cond3A_296 = arith.cmpi ne, %convert_element_type3A_294, %cond3A_295 : i32
          scf.if %cond3A_296 {
            %add3A_347 = arith.constant 1 : i32
            %add3A_348 = arith.addi %mul3A_277, %add3A_347 : i32
            %dma_start3A_349 = arith.constant 1 : i32
            %dma_start3A_350 = arith.constant 1 : i32
            %dma_start3A_351 = arith.constant 0 : i32
            %dma_start3A_352 = arith.constant 0 : i32
            %dma_start3A_353 = tpu.memref_slice %arg11[%dma_start3A_350, %dma_start3A_351, %dma_start3A_352] : memref<2x128x64xf32, #tpu.memory_space<vmem>> -> memref<1x128x64xf32, #tpu.memory_space<vmem>>
            %dma_start3A_354 = tpu.memref_squeeze %dma_start3A_353 : memref<1x128x64xf32, #tpu.memory_space<vmem>> -> memref<128x64xf32, #tpu.memory_space<vmem>>
            %dma_start3A_355 = arith.constant 0 : i32
            %dma_start3A_356 = tpu.memref_slice %arg8[%dma_start3A_349, %add3A_348, %dma_start3A_355] : memref<2x40x128xi32, #tpu.memory_space<vmem>> -> memref<1x1x128xi32, #tpu.memory_space<vmem>>
            %dma_start3A_357 = tpu.memref_squeeze %dma_start3A_356 : memref<1x1x128xi32, #tpu.memory_space<vmem>> -> memref<128xi32, #tpu.memory_space<vmem>>
            %dma_start3A_358 = arith.constant 0 : i32
            %dma_start3A_359 = arith.constant 0 : i32
            %dma_start3A_360 = tpu.memref_slice %arg12[%dma_start3A_358, %dma_start3A_359] : memref<10000x64xf32, #tpu.memory_space<vmem_shared>> -> memref<10000x64xf32, #tpu.memory_space<vmem_shared>>
            tpu.enqueue_indirect_dma source(%dma_start3A_360 : memref<10000x64xf32, #tpu.memory_space<vmem_shared>>) target(%dma_start3A_354 : memref<128x64xf32, #tpu.memory_space<vmem>>) offsets(%dma_start3A_357 : memref<128xi32, #tpu.memory_space<vmem>>) semaphore(%arg19 : memref<!tpu.dma_semaphore, #tpu.memory_space<semaphore_mem>>)
          } else {
          }
          %add3A_297 = arith.constant 1 : i32
          %add3A_298 = arith.addi %mul3A_277, %add3A_297 : i32
          %eq3A_299 = arith.constant 40 : i32
          %eq3A_300 = arith.cmpi eq, %add3A_298, %eq3A_299 : i32
          %convert_element_type3A_301 = arith.extui %eq3A_300 : i1 to i32
          %cond3A_302 = arith.constant 0 : i32
          %cond3A_303 = arith.cmpi ne, %convert_element_type3A_301, %cond3A_302 : i32
          scf.if %cond3A_303 {
            %add3A_347 = arith.constant 1 : i32
            %add3A_348 = arith.addi %add3A_224, %add3A_347 : i32
            %lt3A_349 = arith.constant 4 : i32
            %lt3A_350 = arith.cmpi slt, %add3A_348, %lt3A_349 : i32
            %convert_element_type3A_351 = arith.extui %lt3A_350 : i1 to i32
            %cond3A_352 = arith.constant 0 : i32
            %cond3A_353 = arith.cmpi ne, %convert_element_type3A_351, %cond3A_352 : i32
            scf.if %cond3A_353 {
              %add3A_354 = arith.constant 1 : i32
              %add3A_355 = arith.addi %add3A_224, %add3A_354 : i32
              %mul3A_356 = arith.constant 40 : i32
              %mul3A_357 = arith.muli %add3A_355, %mul3A_356 : i32
              %dma_wait3A_358 = arith.constant 0 : i32
              %dma_wait3A_359 = arith.constant 0 : i32
              %dma_wait3A_360 = arith.constant 0 : i32
              %dma_wait3A_361 = tpu.memref_slice %arg8[%dma_wait3A_358, %dma_wait3A_359, %dma_wait3A_360] : memref<2x40x128xi32, #tpu.memory_space<vmem>> -> memref<1x40x128xi32, #tpu.memory_space<vmem>>
              %dma_wait3A_362 = tpu.memref_squeeze %dma_wait3A_361 : memref<1x40x128xi32, #tpu.memory_space<vmem>> -> memref<40x128xi32, #tpu.memory_space<vmem>>
              %dma_wait3A_363 = arith.constant 0 : i32
              %dma_wait3A_364 = tpu.memref_slice %arg3[%arg1, %mul3A_357, %dma_wait3A_363] : memref<16x160x128xi32, #tpu.memory_space<hbm>> -> memref<1x40x128xi32, #tpu.memory_space<hbm>>
              %dma_wait3A_365 = tpu.memref_squeeze %dma_wait3A_364 : memref<1x40x128xi32, #tpu.memory_space<hbm>> -> memref<40x128xi32, #tpu.memory_space<hbm>>
              %dma_wait3A_366 = arith.constant 0 : i32
              %dma_wait3A_367 = arith.constant 0 : i32
              %dma_wait3A_368 = tpu.memref_slice %arg8[%dma_wait3A_358, %dma_wait3A_366, %dma_wait3A_367] : memref<2x40x128xi32, #tpu.memory_space<vmem>> -> memref<1x40x128xi32, #tpu.memory_space<vmem>>
              %dma_wait3A_369 = tpu.memref_squeeze %dma_wait3A_368 : memref<1x40x128xi32, #tpu.memory_space<vmem>> -> memref<40x128xi32, #tpu.memory_space<vmem>>
              %dma_wait3A_370 = arith.constant 0 : i32
              %dma_wait3A_371 = tpu.memref_slice %arg3[%arg1, %mul3A_357, %dma_wait3A_370] : memref<16x160x128xi32, #tpu.memory_space<hbm>> -> memref<1x40x128xi32, #tpu.memory_space<hbm>>
              %dma_wait3A_372 = tpu.memref_squeeze %dma_wait3A_371 : memref<1x40x128xi32, #tpu.memory_space<hbm>> -> memref<40x128xi32, #tpu.memory_space<hbm>>
              tpu.wait_dma2 semaphore(%arg14 : memref<!tpu.dma_semaphore, #tpu.memory_space<semaphore_mem>>) src(%dma_wait3A_372 : memref<40x128xi32, #tpu.memory_space<hbm>>) dst(%dma_wait3A_369 : memref<40x128xi32, #tpu.memory_space<vmem>>)
              %dma_start3A_373 = arith.constant 0 : i32
              %dma_start3A_374 = arith.constant 0 : i32
              %dma_start3A_375 = arith.constant 1 : i32
              %dma_start3A_376 = arith.constant 0 : i32
              %dma_start3A_377 = arith.constant 0 : i32
              %dma_start3A_378 = tpu.memref_slice %arg11[%dma_start3A_375, %dma_start3A_376, %dma_start3A_377] : memref<2x128x64xf32, #tpu.memory_space<vmem>> -> memref<1x128x64xf32, #tpu.memory_space<vmem>>
              %dma_start3A_379 = tpu.memref_squeeze %dma_start3A_378 : memref<1x128x64xf32, #tpu.memory_space<vmem>> -> memref<128x64xf32, #tpu.memory_space<vmem>>
              %dma_start3A_380 = arith.constant 0 : i32
              %dma_start3A_381 = tpu.memref_slice %arg8[%dma_start3A_373, %dma_start3A_374, %dma_start3A_380] : memref<2x40x128xi32, #tpu.memory_space<vmem>> -> memref<1x1x128xi32, #tpu.memory_space<vmem>>
              %dma_start3A_382 = tpu.memref_squeeze %dma_start3A_381 : memref<1x1x128xi32, #tpu.memory_space<vmem>> -> memref<128xi32, #tpu.memory_space<vmem>>
              %dma_start3A_383 = arith.constant 0 : i32
              %dma_start3A_384 = arith.constant 0 : i32
              %dma_start3A_385 = tpu.memref_slice %arg12[%dma_start3A_383, %dma_start3A_384] : memref<10000x64xf32, #tpu.memory_space<vmem_shared>> -> memref<10000x64xf32, #tpu.memory_space<vmem_shared>>
              tpu.enqueue_indirect_dma source(%dma_start3A_385 : memref<10000x64xf32, #tpu.memory_space<vmem_shared>>) target(%dma_start3A_379 : memref<128x64xf32, #tpu.memory_space<vmem>>) offsets(%dma_start3A_382 : memref<128xi32, #tpu.memory_space<vmem>>) semaphore(%arg19 : memref<!tpu.dma_semaphore, #tpu.memory_space<semaphore_mem>>)
            } else {
            }
          } else {
          }
          %scan3A_304 = arith.constant 0 : i32
          %scan3A_305 = arith.constant 128 : i32
          %scan3A_306 = arith.addi %scan3A_304, %scan3A_305 : i32
          %scan3A_307 = arith.constant 1 : i32
          scf.for %scan3A_347 = %scan3A_304 to %scan3A_306 step %scan3A_307  : i32 {
            %mul3A_348 = arith.constant 1 : i32
            %mul3A_349 = arith.muli %scan3A_347, %mul3A_348 : i32
            %add3A_350 = arith.constant 0 : i32
            %add3A_351 = arith.addi %add3A_350, %mul3A_349 : i32
            %broadcast_in_dim3A = arith.constant 1 : i32
            %broadcast_in_dim3A_352 = vector.broadcast %broadcast_in_dim3A : i32 to vector<16xi32>
            %broadcast_in_dim3A_353 = vector.broadcast %mul3A_277 : i32 to vector<16xi32>
            %broadcast_in_dim3A_354 = vector.broadcast %add3A_351 : i32 to vector<16xi32>
            %gather3A = tpu.vector_load_idx %arg10[%broadcast_in_dim3A_352, %broadcast_in_dim3A_353, %broadcast_in_dim3A_354] : memref<2x40x128xf32, #tpu.memory_space<vmem>>[vector<16xi32>, vector<16xi32>, vector<16xi32>], vector<16xf32>,
            %get3A = arith.constant 0 : i32
            %get3A_355 = arith.index_cast %get3A : i32 to index
            %get3A_356 = arith.index_cast %add3A_351 : i32 to index
            %get3A_357 = arith.constant 0 : index
            %get3A_358 = tpu.vector_load %arg11[%get3A_355, %get3A_356, %get3A_357] {strides = array<i32>} : memref<2x128x64xf32, #tpu.memory_space<vmem>>, vector<16xf32>,
            %mul3A_359 = arith.mulf %get3A_358, %gather3A : vector<16xf32>
            %swap3A = arith.constant 0 : i32
            %swap3A_360 = arith.index_cast %swap3A : i32 to index
            %swap3A_361 = arith.index_cast %add3A_351 : i32 to index
            %swap3A_362 = arith.constant 0 : index
            %swap3A_363 = tpu.vector_load %arg11[%swap3A_360, %swap3A_361, %swap3A_362] {strides = array<i32>} : memref<2x128x64xf32, #tpu.memory_space<vmem>>, vector<16xf32>,
            tpu.vector_store %arg11[%swap3A_360, %swap3A_361, %swap3A_362], %mul3A_359 {strides = array<i32>} : memref<2x128x64xf32, #tpu.memory_space<vmem>>, vector<16xf32>,
            %get3A_364 = arith.constant 0 : i32
            %get3A_365 = arith.index_cast %get3A_364 : i32 to index
            %get3A_366 = arith.index_cast %add3A_351 : i32 to index
            %get3A_367 = arith.constant 16 : index
            %get3A_368 = tpu.vector_load %arg11[%get3A_365, %get3A_366, %get3A_367] {strides = array<i32>} : memref<2x128x64xf32, #tpu.memory_space<vmem>>, vector<16xf32>,
            %mul3A_369 = arith.mulf %get3A_368, %gather3A : vector<16xf32>
            %swap3A_370 = arith.constant 0 : i32
            %swap3A_371 = arith.index_cast %swap3A_370 : i32 to index
            %swap3A_372 = arith.index_cast %add3A_351 : i32 to index
            %swap3A_373 = arith.constant 16 : index
            %swap3A_374 = tpu.vector_load %arg11[%swap3A_371, %swap3A_372, %swap3A_373] {strides = array<i32>} : memref<2x128x64xf32, #tpu.memory_space<vmem>>, vector<16xf32>,
            tpu.vector_store %arg11[%swap3A_371, %swap3A_372, %swap3A_373], %mul3A_369 {strides = array<i32>} : memref<2x128x64xf32, #tpu.memory_space<vmem>>, vector<16xf32>,
            %get3A_375 = arith.constant 0 : i32
            %get3A_376 = arith.index_cast %get3A_375 : i32 to index
            %get3A_377 = arith.index_cast %add3A_351 : i32 to index
            %get3A_378 = arith.constant 32 : index
            %get3A_379 = tpu.vector_load %arg11[%get3A_376, %get3A_377, %get3A_378] {strides = array<i32>} : memref<2x128x64xf32, #tpu.memory_space<vmem>>, vector<16xf32>,
            %mul3A_380 = arith.mulf %get3A_379, %gather3A : vector<16xf32>
            %swap3A_381 = arith.constant 0 : i32
            %swap3A_382 = arith.index_cast %swap3A_381 : i32 to index
            %swap3A_383 = arith.index_cast %add3A_351 : i32 to index
            %swap3A_384 = arith.constant 32 : index
            %swap3A_385 = tpu.vector_load %arg11[%swap3A_382, %swap3A_383, %swap3A_384] {strides = array<i32>} : memref<2x128x64xf32, #tpu.memory_space<vmem>>, vector<16xf32>,
            tpu.vector_store %arg11[%swap3A_382, %swap3A_383, %swap3A_384], %mul3A_380 {strides = array<i32>} : memref<2x128x64xf32, #tpu.memory_space<vmem>>, vector<16xf32>,
            %get3A_386 = arith.constant 0 : i32
            %get3A_387 = arith.index_cast %get3A_386 : i32 to index
            %get3A_388 = arith.index_cast %add3A_351 : i32 to index
            %get3A_389 = arith.constant 48 : index
            %get3A_390 = tpu.vector_load %arg11[%get3A_387, %get3A_388, %get3A_389] {strides = array<i32>} : memref<2x128x64xf32, #tpu.memory_space<vmem>>, vector<16xf32>,
            %mul3A_391 = arith.mulf %get3A_390, %gather3A : vector<16xf32>
            %swap3A_392 = arith.constant 0 : i32
            %swap3A_393 = arith.index_cast %swap3A_392 : i32 to index
            %swap3A_394 = arith.index_cast %add3A_351 : i32 to index
            %swap3A_395 = arith.constant 48 : index
            %swap3A_396 = tpu.vector_load %arg11[%swap3A_393, %swap3A_394, %swap3A_395] {strides = array<i32>} : memref<2x128x64xf32, #tpu.memory_space<vmem>>, vector<16xf32>,
            tpu.vector_store %arg11[%swap3A_393, %swap3A_394, %swap3A_395], %mul3A_391 {strides = array<i32>} : memref<2x128x64xf32, #tpu.memory_space<vmem>>, vector<16xf32>,
          }
          %scan3A_308 = arith.constant 128 : i32
          %run_scoped3A = arith.constant 0 : i32
          %run_scoped3A_309 = arith.constant 1 : i32
          "tpu.region"() ({
            %run_scoped3A_347 = tpu.sem_alloc : memref<!tpu.dma_semaphore, #tpu.memory_space<semaphore_mem>>
            %dma_start3A_348 = arith.constant 0 : i32
            %dma_start3A_349 = arith.constant 0 : i32
            %dma_start3A_350 = tpu.memref_slice %arg11[%run_scoped3A, %dma_start3A_348, %dma_start3A_349] : memref<2x128x64xf32, #tpu.memory_space<vmem>> -> memref<1x128x64xf32, #tpu.memory_space<vmem>>
            %dma_start3A_351 = tpu.memref_squeeze %dma_start3A_350 : memref<1x128x64xf32, #tpu.memory_space<vmem>> -> memref<128x64xf32, #tpu.memory_space<vmem>>
            %dma_start3A_352 = arith.constant 0 : i32
            %dma_start3A_353 = tpu.memref_slice %arg9[%run_scoped3A_309, %mul3A_277, %dma_start3A_352] : memref<2x40x128xi32, #tpu.memory_space<vmem>> -> memref<1x1x128xi32, #tpu.memory_space<vmem>>
            %dma_start3A_354 = tpu.memref_squeeze %dma_start3A_353 : memref<1x1x128xi32, #tpu.memory_space<vmem>> -> memref<128xi32, #tpu.memory_space<vmem>>
            %dma_start3A_355 = arith.constant 0 : i32
            %dma_start3A_356 = arith.constant 0 : i32
            %dma_start3A_357 = tpu.memref_slice %arg13[%dma_start3A_355, %dma_start3A_356] : memref<10000x64xf32, #tpu.memory_space<vmem_shared>> -> memref<10000x64xf32, #tpu.memory_space<vmem_shared>>
            tpu.enqueue_indirect_dma source(%dma_start3A_351 : memref<128x64xf32, #tpu.memory_space<vmem>>) target(%dma_start3A_357 : memref<10000x64xf32, #tpu.memory_space<vmem_shared>>) offsets(%dma_start3A_354 : memref<128xi32, #tpu.memory_space<vmem>>) semaphore(%run_scoped3A_347 : memref<!tpu.dma_semaphore, #tpu.memory_space<semaphore_mem>>) {add = true}
            %dma_wait3A_358 = arith.constant 0 : i32
            %dma_wait3A_359 = arith.constant 0 : i32
            %dma_wait3A_360 = tpu.memref_slice %arg11[%run_scoped3A, %dma_wait3A_358, %dma_wait3A_359] : memref<2x128x64xf32, #tpu.memory_space<vmem>> -> memref<1x128x64xf32, #tpu.memory_space<vmem>>
            %dma_wait3A_361 = tpu.memref_squeeze %dma_wait3A_360 : memref<1x128x64xf32, #tpu.memory_space<vmem>> -> memref<128x64xf32, #tpu.memory_space<vmem>>
            %dma_wait3A_362 = arith.constant 0 : i32
            %dma_wait3A_363 = tpu.memref_slice %arg9[%run_scoped3A_309, %mul3A_277, %dma_wait3A_362] : memref<2x40x128xi32, #tpu.memory_space<vmem>> -> memref<1x1x128xi32, #tpu.memory_space<vmem>>
            %dma_wait3A_364 = tpu.memref_squeeze %dma_wait3A_363 : memref<1x1x128xi32, #tpu.memory_space<vmem>> -> memref<128xi32, #tpu.memory_space<vmem>>
            %dma_wait3A_365 = arith.constant 0 : i32
            %dma_wait3A_366 = arith.constant 0 : i32
            %dma_wait3A_367 = tpu.memref_slice %arg13[%dma_wait3A_365, %dma_wait3A_366] : memref<10000x64xf32, #tpu.memory_space<vmem_shared>> -> memref<10000x64xf32, #tpu.memory_space<vmem_shared>>
            tpu.wait_indirect_dma semaphore(%run_scoped3A_347 : memref<!tpu.dma_semaphore, #tpu.memory_space<semaphore_mem>>) src(%dma_wait3A_361 : memref<128x64xf32, #tpu.memory_space<vmem>>) dst(%dma_wait3A_367 : memref<10000x64xf32, #tpu.memory_space<vmem_shared>>)
            tpu.yield
          }) : () -> ()
          %mul3A_310 = arith.constant 2 : i32
          %mul3A_311 = arith.muli %mul3A_310, %add3A_275 : i32
          %add3A_312 = arith.constant 1 : i32
          %add3A_313 = arith.addi %mul3A_311, %add3A_312 : i32
          %dma_wait3A_314 = arith.constant 1 : i32
          %dma_wait3A_315 = arith.constant 1 : i32
          %dma_wait3A_316 = arith.constant 0 : i32
          %dma_wait3A_317 = arith.constant 0 : i32
          %dma_wait3A_318 = tpu.memref_slice %arg11[%dma_wait3A_315, %dma_wait3A_316, %dma_wait3A_317] : memref<2x128x64xf32, #tpu.memory_space<vmem>> -> memref<1x128x64xf32, #tpu.memory_space<vmem>>
          %dma_wait3A_319 = tpu.memref_squeeze %dma_wait3A_318 : memref<1x128x64xf32, #tpu.memory_space<vmem>> -> memref<128x64xf32, #tpu.memory_space<vmem>>
          %dma_wait3A_320 = arith.constant 0 : i32
          %dma_wait3A_321 = tpu.memref_slice %arg8[%dma_wait3A_314, %add3A_313, %dma_wait3A_320] : memref<2x40x128xi32, #tpu.memory_space<vmem>> -> memref<1x1x128xi32, #tpu.memory_space<vmem>>
          %dma_wait3A_322 = tpu.memref_squeeze %dma_wait3A_321 : memref<1x1x128xi32, #tpu.memory_space<vmem>> -> memref<128xi32, #tpu.memory_space<vmem>>
          %dma_wait3A_323 = arith.constant 0 : i32
          %dma_wait3A_324 = arith.constant 0 : i32
          %dma_wait3A_325 = tpu.memref_slice %arg12[%dma_wait3A_323, %dma_wait3A_324] : memref<10000x64xf32, #tpu.memory_space<vmem_shared>> -> memref<10000x64xf32, #tpu.memory_space<vmem_shared>>
          tpu.wait_indirect_dma semaphore(%arg19 : memref<!tpu.dma_semaphore, #tpu.memory_space<semaphore_mem>>) src(%dma_wait3A_325 : memref<10000x64xf32, #tpu.memory_space<vmem_shared>>) dst(%dma_wait3A_319 : memref<128x64xf32, #tpu.memory_space<vmem>>)
          %add3A_326 = arith.constant 1 : i32
          %add3A_327 = arith.addi %add3A_313, %add3A_326 : i32
          %lt3A_328 = arith.constant 40 : i32
          %lt3A_329 = arith.cmpi slt, %add3A_327, %lt3A_328 : i32
          %convert_element_type3A_330 = arith.extui %lt3A_329 : i1 to i32
          %cond3A_331 = arith.constant 0 : i32
          %cond3A_332 = arith.cmpi ne, %convert_element_type3A_330, %cond3A_331 : i32
          scf.if %cond3A_332 {
            %add3A_347 = arith.constant 1 : i32
            %add3A_348 = arith.addi %add3A_313, %add3A_347 : i32
            %dma_start3A_349 = arith.constant 1 : i32
            %dma_start3A_350 = arith.constant 0 : i32
            %dma_start3A_351 = arith.constant 0 : i32
            %dma_start3A_352 = arith.constant 0 : i32
            %dma_start3A_353 = tpu.memref_slice %arg11[%dma_start3A_350, %dma_start3A_351, %dma_start3A_352] : memref<2x128x64xf32, #tpu.memory_space<vmem>> -> memref<1x128x64xf32, #tpu.memory_space<vmem>>
            %dma_start3A_354 = tpu.memref_squeeze %dma_start3A_353 : memref<1x128x64xf32, #tpu.memory_space<vmem>> -> memref<128x64xf32, #tpu.memory_space<vmem>>
            %dma_start3A_355 = arith.constant 0 : i32
            %dma_start3A_356 = tpu.memref_slice %arg8[%dma_start3A_349, %add3A_348, %dma_start3A_355] : memref<2x40x128xi32, #tpu.memory_space<vmem>> -> memref<1x1x128xi32, #tpu.memory_space<vmem>>
            %dma_start3A_357 = tpu.memref_squeeze %dma_start3A_356 : memref<1x1x128xi32, #tpu.memory_space<vmem>> -> memref<128xi32, #tpu.memory_space<vmem>>
            %dma_start3A_358 = arith.constant 0 : i32
            %dma_start3A_359 = arith.constant 0 : i32
            %dma_start3A_360 = tpu.memref_slice %arg12[%dma_start3A_358, %dma_start3A_359] : memref<10000x64xf32, #tpu.memory_space<vmem_shared>> -> memref<10000x64xf32, #tpu.memory_space<vmem_shared>>
            tpu.enqueue_indirect_dma source(%dma_start3A_360 : memref<10000x64xf32, #tpu.memory_space<vmem_shared>>) target(%dma_start3A_354 : memref<128x64xf32, #tpu.memory_space<vmem>>) offsets(%dma_start3A_357 : memref<128xi32, #tpu.memory_space<vmem>>) semaphore(%arg18 : memref<!tpu.dma_semaphore, #tpu.memory_space<semaphore_mem>>)
          } else {
          }
          %add3A_333 = arith.constant 1 : i32
          %add3A_334 = arith.addi %add3A_313, %add3A_333 : i32
          %eq3A_335 = arith.constant 40 : i32
          %eq3A_336 = arith.cmpi eq, %add3A_334, %eq3A_335 : i32
          %convert_element_type3A_337 = arith.extui %eq3A_336 : i1 to i32
          %cond3A_338 = arith.constant 0 : i32
          %cond3A_339 = arith.cmpi ne, %convert_element_type3A_337, %cond3A_338 : i32
          scf.if %cond3A_339 {
            %add3A_347 = arith.constant 1 : i32
            %add3A_348 = arith.addi %add3A_224, %add3A_347 : i32
            %lt3A_349 = arith.constant 4 : i32
            %lt3A_350 = arith.cmpi slt, %add3A_348, %lt3A_349 : i32
            %convert_element_type3A_351 = arith.extui %lt3A_350 : i1 to i32
            %cond3A_352 = arith.constant 0 : i32
            %cond3A_353 = arith.cmpi ne, %convert_element_type3A_351, %cond3A_352 : i32
            scf.if %cond3A_353 {
              %add3A_354 = arith.constant 1 : i32
              %add3A_355 = arith.addi %add3A_224, %add3A_354 : i32
              %mul3A_356 = arith.constant 40 : i32
              %mul3A_357 = arith.muli %add3A_355, %mul3A_356 : i32
              %dma_wait3A_358 = arith.constant 0 : i32
              %dma_wait3A_359 = arith.constant 0 : i32
              %dma_wait3A_360 = arith.constant 0 : i32
              %dma_wait3A_361 = tpu.memref_slice %arg8[%dma_wait3A_358, %dma_wait3A_359, %dma_wait3A_360] : memref<2x40x128xi32, #tpu.memory_space<vmem>> -> memref<1x40x128xi32, #tpu.memory_space<vmem>>
              %dma_wait3A_362 = tpu.memref_squeeze %dma_wait3A_361 : memref<1x40x128xi32, #tpu.memory_space<vmem>> -> memref<40x128xi32, #tpu.memory_space<vmem>>
              %dma_wait3A_363 = arith.constant 0 : i32
              %dma_wait3A_364 = tpu.memref_slice %arg3[%arg1, %mul3A_357, %dma_wait3A_363] : memref<16x160x128xi32, #tpu.memory_space<hbm>> -> memref<1x40x128xi32, #tpu.memory_space<hbm>>
              %dma_wait3A_365 = tpu.memref_squeeze %dma_wait3A_364 : memref<1x40x128xi32, #tpu.memory_space<hbm>> -> memref<40x128xi32, #tpu.memory_space<hbm>>
              %dma_wait3A_366 = arith.constant 0 : i32
              %dma_wait3A_367 = arith.constant 0 : i32
              %dma_wait3A_368 = tpu.memref_slice %arg8[%dma_wait3A_358, %dma_wait3A_366, %dma_wait3A_367] : memref<2x40x128xi32, #tpu.memory_space<vmem>> -> memref<1x40x128xi32, #tpu.memory_space<vmem>>
              %dma_wait3A_369 = tpu.memref_squeeze %dma_wait3A_368 : memref<1x40x128xi32, #tpu.memory_space<vmem>> -> memref<40x128xi32, #tpu.memory_space<vmem>>
              %dma_wait3A_370 = arith.constant 0 : i32
              %dma_wait3A_371 = tpu.memref_slice %arg3[%arg1, %mul3A_357, %dma_wait3A_370] : memref<16x160x128xi32, #tpu.memory_space<hbm>> -> memref<1x40x128xi32, #tpu.memory_space<hbm>>
              %dma_wait3A_372 = tpu.memref_squeeze %dma_wait3A_371 : memref<1x40x128xi32, #tpu.memory_space<hbm>> -> memref<40x128xi32, #tpu.memory_space<hbm>>
              tpu.wait_dma2 semaphore(%arg14 : memref<!tpu.dma_semaphore, #tpu.memory_space<semaphore_mem>>) src(%dma_wait3A_372 : memref<40x128xi32, #tpu.memory_space<hbm>>) dst(%dma_wait3A_369 : memref<40x128xi32, #tpu.memory_space<vmem>>)
              %dma_start3A_373 = arith.constant 0 : i32
              %dma_start3A_374 = arith.constant 0 : i32
              %dma_start3A_375 = arith.constant 0 : i32
              %dma_start3A_376 = arith.constant 0 : i32
              %dma_start3A_377 = arith.constant 0 : i32
              %dma_start3A_378 = tpu.memref_slice %arg11[%dma_start3A_375, %dma_start3A_376, %dma_start3A_377] : memref<2x128x64xf32, #tpu.memory_space<vmem>> -> memref<1x128x64xf32, #tpu.memory_space<vmem>>
              %dma_start3A_379 = tpu.memref_squeeze %dma_start3A_378 : memref<1x128x64xf32, #tpu.memory_space<vmem>> -> memref<128x64xf32, #tpu.memory_space<vmem>>
              %dma_start3A_380 = arith.constant 0 : i32
              %dma_start3A_381 = tpu.memref_slice %arg8[%dma_start3A_373, %dma_start3A_374, %dma_start3A_380] : memref<2x40x128xi32, #tpu.memory_space<vmem>> -> memref<1x1x128xi32, #tpu.memory_space<vmem>>
              %dma_start3A_382 = tpu.memref_squeeze %dma_start3A_381 : memref<1x1x128xi32, #tpu.memory_space<vmem>> -> memref<128xi32, #tpu.memory_space<vmem>>
              %dma_start3A_383 = arith.constant 0 : i32
              %dma_start3A_384 = arith.constant 0 : i32
              %dma_start3A_385 = tpu.memref_slice %arg12[%dma_start3A_383, %dma_start3A_384] : memref<10000x64xf32, #tpu.memory_space<vmem_shared>> -> memref<10000x64xf32, #tpu.memory_space<vmem_shared>>
              tpu.enqueue_indirect_dma source(%dma_start3A_385 : memref<10000x64xf32, #tpu.memory_space<vmem_shared>>) target(%dma_start3A_379 : memref<128x64xf32, #tpu.memory_space<vmem>>) offsets(%dma_start3A_382 : memref<128xi32, #tpu.memory_space<vmem>>) semaphore(%arg18 : memref<!tpu.dma_semaphore, #tpu.memory_space<semaphore_mem>>)
            } else {
            }
          } else {
          }
          %scan3A_340 = arith.constant 0 : i32
          %scan3A_341 = arith.constant 128 : i32
          %scan3A_342 = arith.addi %scan3A_340, %scan3A_341 : i32
          %scan3A_343 = arith.constant 1 : i32
          scf.for %scan3A_347 = %scan3A_340 to %scan3A_342 step %scan3A_343  : i32 {
            %mul3A_348 = arith.constant 1 : i32
            %mul3A_349 = arith.muli %scan3A_347, %mul3A_348 : i32
            %add3A_350 = arith.constant 0 : i32
            %add3A_351 = arith.addi %add3A_350, %mul3A_349 : i32
            %broadcast_in_dim3A = arith.constant 1 : i32
            %broadcast_in_dim3A_352 = vector.broadcast %broadcast_in_dim3A : i32 to vector<16xi32>
            %broadcast_in_dim3A_353 = vector.broadcast %add3A_313 : i32 to vector<16xi32>
            %broadcast_in_dim3A_354 = vector.broadcast %add3A_351 : i32 to vector<16xi32>
            %gather3A = tpu.vector_load_idx %arg10[%broadcast_in_dim3A_352, %broadcast_in_dim3A_353, %broadcast_in_dim3A_354] : memref<2x40x128xf32, #tpu.memory_space<vmem>>[vector<16xi32>, vector<16xi32>, vector<16xi32>], vector<16xf32>,
            %get3A = arith.constant 1 : i32
            %get3A_355 = arith.index_cast %get3A : i32 to index
            %get3A_356 = arith.index_cast %add3A_351 : i32 to index
            %get3A_357 = arith.constant 0 : index
            %get3A_358 = tpu.vector_load %arg11[%get3A_355, %get3A_356, %get3A_357] {strides = array<i32>} : memref<2x128x64xf32, #tpu.memory_space<vmem>>, vector<16xf32>,
            %mul3A_359 = arith.mulf %get3A_358, %gather3A : vector<16xf32>
            %swap3A = arith.constant 1 : i32
            %swap3A_360 = arith.index_cast %swap3A : i32 to index
            %swap3A_361 = arith.index_cast %add3A_351 : i32 to index
            %swap3A_362 = arith.constant 0 : index
            %swap3A_363 = tpu.vector_load %arg11[%swap3A_360, %swap3A_361, %swap3A_362] {strides = array<i32>} : memref<2x128x64xf32, #tpu.memory_space<vmem>>, vector<16xf32>,
            tpu.vector_store %arg11[%swap3A_360, %swap3A_361, %swap3A_362], %mul3A_359 {strides = array<i32>} : memref<2x128x64xf32, #tpu.memory_space<vmem>>, vector<16xf32>,
            %get3A_364 = arith.constant 1 : i32
            %get3A_365 = arith.index_cast %get3A_364 : i32 to index
            %get3A_366 = arith.index_cast %add3A_351 : i32 to index
            %get3A_367 = arith.constant 16 : index
            %get3A_368 = tpu.vector_load %arg11[%get3A_365, %get3A_366, %get3A_367] {strides = array<i32>} : memref<2x128x64xf32, #tpu.memory_space<vmem>>, vector<16xf32>,
            %mul3A_369 = arith.mulf %get3A_368, %gather3A : vector<16xf32>
            %swap3A_370 = arith.constant 1 : i32
            %swap3A_371 = arith.index_cast %swap3A_370 : i32 to index
            %swap3A_372 = arith.index_cast %add3A_351 : i32 to index
            %swap3A_373 = arith.constant 16 : index
            %swap3A_374 = tpu.vector_load %arg11[%swap3A_371, %swap3A_372, %swap3A_373] {strides = array<i32>} : memref<2x128x64xf32, #tpu.memory_space<vmem>>, vector<16xf32>,
            tpu.vector_store %arg11[%swap3A_371, %swap3A_372, %swap3A_373], %mul3A_369 {strides = array<i32>} : memref<2x128x64xf32, #tpu.memory_space<vmem>>, vector<16xf32>,
            %get3A_375 = arith.constant 1 : i32
            %get3A_376 = arith.index_cast %get3A_375 : i32 to index
            %get3A_377 = arith.index_cast %add3A_351 : i32 to index
            %get3A_378 = arith.constant 32 : index
            %get3A_379 = tpu.vector_load %arg11[%get3A_376, %get3A_377, %get3A_378] {strides = array<i32>} : memref<2x128x64xf32, #tpu.memory_space<vmem>>, vector<16xf32>,
            %mul3A_380 = arith.mulf %get3A_379, %gather3A : vector<16xf32>
            %swap3A_381 = arith.constant 1 : i32
            %swap3A_382 = arith.index_cast %swap3A_381 : i32 to index
            %swap3A_383 = arith.index_cast %add3A_351 : i32 to index
            %swap3A_384 = arith.constant 32 : index
            %swap3A_385 = tpu.vector_load %arg11[%swap3A_382, %swap3A_383, %swap3A_384] {strides = array<i32>} : memref<2x128x64xf32, #tpu.memory_space<vmem>>, vector<16xf32>,
            tpu.vector_store %arg11[%swap3A_382, %swap3A_383, %swap3A_384], %mul3A_380 {strides = array<i32>} : memref<2x128x64xf32, #tpu.memory_space<vmem>>, vector<16xf32>,
            %get3A_386 = arith.constant 1 : i32
            %get3A_387 = arith.index_cast %get3A_386 : i32 to index
            %get3A_388 = arith.index_cast %add3A_351 : i32 to index
            %get3A_389 = arith.constant 48 : index
            %get3A_390 = tpu.vector_load %arg11[%get3A_387, %get3A_388, %get3A_389] {strides = array<i32>} : memref<2x128x64xf32, #tpu.memory_space<vmem>>, vector<16xf32>,
            %mul3A_391 = arith.mulf %get3A_390, %gather3A : vector<16xf32>
            %swap3A_392 = arith.constant 1 : i32
            %swap3A_393 = arith.index_cast %swap3A_392 : i32 to index
            %swap3A_394 = arith.index_cast %add3A_351 : i32 to index
            %swap3A_395 = arith.constant 48 : index
            %swap3A_396 = tpu.vector_load %arg11[%swap3A_393, %swap3A_394, %swap3A_395] {strides = array<i32>} : memref<2x128x64xf32, #tpu.memory_space<vmem>>, vector<16xf32>,
            tpu.vector_store %arg11[%swap3A_393, %swap3A_394, %swap3A_395], %mul3A_391 {strides = array<i32>} : memref<2x128x64xf32, #tpu.memory_space<vmem>>, vector<16xf32>,
          }
          %scan3A_344 = arith.constant 128 : i32
          %run_scoped3A_345 = arith.constant 1 : i32
          %run_scoped3A_346 = arith.constant 1 : i32
          "tpu.region"() ({
            %run_scoped3A_347 = tpu.sem_alloc : memref<!tpu.dma_semaphore, #tpu.memory_space<semaphore_mem>>
            %dma_start3A_348 = arith.constant 0 : i32
            %dma_start3A_349 = arith.constant 0 : i32
            %dma_start3A_350 = tpu.memref_slice %arg11[%run_scoped3A_345, %dma_start3A_348, %dma_start3A_349] : memref<2x128x64xf32, #tpu.memory_space<vmem>> -> memref<1x128x64xf32, #tpu.memory_space<vmem>>
            %dma_start3A_351 = tpu.memref_squeeze %dma_start3A_350 : memref<1x128x64xf32, #tpu.memory_space<vmem>> -> memref<128x64xf32, #tpu.memory_space<vmem>>
            %dma_start3A_352 = arith.constant 0 : i32
            %dma_start3A_353 = tpu.memref_slice %arg9[%run_scoped3A_346, %add3A_313, %dma_start3A_352] : memref<2x40x128xi32, #tpu.memory_space<vmem>> -> memref<1x1x128xi32, #tpu.memory_space<vmem>>
            %dma_start3A_354 = tpu.memref_squeeze %dma_start3A_353 : memref<1x1x128xi32, #tpu.memory_space<vmem>> -> memref<128xi32, #tpu.memory_space<vmem>>
            %dma_start3A_355 = arith.constant 0 : i32
            %dma_start3A_356 = arith.constant 0 : i32
            %dma_start3A_357 = tpu.memref_slice %arg13[%dma_start3A_355, %dma_start3A_356] : memref<10000x64xf32, #tpu.memory_space<vmem_shared>> -> memref<10000x64xf32, #tpu.memory_space<vmem_shared>>
            tpu.enqueue_indirect_dma source(%dma_start3A_351 : memref<128x64xf32, #tpu.memory_space<vmem>>) target(%dma_start3A_357 : memref<10000x64xf32, #tpu.memory_space<vmem_shared>>) offsets(%dma_start3A_354 : memref<128xi32, #tpu.memory_space<vmem>>) semaphore(%run_scoped3A_347 : memref<!tpu.dma_semaphore, #tpu.memory_space<semaphore_mem>>) {add = true}
            %dma_wait3A_358 = arith.constant 0 : i32
            %dma_wait3A_359 = arith.constant 0 : i32
            %dma_wait3A_360 = tpu.memref_slice %arg11[%run_scoped3A_345, %dma_wait3A_358, %dma_wait3A_359] : memref<2x128x64xf32, #tpu.memory_space<vmem>> -> memref<1x128x64xf32, #tpu.memory_space<vmem>>
            %dma_wait3A_361 = tpu.memref_squeeze %dma_wait3A_360 : memref<1x128x64xf32, #tpu.memory_space<vmem>> -> memref<128x64xf32, #tpu.memory_space<vmem>>
            %dma_wait3A_362 = arith.constant 0 : i32
            %dma_wait3A_363 = tpu.memref_slice %arg9[%run_scoped3A_346, %add3A_313, %dma_wait3A_362] : memref<2x40x128xi32, #tpu.memory_space<vmem>> -> memref<1x1x128xi32, #tpu.memory_space<vmem>>
            %dma_wait3A_364 = tpu.memref_squeeze %dma_wait3A_363 : memref<1x1x128xi32, #tpu.memory_space<vmem>> -> memref<128xi32, #tpu.memory_space<vmem>>
            %dma_wait3A_365 = arith.constant 0 : i32
            %dma_wait3A_366 = arith.constant 0 : i32
            %dma_wait3A_367 = tpu.memref_slice %arg13[%dma_wait3A_365, %dma_wait3A_366] : memref<10000x64xf32, #tpu.memory_space<vmem_shared>> -> memref<10000x64xf32, #tpu.memory_space<vmem_shared>>
            tpu.wait_indirect_dma semaphore(%run_scoped3A_347 : memref<!tpu.dma_semaphore, #tpu.memory_space<semaphore_mem>>) src(%dma_wait3A_361 : memref<128x64xf32, #tpu.memory_space<vmem>>) dst(%dma_wait3A_367 : memref<10000x64xf32, #tpu.memory_space<vmem_shared>>)
            tpu.yield
          }) : () -> ()
        }
        %scan3A_263 = arith.constant 20 : i32
        %add3A_264 = arith.constant 2 : i32
        %add3A_265 = arith.addi %add3A_224, %add3A_264 : i32
        %lt3A_266 = arith.constant 4 : i32
        %lt3A_267 = arith.cmpi slt, %add3A_265, %lt3A_266 : i32
        %convert_element_type3A_268 = arith.extui %lt3A_267 : i1 to i32
        %cond3A_269 = arith.constant 0 : i32
        %cond3A_270 = arith.cmpi ne, %convert_element_type3A_268, %cond3A_269 : i32
        scf.if %cond3A_270 {
          %add3A_271 = arith.constant 2 : i32
          %add3A_272 = arith.addi %add3A_224, %add3A_271 : i32
          %mul3A_273 = arith.constant 40 : i32
          %mul3A_274 = arith.muli %add3A_272, %mul3A_273 : i32
          %dma_start3A_275 = arith.constant 1 : i32
          %dma_start3A_276 = arith.constant 0 : i32
          %dma_start3A_277 = arith.constant 0 : i32
          %dma_start3A_278 = tpu.memref_slice %arg8[%dma_start3A_275, %dma_start3A_276, %dma_start3A_277] : memref<2x40x128xi32, #tpu.memory_space<vmem>> -> memref<1x40x128xi32, #tpu.memory_space<vmem>>
          %dma_start3A_279 = tpu.memref_squeeze %dma_start3A_278 : memref<1x40x128xi32, #tpu.memory_space<vmem>> -> memref<40x128xi32, #tpu.memory_space<vmem>>
          %dma_start3A_280 = arith.constant 0 : i32
          %dma_start3A_281 = tpu.memref_slice %arg3[%arg1, %mul3A_274, %dma_start3A_280] : memref<16x160x128xi32, #tpu.memory_space<hbm>> -> memref<1x40x128xi32, #tpu.memory_space<hbm>>
          %dma_start3A_282 = tpu.memref_squeeze %dma_start3A_281 : memref<1x40x128xi32, #tpu.memory_space<hbm>> -> memref<40x128xi32, #tpu.memory_space<hbm>>
          %dma_start3A_283 = arith.constant 0 : i32
          %dma_start3A_284 = arith.constant 0 : i32
          %dma_start3A_285 = tpu.memref_slice %arg8[%dma_start3A_275, %dma_start3A_283, %dma_start3A_284] : memref<2x40x128xi32, #tpu.memory_space<vmem>> -> memref<1x40x128xi32, #tpu.memory_space<vmem>>
          %dma_start3A_286 = tpu.memref_squeeze %dma_start3A_285 : memref<1x40x128xi32, #tpu.memory_space<vmem>> -> memref<40x128xi32, #tpu.memory_space<vmem>>
          %dma_start3A_287 = arith.constant 0 : i32
          %dma_start3A_288 = tpu.memref_slice %arg3[%arg1, %mul3A_274, %dma_start3A_287] : memref<16x160x128xi32, #tpu.memory_space<hbm>> -> memref<1x40x128xi32, #tpu.memory_space<hbm>>
          %dma_start3A_289 = tpu.memref_squeeze %dma_start3A_288 : memref<1x40x128xi32, #tpu.memory_space<hbm>> -> memref<40x128xi32, #tpu.memory_space<hbm>>
          tpu.enqueue_dma source(%dma_start3A_289 : memref<40x128xi32, #tpu.memory_space<hbm>>) target(%dma_start3A_286 : memref<40x128xi32, #tpu.memory_space<vmem>>) target_semaphore(%arg15 : memref<!tpu.dma_semaphore, #tpu.memory_space<semaphore_mem>>)
          %mul3A_290 = arith.constant 40 : i32
          %mul3A_291 = arith.muli %add3A_272, %mul3A_290 : i32
          %dma_start3A_292 = arith.constant 1 : i32
          %dma_start3A_293 = arith.constant 0 : i32
          %dma_start3A_294 = arith.constant 0 : i32
          %dma_start3A_295 = tpu.memref_slice %arg9[%dma_start3A_292, %dma_start3A_293, %dma_start3A_294] : memref<2x40x128xi32, #tpu.memory_space<vmem>> -> memref<1x40x128xi32, #tpu.memory_space<vmem>>
          %dma_start3A_296 = tpu.memref_squeeze %dma_start3A_295 : memref<1x40x128xi32, #tpu.memory_space<vmem>> -> memref<40x128xi32, #tpu.memory_space<vmem>>
          %dma_start3A_297 = arith.constant 0 : i32
          %dma_start3A_298 = tpu.memref_slice %arg4[%arg1, %mul3A_291, %dma_start3A_297] : memref<16x160x128xi32, #tpu.memory_space<hbm>> -> memref<1x40x128xi32, #tpu.memory_space<hbm>>
          %dma_start3A_299 = tpu.memref_squeeze %dma_start3A_298 : memref<1x40x128xi32, #tpu.memory_space<hbm>> -> memref<40x128xi32, #tpu.memory_space<hbm>>
          %dma_start3A_300 = arith.constant 0 : i32
          %dma_start3A_301 = arith.constant 0 : i32
          %dma_start3A_302 = tpu.memref_slice %arg9[%dma_start3A_292, %dma_start3A_300, %dma_start3A_301] : memref<2x40x128xi32, #tpu.memory_space<vmem>> -> memref<1x40x128xi32, #tpu.memory_space<vmem>>
          %dma_start3A_303 = tpu.memref_squeeze %dma_start3A_302 : memref<1x40x128xi32, #tpu.memory_space<vmem>> -> memref<40x128xi32, #tpu.memory_space<vmem>>
          %dma_start3A_304 = arith.constant 0 : i32
          %dma_start3A_305 = tpu.memref_slice %arg4[%arg1, %mul3A_291, %dma_start3A_304] : memref<16x160x128xi32, #tpu.memory_space<hbm>> -> memref<1x40x128xi32, #tpu.memory_space<hbm>>
          %dma_start3A_306 = tpu.memref_squeeze %dma_start3A_305 : memref<1x40x128xi32, #tpu.memory_space<hbm>> -> memref<40x128xi32, #tpu.memory_space<hbm>>
          tpu.enqueue_dma source(%dma_start3A_306 : memref<40x128xi32, #tpu.memory_space<hbm>>) target(%dma_start3A_303 : memref<40x128xi32, #tpu.memory_space<vmem>>) target_semaphore(%arg17 : memref<!tpu.dma_semaphore, #tpu.memory_space<semaphore_mem>>)
          %mul3A_307 = arith.constant 40 : i32
          %mul3A_308 = arith.muli %add3A_272, %mul3A_307 : i32
          %dma_start3A_309 = arith.constant 1 : i32
          %dma_start3A_310 = arith.constant 0 : i32
          %dma_start3A_311 = arith.constant 0 : i32
          %dma_start3A_312 = tpu.memref_slice %arg10[%dma_start3A_309, %dma_start3A_310, %dma_start3A_311] : memref<2x40x128xf32, #tpu.memory_space<vmem>> -> memref<1x40x128xf32, #tpu.memory_space<vmem>>
          %dma_start3A_313 = tpu.memref_squeeze %dma_start3A_312 : memref<1x40x128xf32, #tpu.memory_space<vmem>> -> memref<40x128xf32, #tpu.memory_space<vmem>>
          %dma_start3A_314 = arith.constant 0 : i32
          %dma_start3A_315 = tpu.memref_slice %arg5[%arg1, %mul3A_308, %dma_start3A_314] : memref<16x160x128xf32, #tpu.memory_space<hbm>> -> memref<1x40x128xf32, #tpu.memory_space<hbm>>
          %dma_start3A_316 = tpu.memref_squeeze %dma_start3A_315 : memref<1x40x128xf32, #tpu.memory_space<hbm>> -> memref<40x128xf32, #tpu.memory_space<hbm>>
          %dma_start3A_317 = arith.constant 0 : i32
          %dma_start3A_318 = arith.constant 0 : i32
          %dma_start3A_319 = tpu.memref_slice %arg10[%dma_start3A_309, %dma_start3A_317, %dma_start3A_318] : memref<2x40x128xf32, #tpu.memory_space<vmem>> -> memref<1x40x128xf32, #tpu.memory_space<vmem>>
          %dma_start3A_320 = tpu.memref_squeeze %dma_start3A_319 : memref<1x40x128xf32, #tpu.memory_space<vmem>> -> memref<40x128xf32, #tpu.memory_space<vmem>>
          %dma_start3A_321 = arith.constant 0 : i32
          %dma_start3A_322 = tpu.memref_slice %arg5[%arg1, %mul3A_308, %dma_start3A_321] : memref<16x160x128xf32, #tpu.memory_space<hbm>> -> memref<1x40x128xf32, #tpu.memory_space<hbm>>
          %dma_start3A_323 = tpu.memref_squeeze %dma_start3A_322 : memref<1x40x128xf32, #tpu.memory_space<hbm>> -> memref<40x128xf32, #tpu.memory_space<hbm>>
          tpu.enqueue_dma source(%dma_start3A_323 : memref<40x128xf32, #tpu.memory_space<hbm>>) target(%dma_start3A_320 : memref<40x128xf32, #tpu.memory_space<vmem>>) target_semaphore(%arg17 : memref<!tpu.dma_semaphore, #tpu.memory_space<semaphore_mem>>)
        } else {
        }
      }
      %scan3A_156 = arith.constant 2 : i32
      %barrier3A_157 = arith.constant 0 : index
      tpu.barrier barrier_id(%barrier3A_157)
      %scan3A_158 = arith.constant 0 : i32
      %scan3A_159 = arith.constant 6 : i32
      %scan3A_160 = arith.addi %scan3A_158, %scan3A_159 : i32
      %scan3A_161 = arith.constant 1 : i32
      scf.for %scan3A_169 = %scan3A_158 to %scan3A_160 step %scan3A_161  : i32 {
        %mul3A_170 = arith.constant 1 : i32
        %mul3A_171 = arith.muli %scan3A_169, %mul3A_170 : i32
        %add3A_172 = arith.constant 0 : i32
        %add3A_173 = arith.addi %add3A_172, %mul3A_171 : i32
        %mul3A_174 = arith.constant 104 : i32
        %mul3A_175 = arith.muli %add3A_173, %mul3A_174 : i32
        %add3A_176 = arith.addi %mul3A_0, %mul3A_175 : i32
        %run_scoped3A = arith.constant 0 : i32
        "tpu.region"() ({
          %run_scoped3A_187 = tpu.sem_alloc : memref<!tpu.dma_semaphore, #tpu.memory_space<semaphore_mem>>
          %dma_start3A_188 = arith.constant 0 : i32
          %dma_start3A_189 = arith.constant 0 : i32
          %dma_start3A_190 = tpu.memref_slice %arg11[%run_scoped3A, %dma_start3A_188, %dma_start3A_189] : memref<2x128x64xf32, #tpu.memory_space<vmem>> -> memref<1x104x64xf32, #tpu.memory_space<vmem>>
          %dma_start3A_191 = tpu.memref_squeeze %dma_start3A_190 : memref<1x104x64xf32, #tpu.memory_space<vmem>> -> memref<104x64xf32, #tpu.memory_space<vmem>>
          %dma_start3A_192 = arith.constant 0 : i32
          %dma_start3A_193 = tpu.memref_slice %arg13[%add3A_176, %dma_start3A_192] : memref<10000x64xf32, #tpu.memory_space<vmem_shared>> -> memref<104x64xf32, #tpu.memory_space<vmem_shared>>
          %dma_start3A_194 = arith.constant 0 : i32
          %dma_start3A_195 = arith.constant 0 : i32
          %dma_start3A_196 = tpu.memref_slice %arg11[%run_scoped3A, %dma_start3A_194, %dma_start3A_195] : memref<2x128x64xf32, #tpu.memory_space<vmem>> -> memref<1x104x64xf32, #tpu.memory_space<vmem>>
          %dma_start3A_197 = tpu.memref_squeeze %dma_start3A_196 : memref<1x104x64xf32, #tpu.memory_space<vmem>> -> memref<104x64xf32, #tpu.memory_space<vmem>>
          %dma_start3A_198 = arith.constant 0 : i32
          %dma_start3A_199 = tpu.memref_slice %arg13[%add3A_176, %dma_start3A_198] : memref<10000x64xf32, #tpu.memory_space<vmem_shared>> -> memref<104x64xf32, #tpu.memory_space<vmem_shared>>
          tpu.enqueue_dma source(%dma_start3A_199 : memref<104x64xf32, #tpu.memory_space<vmem_shared>>) target(%dma_start3A_197 : memref<104x64xf32, #tpu.memory_space<vmem>>) target_semaphore(%run_scoped3A_187 : memref<!tpu.dma_semaphore, #tpu.memory_space<semaphore_mem>>)
          %dma_wait3A_200 = arith.constant 0 : i32
          %dma_wait3A_201 = arith.constant 0 : i32
          %dma_wait3A_202 = tpu.memref_slice %arg11[%run_scoped3A, %dma_wait3A_200, %dma_wait3A_201] : memref<2x128x64xf32, #tpu.memory_space<vmem>> -> memref<1x104x64xf32, #tpu.memory_space<vmem>>
          %dma_wait3A_203 = tpu.memref_squeeze %dma_wait3A_202 : memref<1x104x64xf32, #tpu.memory_space<vmem>> -> memref<104x64xf32, #tpu.memory_space<vmem>>
          %dma_wait3A_204 = arith.constant 0 : i32
          %dma_wait3A_205 = tpu.memref_slice %arg13[%add3A_176, %dma_wait3A_204] : memref<10000x64xf32, #tpu.memory_space<vmem_shared>> -> memref<104x64xf32, #tpu.memory_space<vmem_shared>>
          %dma_wait3A_206 = arith.constant 0 : i32
          %dma_wait3A_207 = arith.constant 0 : i32
          %dma_wait3A_208 = tpu.memref_slice %arg11[%run_scoped3A, %dma_wait3A_206, %dma_wait3A_207] : memref<2x128x64xf32, #tpu.memory_space<vmem>> -> memref<1x104x64xf32, #tpu.memory_space<vmem>>
          %dma_wait3A_209 = tpu.memref_squeeze %dma_wait3A_208 : memref<1x104x64xf32, #tpu.memory_space<vmem>> -> memref<104x64xf32, #tpu.memory_space<vmem>>
          %dma_wait3A_210 = arith.constant 0 : i32
          %dma_wait3A_211 = tpu.memref_slice %arg13[%add3A_176, %dma_wait3A_210] : memref<10000x64xf32, #tpu.memory_space<vmem_shared>> -> memref<104x64xf32, #tpu.memory_space<vmem_shared>>
          tpu.wait_dma2 semaphore(%run_scoped3A_187 : memref<!tpu.dma_semaphore, #tpu.memory_space<semaphore_mem>>) src(%dma_wait3A_211 : memref<104x64xf32, #tpu.memory_space<vmem_shared>>) dst(%dma_wait3A_209 : memref<104x64xf32, #tpu.memory_space<vmem>>)
          tpu.yield
        }) : () -> ()
        %mul3A_177 = arith.constant 10000 : i32
        %mul3A_178 = arith.muli %arg0, %mul3A_177 : i32
        %add3A_179 = arith.addi %mul3A_178, %add3A_176 : i32
        %run_scoped3A_180 = arith.constant 1 : i32
        "tpu.region"() ({
          %run_scoped3A_187 = tpu.sem_alloc : memref<!tpu.dma_semaphore, #tpu.memory_space<semaphore_mem>>
          %dma_start3A_188 = arith.constant 0 : i32
          %dma_start3A_189 = arith.constant 0 : i32
          %dma_start3A_190 = tpu.memref_slice %arg11[%run_scoped3A_180, %dma_start3A_188, %dma_start3A_189] : memref<2x128x64xf32, #tpu.memory_space<vmem>> -> memref<1x104x64xf32, #tpu.memory_space<vmem>>
          %dma_start3A_191 = tpu.memref_squeeze %dma_start3A_190 : memref<1x104x64xf32, #tpu.memory_space<vmem>> -> memref<104x64xf32, #tpu.memory_space<vmem>>
          %dma_start3A_192 = arith.constant 0 : i32
          %dma_start3A_193 = tpu.memref_slice %arg2[%add3A_179, %dma_start3A_192] : memref<20000x64xf32, #tpu.memory_space<hbm>> -> memref<104x64xf32, #tpu.memory_space<hbm>>
          %dma_start3A_194 = arith.constant 0 : i32
          %dma_start3A_195 = arith.constant 0 : i32
          %dma_start3A_196 = tpu.memref_slice %arg11[%run_scoped3A_180, %dma_start3A_194, %dma_start3A_195] : memref<2x128x64xf32, #tpu.memory_space<vmem>> -> memref<1x104x64xf32, #tpu.memory_space<vmem>>
          %dma_start3A_197 = tpu.memref_squeeze %dma_start3A_196 : memref<1x104x64xf32, #tpu.memory_space<vmem>> -> memref<104x64xf32, #tpu.memory_space<vmem>>
          %dma_start3A_198 = arith.constant 0 : i32
          %dma_start3A_199 = tpu.memref_slice %arg2[%add3A_179, %dma_start3A_198] : memref<20000x64xf32, #tpu.memory_space<hbm>> -> memref<104x64xf32, #tpu.memory_space<hbm>>
          tpu.enqueue_dma source(%dma_start3A_199 : memref<104x64xf32, #tpu.memory_space<hbm>>) target(%dma_start3A_197 : memref<104x64xf32, #tpu.memory_space<vmem>>) target_semaphore(%run_scoped3A_187 : memref<!tpu.dma_semaphore, #tpu.memory_space<semaphore_mem>>)
          %dma_wait3A_200 = arith.constant 0 : i32
          %dma_wait3A_201 = arith.constant 0 : i32
          %dma_wait3A_202 = tpu.memref_slice %arg11[%run_scoped3A_180, %dma_wait3A_200, %dma_wait3A_201] : memref<2x128x64xf32, #tpu.memory_space<vmem>> -> memref<1x104x64xf32, #tpu.memory_space<vmem>>
          %dma_wait3A_203 = tpu.memref_squeeze %dma_wait3A_202 : memref<1x104x64xf32, #tpu.memory_space<vmem>> -> memref<104x64xf32, #tpu.memory_space<vmem>>
          %dma_wait3A_204 = arith.constant 0 : i32
          %dma_wait3A_205 = tpu.memref_slice %arg2[%add3A_179, %dma_wait3A_204] : memref<20000x64xf32, #tpu.memory_space<hbm>> -> memref<104x64xf32, #tpu.memory_space<hbm>>
          %dma_wait3A_206 = arith.constant 0 : i32
          %dma_wait3A_207 = arith.constant 0 : i32
          %dma_wait3A_208 = tpu.memref_slice %arg11[%run_scoped3A_180, %dma_wait3A_206, %dma_wait3A_207] : memref<2x128x64xf32, #tpu.memory_space<vmem>> -> memref<1x104x64xf32, #tpu.memory_space<vmem>>
          %dma_wait3A_209 = tpu.memref_squeeze %dma_wait3A_208 : memref<1x104x64xf32, #tpu.memory_space<vmem>> -> memref<104x64xf32, #tpu.memory_space<vmem>>
          %dma_wait3A_210 = arith.constant 0 : i32
          %dma_wait3A_211 = tpu.memref_slice %arg2[%add3A_179, %dma_wait3A_210] : memref<20000x64xf32, #tpu.memory_space<hbm>> -> memref<104x64xf32, #tpu.memory_space<hbm>>
          tpu.wait_dma2 semaphore(%run_scoped3A_187 : memref<!tpu.dma_semaphore, #tpu.memory_space<semaphore_mem>>) src(%dma_wait3A_211 : memref<104x64xf32, #tpu.memory_space<hbm>>) dst(%dma_wait3A_209 : memref<104x64xf32, #tpu.memory_space<vmem>>)
          tpu.yield
        }) : () -> ()
        "tpu.region"() ({
          %run_scoped3A_187 = tpu.sem_alloc : memref<!tpu.dma_semaphore, #tpu.memory_space<semaphore_mem>>
          %dma_start3A_188 = arith.constant 0 : i32
          %dma_start3A_189 = tpu.memref_slice %arg13[%add3A_176, %dma_start3A_188] : memref<10000x64xf32, #tpu.memory_space<vmem_shared>> -> memref<104x64xf32, #tpu.memory_space<vmem_shared>>
          %dma_start3A_190 = arith.constant 0 : i32
          %dma_start3A_191 = tpu.memref_slice %arg6[%add3A_176, %dma_start3A_190] : memref<10000x64xf32, #tpu.memory_space<hbm>> -> memref<104x64xf32, #tpu.memory_space<hbm>>
          tpu.enqueue_dma source(%dma_start3A_191 : memref<104x64xf32, #tpu.memory_space<hbm>>) target(%dma_start3A_189 : memref<104x64xf32, #tpu.memory_space<vmem_shared>>) target_semaphore(%run_scoped3A_187 : memref<!tpu.dma_semaphore, #tpu.memory_space<semaphore_mem>>)
          %dma_wait3A_192 = arith.constant 0 : i32
          %dma_wait3A_193 = tpu.memref_slice %arg13[%add3A_176, %dma_wait3A_192] : memref<10000x64xf32, #tpu.memory_space<vmem_shared>> -> memref<104x64xf32, #tpu.memory_space<vmem_shared>>
          %dma_wait3A_194 = arith.constant 0 : i32
          %dma_wait3A_195 = tpu.memref_slice %arg6[%add3A_176, %dma_wait3A_194] : memref<10000x64xf32, #tpu.memory_space<hbm>> -> memref<104x64xf32, #tpu.memory_space<hbm>>
          tpu.wait_dma2 semaphore(%run_scoped3A_187 : memref<!tpu.dma_semaphore, #tpu.memory_space<semaphore_mem>>) src(%dma_wait3A_195 : memref<104x64xf32, #tpu.memory_space<hbm>>) dst(%dma_wait3A_193 : memref<104x64xf32, #tpu.memory_space<vmem_shared>>)
          tpu.yield
        }) : () -> ()
        %scan3A_181 = arith.constant 0 : i32
        %scan3A_182 = arith.constant 104 : i32
        %scan3A_183 = arith.addi %scan3A_181, %scan3A_182 : i32
        %scan3A_184 = arith.constant 1 : i32
        scf.for %scan3A_187 = %scan3A_181 to %scan3A_183 step %scan3A_184  : i32 {
          %mul3A_188 = arith.constant 1 : i32
          %mul3A_189 = arith.muli %scan3A_187, %mul3A_188 : i32
          %add3A_190 = arith.constant 0 : i32
          %add3A_191 = arith.addi %add3A_190, %mul3A_189 : i32
          %get3A = arith.constant 0 : i32
          %get3A_192 = arith.index_cast %get3A : i32 to index
          %get3A_193 = arith.index_cast %add3A_191 : i32 to index
          %get3A_194 = arith.constant 0 : index
          %get3A_195 = tpu.vector_load %arg11[%get3A_192, %get3A_193, %get3A_194] {strides = array<i32>} : memref<2x128x64xf32, #tpu.memory_space<vmem>>, vector<16xf32>,
          %mul3A_196 = arith.constant 0.899999976 : f32
          %mul3A_197 = vector.broadcast %mul3A_196 : f32 to vector<16xf32>
          %mul3A_198 = arith.mulf %mul3A_197, %get3A_195 : vector<16xf32>
          %get3A_199 = arith.constant 1 : i32
          %get3A_200 = arith.index_cast %get3A_199 : i32 to index
          %get3A_201 = arith.index_cast %add3A_191 : i32 to index
          %get3A_202 = arith.constant 0 : index
          %get3A_203 = tpu.vector_load %arg11[%get3A_200, %get3A_201, %get3A_202] {strides = array<i32>} : memref<2x128x64xf32, #tpu.memory_space<vmem>>, vector<16xf32>,
          %mul3A_204 = arith.constant 1.000000e-01 : f32
          %mul3A_205 = vector.broadcast %mul3A_204 : f32 to vector<16xf32>
          %mul3A_206 = arith.mulf %mul3A_205, %get3A_203 : vector<16xf32>
          %add3A_207 = arith.addf %mul3A_198, %mul3A_206 : vector<16xf32>
          %swap3A = arith.constant 0 : i32
          %swap3A_208 = arith.index_cast %swap3A : i32 to index
          %swap3A_209 = arith.index_cast %add3A_191 : i32 to index
          %swap3A_210 = arith.constant 0 : index
          %swap3A_211 = tpu.vector_load %arg11[%swap3A_208, %swap3A_209, %swap3A_210] {strides = array<i32>} : memref<2x128x64xf32, #tpu.memory_space<vmem>>, vector<16xf32>,
          tpu.vector_store %arg11[%swap3A_208, %swap3A_209, %swap3A_210], %add3A_207 {strides = array<i32>} : memref<2x128x64xf32, #tpu.memory_space<vmem>>, vector<16xf32>,
          %get3A_212 = arith.constant 0 : i32
          %get3A_213 = arith.index_cast %get3A_212 : i32 to index
          %get3A_214 = arith.index_cast %add3A_191 : i32 to index
          %get3A_215 = arith.constant 16 : index
          %get3A_216 = tpu.vector_load %arg11[%get3A_213, %get3A_214, %get3A_215] {strides = array<i32>} : memref<2x128x64xf32, #tpu.memory_space<vmem>>, vector<16xf32>,
          %mul3A_217 = arith.constant 0.899999976 : f32
          %mul3A_218 = vector.broadcast %mul3A_217 : f32 to vector<16xf32>
          %mul3A_219 = arith.mulf %mul3A_218, %get3A_216 : vector<16xf32>
          %get3A_220 = arith.constant 1 : i32
          %get3A_221 = arith.index_cast %get3A_220 : i32 to index
          %get3A_222 = arith.index_cast %add3A_191 : i32 to index
          %get3A_223 = arith.constant 16 : index
          %get3A_224 = tpu.vector_load %arg11[%get3A_221, %get3A_222, %get3A_223] {strides = array<i32>} : memref<2x128x64xf32, #tpu.memory_space<vmem>>, vector<16xf32>,
          %mul3A_225 = arith.constant 1.000000e-01 : f32
          %mul3A_226 = vector.broadcast %mul3A_225 : f32 to vector<16xf32>
          %mul3A_227 = arith.mulf %mul3A_226, %get3A_224 : vector<16xf32>
          %add3A_228 = arith.addf %mul3A_219, %mul3A_227 : vector<16xf32>
          %swap3A_229 = arith.constant 0 : i32
          %swap3A_230 = arith.index_cast %swap3A_229 : i32 to index
          %swap3A_231 = arith.index_cast %add3A_191 : i32 to index
          %swap3A_232 = arith.constant 16 : index
          %swap3A_233 = tpu.vector_load %arg11[%swap3A_230, %swap3A_231, %swap3A_232] {strides = array<i32>} : memref<2x128x64xf32, #tpu.memory_space<vmem>>, vector<16xf32>,
          tpu.vector_store %arg11[%swap3A_230, %swap3A_231, %swap3A_232], %add3A_228 {strides = array<i32>} : memref<2x128x64xf32, #tpu.memory_space<vmem>>, vector<16xf32>,
          %get3A_234 = arith.constant 0 : i32
          %get3A_235 = arith.index_cast %get3A_234 : i32 to index
          %get3A_236 = arith.index_cast %add3A_191 : i32 to index
          %get3A_237 = arith.constant 32 : index
          %get3A_238 = tpu.vector_load %arg11[%get3A_235, %get3A_236, %get3A_237] {strides = array<i32>} : memref<2x128x64xf32, #tpu.memory_space<vmem>>, vector<16xf32>,
          %mul3A_239 = arith.constant 0.899999976 : f32
          %mul3A_240 = vector.broadcast %mul3A_239 : f32 to vector<16xf32>
          %mul3A_241 = arith.mulf %mul3A_240, %get3A_238 : vector<16xf32>
          %get3A_242 = arith.constant 1 : i32
          %get3A_243 = arith.index_cast %get3A_242 : i32 to index
          %get3A_244 = arith.index_cast %add3A_191 : i32 to index
          %get3A_245 = arith.constant 32 : index
          %get3A_246 = tpu.vector_load %arg11[%get3A_243, %get3A_244, %get3A_245] {strides = array<i32>} : memref<2x128x64xf32, #tpu.memory_space<vmem>>, vector<16xf32>,
          %mul3A_247 = arith.constant 1.000000e-01 : f32
          %mul3A_248 = vector.broadcast %mul3A_247 : f32 to vector<16xf32>
          %mul3A_249 = arith.mulf %mul3A_248, %get3A_246 : vector<16xf32>
          %add3A_250 = arith.addf %mul3A_241, %mul3A_249 : vector<16xf32>
          %swap3A_251 = arith.constant 0 : i32
          %swap3A_252 = arith.index_cast %swap3A_251 : i32 to index
          %swap3A_253 = arith.index_cast %add3A_191 : i32 to index
          %swap3A_254 = arith.constant 32 : index
          %swap3A_255 = tpu.vector_load %arg11[%swap3A_252, %swap3A_253, %swap3A_254] {strides = array<i32>} : memref<2x128x64xf32, #tpu.memory_space<vmem>>, vector<16xf32>,
          tpu.vector_store %arg11[%swap3A_252, %swap3A_253, %swap3A_254], %add3A_250 {strides = array<i32>} : memref<2x128x64xf32, #tpu.memory_space<vmem>>, vector<16xf32>,
          %get3A_256 = arith.constant 0 : i32
          %get3A_257 = arith.index_cast %get3A_256 : i32 to index
          %get3A_258 = arith.index_cast %add3A_191 : i32 to index
          %get3A_259 = arith.constant 48 : index
          %get3A_260 = tpu.vector_load %arg11[%get3A_257, %get3A_258, %get3A_259] {strides = array<i32>} : memref<2x128x64xf32, #tpu.memory_space<vmem>>, vector<16xf32>,
          %mul3A_261 = arith.constant 0.899999976 : f32
          %mul3A_262 = vector.broadcast %mul3A_261 : f32 to vector<16xf32>
          %mul3A_263 = arith.mulf %mul3A_262, %get3A_260 : vector<16xf32>
          %get3A_264 = arith.constant 1 : i32
          %get3A_265 = arith.index_cast %get3A_264 : i32 to index
          %get3A_266 = arith.index_cast %add3A_191 : i32 to index
          %get3A_267 = arith.constant 48 : index
          %get3A_268 = tpu.vector_load %arg11[%get3A_265, %get3A_266, %get3A_267] {strides = array<i32>} : memref<2x128x64xf32, #tpu.memory_space<vmem>>, vector<16xf32>,
          %mul3A_269 = arith.constant 1.000000e-01 : f32
          %mul3A_270 = vector.broadcast %mul3A_269 : f32 to vector<16xf32>
          %mul3A_271 = arith.mulf %mul3A_270, %get3A_268 : vector<16xf32>
          %add3A_272 = arith.addf %mul3A_263, %mul3A_271 : vector<16xf32>
          %swap3A_273 = arith.constant 0 : i32
          %swap3A_274 = arith.index_cast %swap3A_273 : i32 to index
          %swap3A_275 = arith.index_cast %add3A_191 : i32 to index
          %swap3A_276 = arith.constant 48 : index
          %swap3A_277 = tpu.vector_load %arg11[%swap3A_274, %swap3A_275, %swap3A_276] {strides = array<i32>} : memref<2x128x64xf32, #tpu.memory_space<vmem>>, vector<16xf32>,
          tpu.vector_store %arg11[%swap3A_274, %swap3A_275, %swap3A_276], %add3A_272 {strides = array<i32>} : memref<2x128x64xf32, #tpu.memory_space<vmem>>, vector<16xf32>,
        }
        %scan3A_185 = arith.constant 104 : i32
        %run_scoped3A_186 = arith.constant 0 : i32
        "tpu.region"() ({
          %run_scoped3A_187 = tpu.sem_alloc : memref<!tpu.dma_semaphore, #tpu.memory_space<semaphore_mem>>
          %dma_start3A_188 = arith.constant 0 : i32
          %dma_start3A_189 = arith.constant 0 : i32
          %dma_start3A_190 = tpu.memref_slice %arg11[%run_scoped3A_186, %dma_start3A_188, %dma_start3A_189] : memref<2x128x64xf32, #tpu.memory_space<vmem>> -> memref<1x104x64xf32, #tpu.memory_space<vmem>>
          %dma_start3A_191 = tpu.memref_squeeze %dma_start3A_190 : memref<1x104x64xf32, #tpu.memory_space<vmem>> -> memref<104x64xf32, #tpu.memory_space<vmem>>
          %dma_start3A_192 = arith.constant 0 : i32
          %dma_start3A_193 = tpu.memref_slice %arg12[%add3A_176, %dma_start3A_192] : memref<10000x64xf32, #tpu.memory_space<vmem_shared>> -> memref<104x64xf32, #tpu.memory_space<vmem_shared>>
          %dma_start3A_194 = arith.constant 0 : i32
          %dma_start3A_195 = tpu.memref_slice %arg12[%add3A_176, %dma_start3A_194] : memref<10000x64xf32, #tpu.memory_space<vmem_shared>> -> memref<104x64xf32, #tpu.memory_space<vmem_shared>>
          %dma_start3A_196 = arith.constant 0 : i32
          %dma_start3A_197 = arith.constant 0 : i32
          %dma_start3A_198 = tpu.memref_slice %arg11[%run_scoped3A_186, %dma_start3A_196, %dma_start3A_197] : memref<2x128x64xf32, #tpu.memory_space<vmem>> -> memref<1x104x64xf32, #tpu.memory_space<vmem>>
          %dma_start3A_199 = tpu.memref_squeeze %dma_start3A_198 : memref<1x104x64xf32, #tpu.memory_space<vmem>> -> memref<104x64xf32, #tpu.memory_space<vmem>>
          tpu.enqueue_dma source(%dma_start3A_199 : memref<104x64xf32, #tpu.memory_space<vmem>>) target(%dma_start3A_195 : memref<104x64xf32, #tpu.memory_space<vmem_shared>>) target_semaphore(%run_scoped3A_187 : memref<!tpu.dma_semaphore, #tpu.memory_space<semaphore_mem>>)
          %dma_wait3A_200 = arith.constant 0 : i32
          %dma_wait3A_201 = arith.constant 0 : i32
          %dma_wait3A_202 = tpu.memref_slice %arg11[%run_scoped3A_186, %dma_wait3A_200, %dma_wait3A_201] : memref<2x128x64xf32, #tpu.memory_space<vmem>> -> memref<1x104x64xf32, #tpu.memory_space<vmem>>
          %dma_wait3A_203 = tpu.memref_squeeze %dma_wait3A_202 : memref<1x104x64xf32, #tpu.memory_space<vmem>> -> memref<104x64xf32, #tpu.memory_space<vmem>>
          %dma_wait3A_204 = arith.constant 0 : i32
          %dma_wait3A_205 = tpu.memref_slice %arg12[%add3A_176, %dma_wait3A_204] : memref<10000x64xf32, #tpu.memory_space<vmem_shared>> -> memref<104x64xf32, #tpu.memory_space<vmem_shared>>
          %dma_wait3A_206 = arith.constant 0 : i32
          %dma_wait3A_207 = tpu.memref_slice %arg12[%add3A_176, %dma_wait3A_206] : memref<10000x64xf32, #tpu.memory_space<vmem_shared>> -> memref<104x64xf32, #tpu.memory_space<vmem_shared>>
          %dma_wait3A_208 = arith.constant 0 : i32
          %dma_wait3A_209 = arith.constant 0 : i32
          %dma_wait3A_210 = tpu.memref_slice %arg11[%run_scoped3A_186, %dma_wait3A_208, %dma_wait3A_209] : memref<2x128x64xf32, #tpu.memory_space<vmem>> -> memref<1x104x64xf32, #tpu.memory_space<vmem>>
          %dma_wait3A_211 = tpu.memref_squeeze %dma_wait3A_210 : memref<1x104x64xf32, #tpu.memory_space<vmem>> -> memref<104x64xf32, #tpu.memory_space<vmem>>
          tpu.wait_dma2 semaphore(%run_scoped3A_187 : memref<!tpu.dma_semaphore, #tpu.memory_space<semaphore_mem>>) src(%dma_wait3A_211 : memref<104x64xf32, #tpu.memory_space<vmem>>) dst(%dma_wait3A_207 : memref<104x64xf32, #tpu.memory_space<vmem_shared>>)
          tpu.yield
        }) : () -> ()
      }
      %scan3A_162 = arith.constant 6 : i32
      %eq3A_163 = arith.constant 15 : i32
      %eq3A_164 = arith.cmpi eq, %arg1, %eq3A_163 : i32
      %convert_element_type3A_165 = arith.extui %eq3A_164 : i1 to i32
      %cond3A_166 = arith.constant 0 : i32
      %cond3A_167 = arith.cmpi ne, %convert_element_type3A_165, %cond3A_166 : i32
      scf.if %cond3A_167 {
        %run_scoped3A = arith.constant 0 : i32
        "tpu.region"() ({
          %run_scoped3A_180 = tpu.sem_alloc : memref<!tpu.dma_semaphore, #tpu.memory_space<semaphore_mem>>
          %dma_start3A_181 = arith.constant 0 : i32
          %dma_start3A_182 = arith.constant 0 : i32
          %dma_start3A_183 = tpu.memref_slice %arg11[%run_scoped3A, %dma_start3A_181, %dma_start3A_182] : memref<2x128x64xf32, #tpu.memory_space<vmem>> -> memref<1x16x64xf32, #tpu.memory_space<vmem>>
          %dma_start3A_184 = tpu.memref_squeeze %dma_start3A_183 : memref<1x16x64xf32, #tpu.memory_space<vmem>> -> memref<16x64xf32, #tpu.memory_space<vmem>>
          %dma_start3A_185 = arith.constant 9984 : i32
          %dma_start3A_186 = arith.constant 0 : i32
          %dma_start3A_187 = tpu.memref_slice %arg13[%dma_start3A_185, %dma_start3A_186] : memref<10000x64xf32, #tpu.memory_space<vmem_shared>> -> memref<16x64xf32, #tpu.memory_space<vmem_shared>>
          %dma_start3A_188 = arith.constant 0 : i32
          %dma_start3A_189 = arith.constant 0 : i32
          %dma_start3A_190 = tpu.memref_slice %arg11[%run_scoped3A, %dma_start3A_188, %dma_start3A_189] : memref<2x128x64xf32, #tpu.memory_space<vmem>> -> memref<1x16x64xf32, #tpu.memory_space<vmem>>
          %dma_start3A_191 = tpu.memref_squeeze %dma_start3A_190 : memref<1x16x64xf32, #tpu.memory_space<vmem>> -> memref<16x64xf32, #tpu.memory_space<vmem>>
          %dma_start3A_192 = arith.constant 9984 : i32
          %dma_start3A_193 = arith.constant 0 : i32
          %dma_start3A_194 = tpu.memref_slice %arg13[%dma_start3A_192, %dma_start3A_193] : memref<10000x64xf32, #tpu.memory_space<vmem_shared>> -> memref<16x64xf32, #tpu.memory_space<vmem_shared>>
          tpu.enqueue_dma source(%dma_start3A_194 : memref<16x64xf32, #tpu.memory_space<vmem_shared>>) target(%dma_start3A_191 : memref<16x64xf32, #tpu.memory_space<vmem>>) target_semaphore(%run_scoped3A_180 : memref<!tpu.dma_semaphore, #tpu.memory_space<semaphore_mem>>)
          %dma_wait3A_195 = arith.constant 0 : i32
          %dma_wait3A_196 = arith.constant 0 : i32
          %dma_wait3A_197 = tpu.memref_slice %arg11[%run_scoped3A, %dma_wait3A_195, %dma_wait3A_196] : memref<2x128x64xf32, #tpu.memory_space<vmem>> -> memref<1x16x64xf32, #tpu.memory_space<vmem>>
          %dma_wait3A_198 = tpu.memref_squeeze %dma_wait3A_197 : memref<1x16x64xf32, #tpu.memory_space<vmem>> -> memref<16x64xf32, #tpu.memory_space<vmem>>
          %dma_wait3A_199 = arith.constant 9984 : i32
          %dma_wait3A_200 = arith.constant 0 : i32
          %dma_wait3A_201 = tpu.memref_slice %arg13[%dma_wait3A_199, %dma_wait3A_200] : memref<10000x64xf32, #tpu.memory_space<vmem_shared>> -> memref<16x64xf32, #tpu.memory_space<vmem_shared>>
          %dma_wait3A_202 = arith.constant 0 : i32
          %dma_wait3A_203 = arith.constant 0 : i32
          %dma_wait3A_204 = tpu.memref_slice %arg11[%run_scoped3A, %dma_wait3A_202, %dma_wait3A_203] : memref<2x128x64xf32, #tpu.memory_space<vmem>> -> memref<1x16x64xf32, #tpu.memory_space<vmem>>
          %dma_wait3A_205 = tpu.memref_squeeze %dma_wait3A_204 : memref<1x16x64xf32, #tpu.memory_space<vmem>> -> memref<16x64xf32, #tpu.memory_space<vmem>>
          %dma_wait3A_206 = arith.constant 9984 : i32
          %dma_wait3A_207 = arith.constant 0 : i32
          %dma_wait3A_208 = tpu.memref_slice %arg13[%dma_wait3A_206, %dma_wait3A_207] : memref<10000x64xf32, #tpu.memory_space<vmem_shared>> -> memref<16x64xf32, #tpu.memory_space<vmem_shared>>
          tpu.wait_dma2 semaphore(%run_scoped3A_180 : memref<!tpu.dma_semaphore, #tpu.memory_space<semaphore_mem>>) src(%dma_wait3A_208 : memref<16x64xf32, #tpu.memory_space<vmem_shared>>) dst(%dma_wait3A_205 : memref<16x64xf32, #tpu.memory_space<vmem>>)
          tpu.yield
        }) : () -> ()
        %mul3A_169 = arith.constant 10000 : i32
        %mul3A_170 = arith.muli %arg0, %mul3A_169 : i32
        %add3A_171 = arith.constant 9984 : i32
        %add3A_172 = arith.addi %mul3A_170, %add3A_171 : i32
        %run_scoped3A_173 = arith.constant 1 : i32
        "tpu.region"() ({
          %run_scoped3A_180 = tpu.sem_alloc : memref<!tpu.dma_semaphore, #tpu.memory_space<semaphore_mem>>
          %dma_start3A_181 = arith.constant 0 : i32
          %dma_start3A_182 = arith.constant 0 : i32
          %dma_start3A_183 = tpu.memref_slice %arg11[%run_scoped3A_173, %dma_start3A_181, %dma_start3A_182] : memref<2x128x64xf32, #tpu.memory_space<vmem>> -> memref<1x16x64xf32, #tpu.memory_space<vmem>>
          %dma_start3A_184 = tpu.memref_squeeze %dma_start3A_183 : memref<1x16x64xf32, #tpu.memory_space<vmem>> -> memref<16x64xf32, #tpu.memory_space<vmem>>
          %dma_start3A_185 = arith.constant 0 : i32
          %dma_start3A_186 = tpu.memref_slice %arg2[%add3A_172, %dma_start3A_185] : memref<20000x64xf32, #tpu.memory_space<hbm>> -> memref<16x64xf32, #tpu.memory_space<hbm>>
          %dma_start3A_187 = arith.constant 0 : i32
          %dma_start3A_188 = arith.constant 0 : i32
          %dma_start3A_189 = tpu.memref_slice %arg11[%run_scoped3A_173, %dma_start3A_187, %dma_start3A_188] : memref<2x128x64xf32, #tpu.memory_space<vmem>> -> memref<1x16x64xf32, #tpu.memory_space<vmem>>
          %dma_start3A_190 = tpu.memref_squeeze %dma_start3A_189 : memref<1x16x64xf32, #tpu.memory_space<vmem>> -> memref<16x64xf32, #tpu.memory_space<vmem>>
          %dma_start3A_191 = arith.constant 0 : i32
          %dma_start3A_192 = tpu.memref_slice %arg2[%add3A_172, %dma_start3A_191] : memref<20000x64xf32, #tpu.memory_space<hbm>> -> memref<16x64xf32, #tpu.memory_space<hbm>>
          tpu.enqueue_dma source(%dma_start3A_192 : memref<16x64xf32, #tpu.memory_space<hbm>>) target(%dma_start3A_190 : memref<16x64xf32, #tpu.memory_space<vmem>>) target_semaphore(%run_scoped3A_180 : memref<!tpu.dma_semaphore, #tpu.memory_space<semaphore_mem>>)
          %dma_wait3A_193 = arith.constant 0 : i32
          %dma_wait3A_194 = arith.constant 0 : i32
          %dma_wait3A_195 = tpu.memref_slice %arg11[%run_scoped3A_173, %dma_wait3A_193, %dma_wait3A_194] : memref<2x128x64xf32, #tpu.memory_space<vmem>> -> memref<1x16x64xf32, #tpu.memory_space<vmem>>
          %dma_wait3A_196 = tpu.memref_squeeze %dma_wait3A_195 : memref<1x16x64xf32, #tpu.memory_space<vmem>> -> memref<16x64xf32, #tpu.memory_space<vmem>>
          %dma_wait3A_197 = arith.constant 0 : i32
          %dma_wait3A_198 = tpu.memref_slice %arg2[%add3A_172, %dma_wait3A_197] : memref<20000x64xf32, #tpu.memory_space<hbm>> -> memref<16x64xf32, #tpu.memory_space<hbm>>
          %dma_wait3A_199 = arith.constant 0 : i32
          %dma_wait3A_200 = arith.constant 0 : i32
          %dma_wait3A_201 = tpu.memref_slice %arg11[%run_scoped3A_173, %dma_wait3A_199, %dma_wait3A_200] : memref<2x128x64xf32, #tpu.memory_space<vmem>> -> memref<1x16x64xf32, #tpu.memory_space<vmem>>
          %dma_wait3A_202 = tpu.memref_squeeze %dma_wait3A_201 : memref<1x16x64xf32, #tpu.memory_space<vmem>> -> memref<16x64xf32, #tpu.memory_space<vmem>>
          %dma_wait3A_203 = arith.constant 0 : i32
          %dma_wait3A_204 = tpu.memref_slice %arg2[%add3A_172, %dma_wait3A_203] : memref<20000x64xf32, #tpu.memory_space<hbm>> -> memref<16x64xf32, #tpu.memory_space<hbm>>
          tpu.wait_dma2 semaphore(%run_scoped3A_180 : memref<!tpu.dma_semaphore, #tpu.memory_space<semaphore_mem>>) src(%dma_wait3A_204 : memref<16x64xf32, #tpu.memory_space<hbm>>) dst(%dma_wait3A_202 : memref<16x64xf32, #tpu.memory_space<vmem>>)
          tpu.yield
        }) : () -> ()
        "tpu.region"() ({
          %run_scoped3A_180 = tpu.sem_alloc : memref<!tpu.dma_semaphore, #tpu.memory_space<semaphore_mem>>
          %dma_start3A_181 = arith.constant 9984 : i32
          %dma_start3A_182 = arith.constant 0 : i32
          %dma_start3A_183 = tpu.memref_slice %arg13[%dma_start3A_181, %dma_start3A_182] : memref<10000x64xf32, #tpu.memory_space<vmem_shared>> -> memref<16x64xf32, #tpu.memory_space<vmem_shared>>
          %dma_start3A_184 = arith.constant 9984 : i32
          %dma_start3A_185 = arith.constant 0 : i32
          %dma_start3A_186 = tpu.memref_slice %arg6[%dma_start3A_184, %dma_start3A_185] : memref<10000x64xf32, #tpu.memory_space<hbm>> -> memref<16x64xf32, #tpu.memory_space<hbm>>
          tpu.enqueue_dma source(%dma_start3A_186 : memref<16x64xf32, #tpu.memory_space<hbm>>) target(%dma_start3A_183 : memref<16x64xf32, #tpu.memory_space<vmem_shared>>) target_semaphore(%run_scoped3A_180 : memref<!tpu.dma_semaphore, #tpu.memory_space<semaphore_mem>>)
          %dma_wait3A_187 = arith.constant 9984 : i32
          %dma_wait3A_188 = arith.constant 0 : i32
          %dma_wait3A_189 = tpu.memref_slice %arg13[%dma_wait3A_187, %dma_wait3A_188] : memref<10000x64xf32, #tpu.memory_space<vmem_shared>> -> memref<16x64xf32, #tpu.memory_space<vmem_shared>>
          %dma_wait3A_190 = arith.constant 9984 : i32
          %dma_wait3A_191 = arith.constant 0 : i32
          %dma_wait3A_192 = tpu.memref_slice %arg6[%dma_wait3A_190, %dma_wait3A_191] : memref<10000x64xf32, #tpu.memory_space<hbm>> -> memref<16x64xf32, #tpu.memory_space<hbm>>
          tpu.wait_dma2 semaphore(%run_scoped3A_180 : memref<!tpu.dma_semaphore, #tpu.memory_space<semaphore_mem>>) src(%dma_wait3A_192 : memref<16x64xf32, #tpu.memory_space<hbm>>) dst(%dma_wait3A_189 : memref<16x64xf32, #tpu.memory_space<vmem_shared>>)
          tpu.yield
        }) : () -> ()
        %scan3A_174 = arith.constant 0 : i32
        %scan3A_175 = arith.constant 16 : i32
        %scan3A_176 = arith.addi %scan3A_174, %scan3A_175 : i32
        %scan3A_177 = arith.constant 1 : i32
        scf.for %scan3A_180 = %scan3A_174 to %scan3A_176 step %scan3A_177  : i32 {
          %mul3A_181 = arith.constant 1 : i32
          %mul3A_182 = arith.muli %scan3A_180, %mul3A_181 : i32
          %add3A_183 = arith.constant 0 : i32
          %add3A_184 = arith.addi %add3A_183, %mul3A_182 : i32
          %get3A = arith.constant 0 : i32
          %get3A_185 = arith.index_cast %get3A : i32 to index
          %get3A_186 = arith.index_cast %add3A_184 : i32 to index
          %get3A_187 = arith.constant 0 : index
          %get3A_188 = tpu.vector_load %arg11[%get3A_185, %get3A_186, %get3A_187] {strides = array<i32>} : memref<2x128x64xf32, #tpu.memory_space<vmem>>, vector<16xf32>,
          %mul3A_189 = arith.constant 0.899999976 : f32
          %mul3A_190 = vector.broadcast %mul3A_189 : f32 to vector<16xf32>
          %mul3A_191 = arith.mulf %mul3A_190, %get3A_188 : vector<16xf32>
          %get3A_192 = arith.constant 1 : i32
          %get3A_193 = arith.index_cast %get3A_192 : i32 to index
          %get3A_194 = arith.index_cast %add3A_184 : i32 to index
          %get3A_195 = arith.constant 0 : index
          %get3A_196 = tpu.vector_load %arg11[%get3A_193, %get3A_194, %get3A_195] {strides = array<i32>} : memref<2x128x64xf32, #tpu.memory_space<vmem>>, vector<16xf32>,
          %mul3A_197 = arith.constant 1.000000e-01 : f32
          %mul3A_198 = vector.broadcast %mul3A_197 : f32 to vector<16xf32>
          %mul3A_199 = arith.mulf %mul3A_198, %get3A_196 : vector<16xf32>
          %add3A_200 = arith.addf %mul3A_191, %mul3A_199 : vector<16xf32>
          %swap3A = arith.constant 0 : i32
          %swap3A_201 = arith.index_cast %swap3A : i32 to index
          %swap3A_202 = arith.index_cast %add3A_184 : i32 to index
          %swap3A_203 = arith.constant 0 : index
          %swap3A_204 = tpu.vector_load %arg11[%swap3A_201, %swap3A_202, %swap3A_203] {strides = array<i32>} : memref<2x128x64xf32, #tpu.memory_space<vmem>>, vector<16xf32>,
          tpu.vector_store %arg11[%swap3A_201, %swap3A_202, %swap3A_203], %add3A_200 {strides = array<i32>} : memref<2x128x64xf32, #tpu.memory_space<vmem>>, vector<16xf32>,
          %get3A_205 = arith.constant 0 : i32
          %get3A_206 = arith.index_cast %get3A_205 : i32 to index
          %get3A_207 = arith.index_cast %add3A_184 : i32 to index
          %get3A_208 = arith.constant 16 : index
          %get3A_209 = tpu.vector_load %arg11[%get3A_206, %get3A_207, %get3A_208] {strides = array<i32>} : memref<2x128x64xf32, #tpu.memory_space<vmem>>, vector<16xf32>,
          %mul3A_210 = arith.constant 0.899999976 : f32
          %mul3A_211 = vector.broadcast %mul3A_210 : f32 to vector<16xf32>
          %mul3A_212 = arith.mulf %mul3A_211, %get3A_209 : vector<16xf32>
          %get3A_213 = arith.constant 1 : i32
          %get3A_214 = arith.index_cast %get3A_213 : i32 to index
          %get3A_215 = arith.index_cast %add3A_184 : i32 to index
          %get3A_216 = arith.constant 16 : index
          %get3A_217 = tpu.vector_load %arg11[%get3A_214, %get3A_215, %get3A_216] {strides = array<i32>} : memref<2x128x64xf32, #tpu.memory_space<vmem>>, vector<16xf32>,
          %mul3A_218 = arith.constant 1.000000e-01 : f32
          %mul3A_219 = vector.broadcast %mul3A_218 : f32 to vector<16xf32>
          %mul3A_220 = arith.mulf %mul3A_219, %get3A_217 : vector<16xf32>
          %add3A_221 = arith.addf %mul3A_212, %mul3A_220 : vector<16xf32>
          %swap3A_222 = arith.constant 0 : i32
          %swap3A_223 = arith.index_cast %swap3A_222 : i32 to index
          %swap3A_224 = arith.index_cast %add3A_184 : i32 to index
          %swap3A_225 = arith.constant 16 : index
          %swap3A_226 = tpu.vector_load %arg11[%swap3A_223, %swap3A_224, %swap3A_225] {strides = array<i32>} : memref<2x128x64xf32, #tpu.memory_space<vmem>>, vector<16xf32>,
          tpu.vector_store %arg11[%swap3A_223, %swap3A_224, %swap3A_225], %add3A_221 {strides = array<i32>} : memref<2x128x64xf32, #tpu.memory_space<vmem>>, vector<16xf32>,
          %get3A_227 = arith.constant 0 : i32
          %get3A_228 = arith.index_cast %get3A_227 : i32 to index
          %get3A_229 = arith.index_cast %add3A_184 : i32 to index
          %get3A_230 = arith.constant 32 : index
          %get3A_231 = tpu.vector_load %arg11[%get3A_228, %get3A_229, %get3A_230] {strides = array<i32>} : memref<2x128x64xf32, #tpu.memory_space<vmem>>, vector<16xf32>,
          %mul3A_232 = arith.constant 0.899999976 : f32
          %mul3A_233 = vector.broadcast %mul3A_232 : f32 to vector<16xf32>
          %mul3A_234 = arith.mulf %mul3A_233, %get3A_231 : vector<16xf32>
          %get3A_235 = arith.constant 1 : i32
          %get3A_236 = arith.index_cast %get3A_235 : i32 to index
          %get3A_237 = arith.index_cast %add3A_184 : i32 to index
          %get3A_238 = arith.constant 32 : index
          %get3A_239 = tpu.vector_load %arg11[%get3A_236, %get3A_237, %get3A_238] {strides = array<i32>} : memref<2x128x64xf32, #tpu.memory_space<vmem>>, vector<16xf32>,
          %mul3A_240 = arith.constant 1.000000e-01 : f32
          %mul3A_241 = vector.broadcast %mul3A_240 : f32 to vector<16xf32>
          %mul3A_242 = arith.mulf %mul3A_241, %get3A_239 : vector<16xf32>
          %add3A_243 = arith.addf %mul3A_234, %mul3A_242 : vector<16xf32>
          %swap3A_244 = arith.constant 0 : i32
          %swap3A_245 = arith.index_cast %swap3A_244 : i32 to index
          %swap3A_246 = arith.index_cast %add3A_184 : i32 to index
          %swap3A_247 = arith.constant 32 : index
          %swap3A_248 = tpu.vector_load %arg11[%swap3A_245, %swap3A_246, %swap3A_247] {strides = array<i32>} : memref<2x128x64xf32, #tpu.memory_space<vmem>>, vector<16xf32>,
          tpu.vector_store %arg11[%swap3A_245, %swap3A_246, %swap3A_247], %add3A_243 {strides = array<i32>} : memref<2x128x64xf32, #tpu.memory_space<vmem>>, vector<16xf32>,
          %get3A_249 = arith.constant 0 : i32
          %get3A_250 = arith.index_cast %get3A_249 : i32 to index
          %get3A_251 = arith.index_cast %add3A_184 : i32 to index
          %get3A_252 = arith.constant 48 : index
          %get3A_253 = tpu.vector_load %arg11[%get3A_250, %get3A_251, %get3A_252] {strides = array<i32>} : memref<2x128x64xf32, #tpu.memory_space<vmem>>, vector<16xf32>,
          %mul3A_254 = arith.constant 0.899999976 : f32
          %mul3A_255 = vector.broadcast %mul3A_254 : f32 to vector<16xf32>
          %mul3A_256 = arith.mulf %mul3A_255, %get3A_253 : vector<16xf32>
          %get3A_257 = arith.constant 1 : i32
          %get3A_258 = arith.index_cast %get3A_257 : i32 to index
          %get3A_259 = arith.index_cast %add3A_184 : i32 to index
          %get3A_260 = arith.constant 48 : index
          %get3A_261 = tpu.vector_load %arg11[%get3A_258, %get3A_259, %get3A_260] {strides = array<i32>} : memref<2x128x64xf32, #tpu.memory_space<vmem>>, vector<16xf32>,
          %mul3A_262 = arith.constant 1.000000e-01 : f32
          %mul3A_263 = vector.broadcast %mul3A_262 : f32 to vector<16xf32>
          %mul3A_264 = arith.mulf %mul3A_263, %get3A_261 : vector<16xf32>
          %add3A_265 = arith.addf %mul3A_256, %mul3A_264 : vector<16xf32>
          %swap3A_266 = arith.constant 0 : i32
          %swap3A_267 = arith.index_cast %swap3A_266 : i32 to index
          %swap3A_268 = arith.index_cast %add3A_184 : i32 to index
          %swap3A_269 = arith.constant 48 : index
          %swap3A_270 = tpu.vector_load %arg11[%swap3A_267, %swap3A_268, %swap3A_269] {strides = array<i32>} : memref<2x128x64xf32, #tpu.memory_space<vmem>>, vector<16xf32>,
          tpu.vector_store %arg11[%swap3A_267, %swap3A_268, %swap3A_269], %add3A_265 {strides = array<i32>} : memref<2x128x64xf32, #tpu.memory_space<vmem>>, vector<16xf32>,
        }
        %scan3A_178 = arith.constant 16 : i32
        %run_scoped3A_179 = arith.constant 0 : i32
        "tpu.region"() ({
          %run_scoped3A_180 = tpu.sem_alloc : memref<!tpu.dma_semaphore, #tpu.memory_space<semaphore_mem>>
          %dma_start3A_181 = arith.constant 0 : i32
          %dma_start3A_182 = arith.constant 0 : i32
          %dma_start3A_183 = tpu.memref_slice %arg11[%run_scoped3A_179, %dma_start3A_181, %dma_start3A_182] : memref<2x128x64xf32, #tpu.memory_space<vmem>> -> memref<1x16x64xf32, #tpu.memory_space<vmem>>
          %dma_start3A_184 = tpu.memref_squeeze %dma_start3A_183 : memref<1x16x64xf32, #tpu.memory_space<vmem>> -> memref<16x64xf32, #tpu.memory_space<vmem>>
          %dma_start3A_185 = arith.constant 9984 : i32
          %dma_start3A_186 = arith.constant 0 : i32
          %dma_start3A_187 = tpu.memref_slice %arg12[%dma_start3A_185, %dma_start3A_186] : memref<10000x64xf32, #tpu.memory_space<vmem_shared>> -> memref<16x64xf32, #tpu.memory_space<vmem_shared>>
          %dma_start3A_188 = arith.constant 9984 : i32
          %dma_start3A_189 = arith.constant 0 : i32
          %dma_start3A_190 = tpu.memref_slice %arg12[%dma_start3A_188, %dma_start3A_189] : memref<10000x64xf32, #tpu.memory_space<vmem_shared>> -> memref<16x64xf32, #tpu.memory_space<vmem_shared>>
          %dma_start3A_191 = arith.constant 0 : i32
          %dma_start3A_192 = arith.constant 0 : i32
          %dma_start3A_193 = tpu.memref_slice %arg11[%run_scoped3A_179, %dma_start3A_191, %dma_start3A_192] : memref<2x128x64xf32, #tpu.memory_space<vmem>> -> memref<1x16x64xf32, #tpu.memory_space<vmem>>
          %dma_start3A_194 = tpu.memref_squeeze %dma_start3A_193 : memref<1x16x64xf32, #tpu.memory_space<vmem>> -> memref<16x64xf32, #tpu.memory_space<vmem>>
          tpu.enqueue_dma source(%dma_start3A_194 : memref<16x64xf32, #tpu.memory_space<vmem>>) target(%dma_start3A_190 : memref<16x64xf32, #tpu.memory_space<vmem_shared>>) target_semaphore(%run_scoped3A_180 : memref<!tpu.dma_semaphore, #tpu.memory_space<semaphore_mem>>)
          %dma_wait3A_195 = arith.constant 0 : i32
          %dma_wait3A_196 = arith.constant 0 : i32
          %dma_wait3A_197 = tpu.memref_slice %arg11[%run_scoped3A_179, %dma_wait3A_195, %dma_wait3A_196] : memref<2x128x64xf32, #tpu.memory_space<vmem>> -> memref<1x16x64xf32, #tpu.memory_space<vmem>>
          %dma_wait3A_198 = tpu.memref_squeeze %dma_wait3A_197 : memref<1x16x64xf32, #tpu.memory_space<vmem>> -> memref<16x64xf32, #tpu.memory_space<vmem>>
          %dma_wait3A_199 = arith.constant 9984 : i32
          %dma_wait3A_200 = arith.constant 0 : i32
          %dma_wait3A_201 = tpu.memref_slice %arg12[%dma_wait3A_199, %dma_wait3A_200] : memref<10000x64xf32, #tpu.memory_space<vmem_shared>> -> memref<16x64xf32, #tpu.memory_space<vmem_shared>>
          %dma_wait3A_202 = arith.constant 9984 : i32
          %dma_wait3A_203 = arith.constant 0 : i32
          %dma_wait3A_204 = tpu.memref_slice %arg12[%dma_wait3A_202, %dma_wait3A_203] : memref<10000x64xf32, #tpu.memory_space<vmem_shared>> -> memref<16x64xf32, #tpu.memory_space<vmem_shared>>
          %dma_wait3A_205 = arith.constant 0 : i32
          %dma_wait3A_206 = arith.constant 0 : i32
          %dma_wait3A_207 = tpu.memref_slice %arg11[%run_scoped3A_179, %dma_wait3A_205, %dma_wait3A_206] : memref<2x128x64xf32, #tpu.memory_space<vmem>> -> memref<1x16x64xf32, #tpu.memory_space<vmem>>
          %dma_wait3A_208 = tpu.memref_squeeze %dma_wait3A_207 : memref<1x16x64xf32, #tpu.memory_space<vmem>> -> memref<16x64xf32, #tpu.memory_space<vmem>>
          tpu.wait_dma2 semaphore(%run_scoped3A_180 : memref<!tpu.dma_semaphore, #tpu.memory_space<semaphore_mem>>) src(%dma_wait3A_208 : memref<16x64xf32, #tpu.memory_space<vmem>>) dst(%dma_wait3A_204 : memref<16x64xf32, #tpu.memory_space<vmem_shared>>)
          tpu.yield
        }) : () -> ()
      } else {
      }
      %barrier3A_168 = arith.constant 0 : index
      tpu.barrier barrier_id(%barrier3A_168)
    }
    %scan3A_8 = arith.constant 10 : i32
    %mul3A_9 = arith.constant 10000 : i32
    %mul3A_10 = arith.muli %arg0, %mul3A_9 : i32
    %add3A_11 = arith.addi %mul3A_10, %mul3A_0 : i32
    "tpu.region"() ({
      %run_scoped3A = tpu.sem_alloc : memref<!tpu.dma_semaphore, #tpu.memory_space<semaphore_mem>>
      %dma_start3A = arith.constant 0 : i32
      %dma_start3A_17 = tpu.memref_slice %arg7[%add3A_11, %dma_start3A] : memref<20000x64xf32, #tpu.memory_space<hbm>> -> memref<624x64xf32, #tpu.memory_space<hbm>>
      %dma_start3A_18 = arith.constant 0 : i32
      %dma_start3A_19 = tpu.memref_slice %arg12[%mul3A_0, %dma_start3A_18] : memref<10000x64xf32, #tpu.memory_space<vmem_shared>> -> memref<624x64xf32, #tpu.memory_space<vmem_shared>>
      tpu.enqueue_dma source(%dma_start3A_19 : memref<624x64xf32, #tpu.memory_space<vmem_shared>>) target(%dma_start3A_17 : memref<624x64xf32, #tpu.memory_space<hbm>>) target_semaphore(%run_scoped3A : memref<!tpu.dma_semaphore, #tpu.memory_space<semaphore_mem>>)
      %dma_wait3A = arith.constant 0 : i32
      %dma_wait3A_20 = tpu.memref_slice %arg7[%add3A_11, %dma_wait3A] : memref<20000x64xf32, #tpu.memory_space<hbm>> -> memref<624x64xf32, #tpu.memory_space<hbm>>
      %dma_wait3A_21 = arith.constant 0 : i32
      %dma_wait3A_22 = tpu.memref_slice %arg12[%mul3A_0, %dma_wait3A_21] : memref<10000x64xf32, #tpu.memory_space<vmem_shared>> -> memref<624x64xf32, #tpu.memory_space<vmem_shared>>
      tpu.wait_dma2 semaphore(%run_scoped3A : memref<!tpu.dma_semaphore, #tpu.memory_space<semaphore_mem>>) src(%dma_wait3A_22 : memref<624x64xf32, #tpu.memory_space<vmem_shared>>) dst(%dma_wait3A_20 : memref<624x64xf32, #tpu.memory_space<hbm>>)
      tpu.yield
    }) : () -> ()
    %eq3A_12 = arith.constant 15 : i32
    %eq3A_13 = arith.cmpi eq, %arg1, %eq3A_12 : i32
    %convert_element_type3A_14 = arith.extui %eq3A_13 : i1 to i32
    %cond3A_15 = arith.constant 0 : i32
    %cond3A_16 = arith.cmpi ne, %convert_element_type3A_14, %cond3A_15 : i32
    scf.if %cond3A_16 {
      %mul3A_17 = arith.constant 10000 : i32
      %mul3A_18 = arith.muli %arg0, %mul3A_17 : i32
      %add3A_19 = arith.constant 9984 : i32
      %add3A_20 = arith.addi %mul3A_18, %add3A_19 : i32
      "tpu.region"() ({
        %run_scoped3A = tpu.sem_alloc : memref<!tpu.dma_semaphore, #tpu.memory_space<semaphore_mem>>
        %dma_start3A = arith.constant 0 : i32
        %dma_start3A_21 = tpu.memref_slice %arg7[%add3A_20, %dma_start3A] : memref<20000x64xf32, #tpu.memory_space<hbm>> -> memref<16x64xf32, #tpu.memory_space<hbm>>
        %dma_start3A_22 = arith.constant 9984 : i32
        %dma_start3A_23 = arith.constant 0 : i32
        %dma_start3A_24 = tpu.memref_slice %arg12[%dma_start3A_22, %dma_start3A_23] : memref<10000x64xf32, #tpu.memory_space<vmem_shared>> -> memref<16x64xf32, #tpu.memory_space<vmem_shared>>
        tpu.enqueue_dma source(%dma_start3A_24 : memref<16x64xf32, #tpu.memory_space<vmem_shared>>) target(%dma_start3A_21 : memref<16x64xf32, #tpu.memory_space<hbm>>) target_semaphore(%run_scoped3A : memref<!tpu.dma_semaphore, #tpu.memory_space<semaphore_mem>>)
        %dma_wait3A = arith.constant 0 : i32
        %dma_wait3A_25 = tpu.memref_slice %arg7[%add3A_20, %dma_wait3A] : memref<20000x64xf32, #tpu.memory_space<hbm>> -> memref<16x64xf32, #tpu.memory_space<hbm>>
        %dma_wait3A_26 = arith.constant 9984 : i32
        %dma_wait3A_27 = arith.constant 0 : i32
        %dma_wait3A_28 = tpu.memref_slice %arg12[%dma_wait3A_26, %dma_wait3A_27] : memref<10000x64xf32, #tpu.memory_space<vmem_shared>> -> memref<16x64xf32, #tpu.memory_space<vmem_shared>>
        tpu.wait_dma2 semaphore(%run_scoped3A : memref<!tpu.dma_semaphore, #tpu.memory_space<semaphore_mem>>) src(%dma_wait3A_28 : memref<16x64xf32, #tpu.memory_space<vmem_shared>>) dst(%dma_wait3A_25 : memref<16x64xf32, #tpu.memory_space<hbm>>)
        tpu.yield
      }) : () -> ()
    } else {
    }
    return
  }
}

</mosaic_0001>

<sc_bundles>
// kernel: kernel.3.cloned.1.call-start
scs
__scs_entry_jumppad:
0x0: {  	(pc) =	sbr.rel $0x88, $3  }
0x1: {  	(tag) =	ssettag $0x0;
	lr =	simm.s32 $0x1  }
0x2: {  	[smem:$0x3F9E] =	sst lr;
	_ =	strace $0xD0000000  }
0x3: {  	_ = 	snop  }
0x4: {  	_ = 	snop  }
0x5: {  	_ = 	snop  }
0x6: {  	_ = 	snop  }
0x7: {  	_ = 	snop  }
__scs_overlays_trampoline_lowered:
0x8: {  	[smem:$0x3FAD] =	sst s0  }
0x9: {  	[smem:$0x3FAE] =	sst s1  }
0xa: {  	[smem:$0x3FAF] =	sst s2  }
0xb: {  	[smem:$0x3FB0] =	sst s3  }
0xc: {  	[smem:$0x3FB1] =	sst s4  }
0xd: {  	[smem:$0x3FB2] =	sst s5  }
0xe: {  	[smem:$0x3FB3] =	sst s6  }
0xf: {  	[smem:$0x3FB4] =	sst s7  }
0x10: {  	[smem:$0x3FB5] =	sst s8  }
0x11: {  	[smem:$0x3FB6] =	sst s9;
	s0 =	simm.s32 @!p0 $0x0  }
0x12: {  	s1 =	sld [smem:$0x3F9C];
	s0 =	simm.s32 @p0 $0x1  }
0x13: {  	[smem:$0x3FB7] =	sst s0;
	s0 =	simm.s32 @!p1 $0x0  }
0x14: {  	s2 =	sld [smem:$0x3F9B];
	s0 =	simm.s32 @p1 $0x1  }
0x15: {  	[smem:$0x3FB8] =	sst s0;
	s0 =	simm.s32 @!p2 $0x0  }
0x16: {  	s3 =	sld [smem:$0x3FDB];
	s0 =	simm.s32 @p2 $0x1  }
0x17: {  	s4 =	simm.s32 $0x1BF5;
	[smem:$0x3FBA] =	sst s0  }
0x18: {  	s0 =	sld [smem:$0x3F9D];
	_ =	swait.ge [sflag:s4], $0x0  }
0x19: {  	s7 =	sld [smem:$0x3F9E]  }
0x1a: {  	s8 =	sadd.s32 $0xFFFFE003, lr  }
0x1b: {  	s9 =	sadd.s32 $0xFFFFFEF7, lr;
	s5 =	simm.s32 $0xFFFFFFFF;
	p2 =	slt.u32 s8, $0xFFFFF086  }
0x1c: {  	p1 =	slt.u32 s9, $0xF7A;
	s5 =	simm.s32 @!p2 $0x0  }
0x1d: {  	s5 =	simm.s32 @p1 $0x1;
	p0 =	seq.s32 s7, s2  }
0x1e: {  	s7 =	smul.u32 @!p0 $0xF7A, s2;
	p2 =	seq.s32 @!p0 s5, $0x0  }
0x1f: {  	s9 =	smul.u32 $0xF7A, s1;
	s8 =	simm.s32 @!p0 $0x1BF5;
	p2 =	por !p2, p0  }
0x20: {  	[sflag:s8] =	ssyncset.s32 @!p0 $0xFFFFF086;
	s6 =	sadd.s32 @!p0 s3, s7;
	s7 =	simm.s32 @!p0 $0x108  }
0x21: {  	s3 =	sadd.s32 s3, s9;
	s6 =	sadd.s32 @!p0 $0x88, s6;
	s7 =	simm.s32 @p2 $0x1082  }
0x22: {  	[simem:s7], [sflag:s8] =	dma.local @!p0 [hbm:s6], $0xF7A  }
0x23: {  	s9 =	sor.u32 $0xD0000000, s2;
	s6 =	simm.s32 $0x108;
	_ =	swait.ge @!p0 [sflag:s8], $0x0  }
0x24: {  	s3 =	sadd.s32 $0x88, s3;
	s6 =	simm.s32 @!p1 $0x1082;
	[sflag:s4] =	ssyncset.s32 $0xFFFFF086  }
0x25: {  	[simem:s6], [sflag:s4] =	dma.local [hbm:s3], $0xF7A  }
0x26: {  	[smem:$0x3F9E] =	sst s1;
	(tag) =	ssettag s2;
	_ =	strace s9  }
0x27: {  	s1 =	sld [smem:$0x3FAE]  }
0x28: {  	s2 =	sld [smem:$0x3FAF]  }
0x29: {  	s4 =	sld [smem:$0x3FB1]  }
0x2a: {  	p0 =	seq.s32 s5, $0x0;
	s5 =	sld [smem:$0x3FB2]  }
0x2b: {  	s6 =	sld [smem:$0x3FB3]  }
0x2c: {  	s7 =	sld [smem:$0x3FB4]  }
0x2d: {  	s3 =	simm.s32 $0x108;
	s8 =	sld [smem:$0x3FB5]  }
0x2e: {  	s3 =	simm.s32 @!p0 $0x1082;
	s9 =	sld [smem:$0x3FB6]  }
0x2f: {  	lr =	sadd.s32 s0, s3;
	s0 =	sld [smem:$0x3FAD]  }
0x30: {  	s3 =	sld [smem:$0x3FB0]  }
0x31: {  	[smem:$0x3FB9] =	sst s10  }
0x32: {  	s10 =	sld [smem:$0x3FB7];
	_ =	sdelay $0x3  }
0x33: {  	p0 =	seq.s32 s10, $0x1;
	s10 =	sld [smem:$0x3FB9];
	_ =	sdelay $0x3  }
0x34: {  	[smem:$0x3FB9] =	sst s10  }
0x35: {  	s10 =	sld [smem:$0x3FB8];
	_ =	sdelay $0x3  }
0x36: {  	p1 =	seq.s32 s10, $0x1;
	s10 =	sld [smem:$0x3FB9];
	_ =	sdelay $0x3  }
0x37: {  	[smem:$0x3FB9] =	sst s10  }
0x38: {  	s10 =	sld [smem:$0x3FBA]  }
0x39: {  	_ = 	snop;
	(pc) =	sbr.ind lr, $3  }
0x3a: {  	_ = 	snop  }
0x3b: {  	_ = 	snop  }
0x3c: {  	p2 =	seq.s32 s10, $0x1;
	s10 =	sld [smem:$0x3FB9]  }
0x3d: {  	_ =	shalt  }
0x3e: {  	_ =	shalt  }
0x3f: {  	_ =	shalt  }
0x40: {  	_ =	shalt  }
0x41: {  	_ =	shalt  }
0x42: {  	_ =	shalt  }
0x43: {  	_ =	shalt  }
0x44: {  	_ =	shalt  }
0x45: {  	_ =	shalt  }
0x46: {  	_ =	shalt  }
0x47: {  	_ =	shalt  }
0x48: {  	_ =	shalt  }
0x49: {  	_ =	shalt  }
0x4a: {  	_ =	shalt  }
0x4b: {  	_ =	shalt  }
0x4c: {  	_ =	shalt  }
0x4d: {  	_ =	shalt  }
0x4e: {  	_ =	shalt  }
0x4f: {  	_ =	shalt  }
0x50: {  	_ =	shalt  }
0x51: {  	_ =	shalt  }
0x52: {  	_ =	shalt  }
0x53: {  	_ =	shalt  }
0x54: {  	_ =	shalt  }
0x55: {  	_ =	shalt  }
0x56: {  	_ =	shalt  }
0x57: {  	_ =	shalt  }
0x58: {  	_ =	shalt  }
0x59: {  	_ =	shalt  }
0x5a: {  	_ =	shalt  }
0x5b: {  	_ =	shalt  }
0x5c: {  	_ =	shalt  }
0x5d: {  	_ =	shalt  }
0x5e: {  	_ =	shalt  }
0x5f: {  	_ =	shalt  }
0x60: {  	_ =	shalt  }
0x61: {  	_ =	shalt  }
0x62: {  	_ =	shalt  }
0x63: {  	_ =	shalt  }
0x64: {  	_ =	shalt  }
0x65: {  	_ =	shalt  }
0x66: {  	_ =	shalt  }
0x67: {  	_ =	shalt  }
0x68: {  	_ =	shalt  }
0x69: {  	_ =	shalt  }
0x6a: {  	_ =	shalt  }
0x6b: {  	_ =	shalt  }
0x6c: {  	_ =	shalt  }
0x6d: {  	_ =	shalt  }
0x6e: {  	_ =	shalt  }
0x6f: {  	_ =	shalt  }
0x70: {  	_ =	shalt  }
0x71: {  	_ =	shalt  }
0x72: {  	_ =	shalt  }
0x73: {  	_ =	shalt  }
0x74: {  	_ =	shalt  }
0x75: {  	_ =	shalt  }
0x76: {  	_ =	shalt  }
0x77: {  	_ =	shalt  }
0x78: {  	_ =	shalt  }
0x79: {  	_ =	shalt  }
0x7a: {  	_ =	shalt  }
0x7b: {  	_ =	shalt  }
0x7c: {  	_ =	shalt  }
0x7d: {  	_ =	shalt  }
0x7e: {  	_ =	shalt  }
0x7f: {  	_ =	shalt  }
0x80: {  	_ =	shalt  }
0x81: {  	_ =	shalt  }
0x82: {  	_ =	shalt  }
0x83: {  	_ =	shalt  }
0x84: {  	_ =	shalt  }
0x85: {  	_ =	shalt  }
0x86: {  	_ =	shalt  }
0x87: {  	_ =	shalt  }
.Lfunc_end0:
.L_simem_size_0:
called_computation_lowered:
.L_overlay_start_0:
0x88: {  	s2 =	sld [smem:$0x3FD9]  }
0x89: {  	s3 =	sld [smem:$0x3FFE];
	_ =	sdelay $0x1  }
0x8a: {  	s1 =	srdreg.scid  }
0x8b: {  	s0 =	sand.u32 $0x1, s1  }
0x8c: {  	s17 =	sshll.u32 s0, $0xA;
	s2 =	sadd.s32 s3, s2  }
0x8d: {  	s2 =	sadd.s32 s2, s17  }
0x8e: {  	[smem:$0x3FC5] =	sst s2  }
0x8f: {  	_ = 	snop  }
0x90: {  	s2 =	sld [smem:$0x3FD0];
	(tm) =	ssettm $0x1  }
0x91: {  	s18 =	sld [smem:$0x3FFB];
	_ =	sdelay $0x3  }
0x92: {  	_ =	strace s18  }
0x93: {  	s3 =	sld [smem:$0x3FFC];
	_ =	sdelay $0x3  }
0x94: {  	_ =	strace s3  }
0x95: {  	s3 =	sld [smem:$0x3FFD];
	_ =	sdelay $0x3  }
0x96: {  	_ =	strace s3  }
0x97: {  	_ =	strace $0x8FFFFFFF  }
0x98: {  	s19 =	sld [smem:$0x3FDB];
	_ =	sdelay $0x1  }
0x99: {  	s4 =	simm.s32 $_scs_section_size  }
0x9a: {  	s5 =	simm.s32 $_size__tile_overlayer_lowered;
	s6 =	simm.s32 $_tile_overlayer_lowered  }
0x9b: {  	s22 =	simm.s32 $0x1BFF;
	s21 =	sshll.u32 s6, $0x1;
	s3 =	sadd.s32 s4, s19  }
0x9c: {  	s7 =	simm.s32 $0x0;
	s20 =	sshll.u32 s5, $0x1;
	s5 =	sadd.s32 s21, s3  }
0x9d: {  	[timem:s7], [sflag:s22] =	dma.local [hbm:s5], s20  }
0x9e: {  	_ =	swait.ge [sflag:s22], s20  }
0x9f: {  	s4 =	ssub.s32 $0x0, s20;
	[sflag:s22] =	ssyncset.done $0x0  }
0xa0: {  	[sflag:s22] =	ssyncadd.s32 s4;
	_ =	sdelay $0x1  }
0xa1: {  	s23 =	simm.s32 $0x1B8B  }
0xa2: {  	_ =	swait.ge [sflag:s23], $0x1  }
0xa3: {  	[sflag:s23] =	ssyncset.done $0x0  }
0xa4: {  	s25 =	simm.s32 $0x1B8E;
	s24 =	sld [smem:$0x3FFE];
	[sflag:s23] =	ssyncadd.s32 $0xFFFFFFFF  }
0xa5: {  	s26 =	simm.s32 $execute0_lowered;
	[smem:$0x3FD2] =	sst s25  }
0xa6: {  	s5 =	sshll.u32 s26, $0x1;
	_ =	strace $0x80000046;
	[dreg:$0x1] =	wrdreg $0xFFFFFFFF  }
0xa7: {  	s28 =	simm.s32 $_size_execute0_lowered;
	s3 =	sadd.s32 s3, s5;
	[dreg:$0x0] =	wrdreg $0x0  }
0xa8: {  	s5 =	sshll.u32 s28, $0x1;
	[dreg:$0x2] =	wrdreg s3  }
0xa9: {  	[dreg:$0x3] =	wrdreg s5  }
0xaa: {  	[dreg:$0x4] =	wrdreg $0xC0  }
0xab: {  	_ =	task [dreg:s7], $0x5FFFF  }
0xac: {  	[dreg:$0x1] =	wrdreg $0xFFFFFFFF  }
0xad: {  	[dreg:$0x0] =	wrdreg $0x60  }
0xae: {  	[dreg:$0x2] =	wrdreg s2  }
0xaf: {  	[dreg:$0x3] =	wrdreg s24  }
0xb0: {  	[dreg:$0x4] =	wrdreg $0xB8000  }
0xb1: {  	[dreg:$0x5] =	wrdreg $0x154400  }
0xb2: {  	[dreg:$0x6] =	wrdreg $0x9  }
0xb3: {  	_ =	task.clear_ibuf [dreg:s7], $0x7FFFF;
	_ =	strace $0x90000046  }
0xb4: {  	s29 =	simm.s32 $0x9;
	_ =	strace $0x80000048  }
0xb5: {  	_ =	swait.ge [sflag:s29], $0x1  }
0xb6: {  	[sflag:s29] =	ssyncadd.s32 $0xFFFFFFFF  }
0xb7: {  	_ =	strace $0x90000048  }
0xb8: {  	_ =	sfence  }
0xb9: {  	s30 =	sld [smem:$0x0];
	_ =	sdelay $0x2  }
0xba: {  	s31 =	sshll.u32 s1, $0xD;
	s1 =	sshrl.u32 s1, $0x2  }
0xbb: {  	s3 =	sand.u32 $0x4000, s31;
	s1 =	sadd.s32 s1, s30  }
0xbc: {  	s0 =	sor.u32 s3, s0;
	s1 =	sshll.u32 s1, $0x11  }
0xbd: {  	s0 =	sor.u32 s1, s0  }
0xbe: {  	s0 =	sadd.s32 $0x8F2B, s0  }
0xbf: {  	[sflag:s0] =	ssyncadd.remote.s32 $0x1  }
0xc0: {  	_ =	sfence.sel $0xFFFF  }
0xc1: {  	[dreg:$0x0] =	wrdreg $0xFFFFFFFF;
	(pc) =	sbr.abs _section_cstart, $3  }
0xc2: {  	[dreg:$0x1] =	wrdreg $0xFFFFFFFF  }
0xc3: {  	_ =	task.clear_ibuf [dreg:s7], $0x2FFFF;
	_ =	strace $0x9FFFFFFF  }
0xc4: {  	(tm) =	ssettm $0x7FFFFFFF  }
0xc5: {  	_ =	shalt  }
tec
execute0_lowered:
.L_overlay_start_1:
0x0: {  	(tag) =	ssettag $0x1  }
0x1: {  	s17 =	rddreg [dreg:$0x0]  }
0x2: {  	s0 =	rddreg [dreg:$0x1]  }
0x3: {  	s2 =	rddreg [dreg:$0x2]  }
0x4: {  	s3 =	rddreg [dreg:$0x3]  }
0x5: {  	s5 =	simm.s32 $0x0;
	s1 =	srdreg.scid;
	s22 =	stileid.u32  }
0x6: {  	s28 =	simm.s32 $0x7800;
	s29 =	simm.s32 $0x3;
	[smem:$0x7FF] =	sst s5  }
0x7: {  	s1 =	sand.u32 $0x1, s1;
	s6 =	smul.u32 $0x270, s22;
	s4 =	sadd.s32 $0xA400, s0  }
0x8: {  	s9 =	smul.u32 $0x5000, s22;
	s10 =	sadd.s32 $0x400, s0;
	s12 =	sadd.s32 $0x14400, s0  }
0x9: {  	s30 =	sshll.u32 s22, $0x6;
	s21 =	sadd.s32 $0x1E400, s0;
	p0 =	sne.s32 s22, $0xF  }
0xa: {  	_ =	strace $0x80000047;
	s8 =	ssub.s32 $0x2, s1;
	s7 =	smul.u32 $0x2710, s1  }
0xb: {  	s20 =	sor.u32 $0x1C07, s30;
	s1 =	smul.u32 $0x9C400, s1;
	s30 =	sadd.s32 $0x9C000, s2  }
0xc: {  	s11 =	sshrl.u32 s8, $0x1;
	s9 =	sshrl.u32 s9, $0x3;
	[dreg:$0x15] =	wrdreg s30  }
0xd: {  	s8 =	ssub.s32 s8, s11;
	s11 =	smul.u32 $0x9C00, s22;
	s13 =	sadd.s32 s6, s7  }
0xe: {  	s14 =	sadd.s32 s4, s9;
	s23 =	sadd.s32 s10, s9;
	s24 =	sadd.s32 s12, s9  }
0xf: {  	s25 =	sadd.s32 $0x280, s9;
	s16 =	sadd.s32 $0x500, s9;
	[dreg:$0x5] =	wrdreg s14  }
0x10: {  	s9 =	sadd.s32 $0x780, s9;
	s1 =	sshrl.u32 s1, $0x3;
	[dreg:$0x6] =	wrdreg s23  }
0x11: {  	s22 =	simm.s32 $0x7;
	[dreg:$0x7] =	wrdreg s24;
	s15 =	sadd.s32 s4, s25  }
0x12: {  	s26 =	sadd.s32 s10, s25;
	s14 =	sadd.s32 s12, s25;
	s18 =	sadd.s32 s10, s9  }
0x13: {  	s19 =	sadd.s32 s12, s9;
	s31 =	sshll.u32 s13, $0x3;
	[dreg:$0x8] =	wrdreg s15  }
0x14: {  	s1 =	sadd.s32 $0x13800, s1;
	s23 =	sadd.s32 $0x31E00, s0;
	[dreg:$0x9] =	wrdreg s26  }
0x15: {  	s0 =	sadd.s32 $0x31C00, s0;
	s25 =	smax.u32 s8, $0x1;
	[dreg:$0xa] =	wrdreg s14  }
0x16: {  	s8 =	simm.s32 $0x9800;
	s14 =	sadd.s32 s4, s16;
	[dreg:$0x12] =	wrdreg s0  }
0x17: {  	s15 =	sadd.s32 s10, s16;
	s4 =	sadd.s32 s4, s9;
	[dreg:$0x13] =	wrdreg s25  }
0x18: {  	s16 =	sadd.s32 s12, s16;
	s10 =	sadd.s32 s11, s2;
	[dreg:$0xb] =	wrdreg s4  }
0x19: {  	s12 =	sshrl.u32 s11, $0x3;
	s24 =	sadd.s32 s17, s31;
	[dreg:$0xc] =	wrdreg s10  }
0x1a: {  	s13 =	sadd.s32 s11, s3;
	s9 =	sadd.s32 s23, s31;
	[dreg:$0xe] =	wrdreg s24  }
0x1b: {  	s31 =	sadd.s32 $0x9C000, s3;
	s0 =	simm.s32 $0x5;
	[dreg:$0xf] =	wrdreg s9  }
.Ltmp0:
0x1c: {  	s4 =	sadd.s32 s21, s12;
	[dreg:$0x16] =	wrdreg s31;
	(pc) =	sbr.rel .LBB2_1-.Ltmp0, $4  }
0x1d: {  	s11 =	simm.s32 $0x0;
	s26 =	sshrl.u32 s13, $0x3;
	[dreg:$0xd] =	wrdreg s4  }
0x1e: {  	s24 =	simm.s32 $0x5000;
	s4 =	sadd.s32 s23, s1;
	[dreg:$0x14] =	wrdreg s26  }
0x1f: {  	s9 =	simm.s32 $0x6;
	s1 =	sadd.s32 s17, s1;
	[dreg:$0x10] =	wrdreg s4  }
0x20: {  	s10 =	simm.s32 $0x4;
	s23 =	simm.s32 $0x80;
	[dreg:$0x11] =	wrdreg s1  }
.LBB2_26:
0x21: {  	s1 =	rddreg [dreg:$0xf]  }
0x22: {  	s4 =	rddreg [dreg:$0x18]  }
0x23: {  	[hbm:s1], [sflag:s20] =	dma.local [spmem:s4], $0x1380  }
0x24: {  	_ =	swait.ge [sflag:s22], $0x1380  }
0x25: {  	[sflag:s22] =	ssyncset.done $0x0;
	s1 =	rddreg [dreg:$0x10]  }
0x26: {  	s4 =	rddreg [dreg:$0x19];
	[sflag:s22] =	ssyncadd.s32 $0xFFFFEC80  }
0x27: {  	[hbm:s1], [sflag:s20] =	dma.local @!p0 [spmem:s4], $0x80  }
0x28: {  	s1 =	simm.s32 @!p0 $0x7  }
0x29: {  	_ =	swait.ge @!p0 [sflag:s1], $0x80  }
0x2a: {  	s11 =	rddreg [dreg:$0x17]  }
0x2b: {  	s31 =	rddreg [dreg:$0x13];
	s11 =	sadd.s32 $0x1, s11  }
0x2c: {  	p1 =	sne.s32 s11, s31  }
.Ltmp1:
0x2d: {  	_ = 	snop;
	(pc) =	sbr.rel @!p1 .LBB2_27-.Ltmp1, $3  }
0x2e: {  	_ =	sdelay $0x1  }
0x2f: {  	[sflag:s1] =	ssyncset.done @!p0 $0x0  }
0x30: {  	[sflag:s1] =	ssyncadd.s32 @!p0 $0xFFFFFF80  }
.LBB2_1:
0x31: {  	[dreg:$0x17] =	wrdreg s11  }
0x32: {  	s1 =	rddreg [dreg:$0xc]  }
0x33: {  	s26 =	rddreg [dreg:$0xe];
	s4 =	sshrl.u32 s1, $0x3  }
0x34: {  	[dreg:$0x18] =	wrdreg s4  }
0x35: {  	[spmem:s4], [sflag:s20] =	dma.local [hbm:s26], $0x1380  }
0x36: {  	_ =	swait.ge [sflag:s22], $0x1380  }
0x37: {  	[sflag:s22] =	ssyncset.done $0x0;
	s30 =	rddreg [dreg:$0xd]  }
0x38: {  	s31 =	rddreg [dreg:$0x14];
	[sflag:s22] =	ssyncadd.s32 $0xFFFFEC80  }
0x39: {  	[spmem:s31], [sflag:s20] =	dma.local [hbm:s30], $0x1380  }
0x3a: {  	_ =	swait.ge [sflag:s22], $0x1380  }
0x3b: {  	s1 =	rddreg [dreg:$0x15]  }
0x3c: {  	[sflag:s22] =	ssyncset.done $0x0;
	s4 =	sshrl.u32 @!p0 s1, $0x3;
	s1 =	rddreg [dreg:$0x11]  }
0x3d: {  	[sflag:s22] =	ssyncadd.s32 $0xFFFFEC80;
	[dreg:$0x19] =	wrdreg s4  }
0x3e: {  	[spmem:s4], [sflag:s20] =	dma.local @!p0 [hbm:s1], $0x80  }
0x3f: {  	s1 =	simm.s32 @!p0 $0x7  }
0x40: {  	_ =	swait.ge @!p0 [sflag:s1], $0x80  }
0x41: {  	[sflag:s1] =	ssyncset.done @!p0 $0x0;
	s4 =	rddreg [dreg:$0x16]  }
0x42: {  	s11 =	rddreg [dreg:$0x12];
	[sflag:s1] =	ssyncadd.s32 @!p0 $0xFFFFFF80;
	s4 =	sshrl.u32 @!p0 s4, $0x3  }
0x43: {  	[spmem:s4], [sflag:s20] =	dma.local @!p0 [hbm:s11], $0x80  }
.Ltmp2:
0x44: {  	_ =	swait.ge @!p0 [sflag:s1], $0x80;
	(pc) =	sbr.rel .LBB2_2-.Ltmp2, $4  }
0x45: {  	[sflag:s1] =	ssyncset.done @!p0 $0x0  }
0x46: {  	[sflag:s1] =	ssyncadd.s32 @!p0 $0xFFFFFF80  }
0x47: {  	[bflag:$0x0] =	sbarrier.arrive $0xFFFF  }
0x48: {  	s1 =	simm.s32 $0x0  }
.LBB2_25:
0x49: {  	s1 =	sadd.s32 $0x1, s1  }
0x4a: {  	p1 =	sne.s32 s1, $0xA  }
.Ltmp3:
0x4b: {  	_ = 	snop;
	(pc) =	sbr.rel @!p1 .LBB2_26-.Ltmp3, $2  }
0x4c: {  	_ =	sdelay $0x1  }
0x4d: {  	[bflag:$0x0] =	sbarrier.arrive $0xFFFF;
	_ =	sdelay $0x1  }
.LBB2_2:
0x4e: {  	[dreg:$0x1a] =	wrdreg s1  }
0x4f: {  	s30 =	rddreg [dreg:$0x5]  }
0x50: {  	[tilespmem:s5], [sflag:$0x1] =	stream.linear.gather [hbm4b:s30+s5], $0x1400, $0x38;
	[tilespmem:$0x1F080] =	vst v63  }
0x51: {  	s31 =	rddreg [dreg:$0x6];
	s4 =	simm.s32 $0x2800  }
0x52: {  	[tilespmem:s4], [sflag:$0x3] =	stream.linear.gather [hbm4b:s31+s5], $0x1400, $0x38;
	[tilespmem:$0x1F080] =	vst v63  }
0x53: {  	s11 =	rddreg [dreg:$0x7]  }
0x54: {  	[tilespmem:s24], [sflag:$0x3] =	stream.linear.gather [hbm4b:s11+s5], $0x1400, $0x38;
	[tilespmem:$0x1F080] =	vst v63  }
0x55: {  	s12 =	rddreg [dreg:$0x8];
	s13 =	simm.s32 $0x1400  }
0x56: {  	[tilespmem:s13], [sflag:$0x2] =	stream.linear.gather [hbm4b:s12+s5], $0x1400, $0x38;
	[tilespmem:$0x1F080] =	vst v63  }
0x57: {  	s17 =	rddreg [dreg:$0x9];
	s25 =	simm.s32 $0x3C00  }
0x58: {  	[tilespmem:s25], [sflag:$0x4] =	stream.linear.gather [hbm4b:s17+s5], $0x1400, $0x38;
	[tilespmem:$0x1F080] =	vst v63  }
0x59: {  	s26 =	rddreg [dreg:$0xa];
	s30 =	simm.s32 $0x6400;
	s31 =	simm.s32 $0x1  }
0x5a: {  	[tilespmem:s30], [sflag:$0x4] =	stream.linear.gather [hbm4b:s26+s5], $0x1400, $0x38;
	[tilespmem:$0x1F080] =	vst v63  }
0x5b: {  	_ =	swait.ge [sflag:s31], $0x1400  }
0x5c: {  	[sflag:s31] =	ssyncset.done $0x0  }
0x5d: {  	p1 =	por $0x1, $0x1;
	[sflag:s31] =	ssyncadd.s32 $0xFFFFEC00  }
0x5e: {  	[tilespmem:s28], [sflag:$0x5] =	stream.indirect.gather [spmem:s2], $0x40, s5, s23, $0xb8;
	[tilespmem:$0x1F080] =	vst v63  }
.LBB2_3:
0x5f: {  	_ =	swait.ge [sflag:s29], $0x1400  }
0x60: {  	[sflag:s29] =	ssyncset.done $0x0  }
0x61: {  	[sflag:s29] =	ssyncadd.s32 $0xFFFFEC00  }
0x62: {  	_ =	swait.ge [sflag:s29], $0x1400  }
0x63: {  	[sflag:s29] =	ssyncset.done $0x0  }
0x64: {  	s12 =	simm.s32 $0x0;
	s13 =	simm.s32 $0x0;
	[sflag:s29] =	ssyncadd.s32 $0xFFFFEC00  }
.LBB2_4:
0x65: {  	s11 =	sshll.u32 s13, $0x8;
	v1 =	vmov s12  }
0x66: {  	v0 =	vmov s11;
	v1 =	vand.u32 $0x7F, v1  }
0x67: {  	v1 =	vor.u32 v0, v1  }
0x68: {  	v1 =	vbroadcast v1, $0x0  }
0x69: {  	_ =	swait.ge [sflag:s0], $0x2000;
	s31 =	sshllo.u32 s13, $0x1  }
0x6a: {  	[sflag:s0] =	ssyncset.done $0x0;
	s1 =	sshll.u32 s31, $0x9  }
0x6b: {  	s25 =	simm.s32 $0x7820;
	[sflag:s0] =	ssyncadd.s32 $0xFFFFE000;
	s4 =	sshrl.u32 s1, $0x2  }
0x6c: {  	[tilespmem:s8], [sflag:$0x6] =	stream.indirect.gather [spmem:s2], $0x40, s4, s23, $0xb8;
	[tilespmem:$0x1F080] =	vst v63  }
0x6d: {  	v4 =	vld [tilespmem:s25+$0x10]  }
0x6e: {  	v2 =	vld.idx.msk [tilespmem:v1+s24+$0x0], $0xffff;
	_ =	sdelay $0x1  }
0x6f: {  	v3 =	vld [tilespmem:s25+$0xFFFFFFF0]  }
0x70: {  	s26 =	simm.s32 $0x1;
	v6 =	vld [tilespmem:s25+$0x0]  }
0x71: {  	v1 =	vmov s26  }
0x72: {  	v1 =	vand.u32 $0x7F, v1;
	v5 =	vmul.f32 v4, v2;
	v4 =	vld [tilespmem:s25+$0xFFFFFFE0]  }
0x73: {  	v1 =	vor.u32 v0, v1  }
0x74: {  	v1 =	vbroadcast v1, $0x0  }
0x75: {  	s30 =	simm.s32 $0x2;
	s1 =	sshll.u32 s13, $0x1;
	s26 =	simm.s32 $0x7820;
	v3 =	vmul.f32 v3, v2;
	v6 =	vmul.f32 v6, v2  }
.LBB2_5:
0x76: {  	p2 =	sne.s32 s30, $0x7F  }
0x77: {  	v2 =	vmul.f32 v4, v2;
	[tilespmem:s25+$0x10] =	vst v5;
	s26 =	sadd.s32 $0x40, s26;
	s17 =	smov.u32 s30;
	s30 =	sadd.s32 $0x1, s30  }
0x78: {  	[tilespmem:s25+$0x0] =	vst v6  }
0x79: {  	[tilespmem:s25+$0xFFFFFFE0] =	vst v2  }
0x7a: {  	v6 =	vld [tilespmem:s26+$0xFFFFFFF0];
	[tilespmem:s25+$0xFFFFFFF0] =	vst v3;
	s25 =	smov.u32 s26  }
0x7b: {  	v2 =	vld.idx.msk [tilespmem:v1+s24+$0x0], $0xffff  }
0x7c: {  	v3 =	vld [tilespmem:s26+$0x10]  }
0x7d: {  	v7 =	vld [tilespmem:s26+$0x0]  }
.Ltmp4:
0x7e: {  	v1 =	vmov s17;
	v4 =	vld [tilespmem:s26+$0xFFFFFFE0];
	(pc) =	sbr.rel @p2 .LBB2_5-.Ltmp4, $4  }
0x7f: {  	v1 =	vand.u32 $0x7F, v1  }
0x80: {  	v1 =	vor.u32 v0, v1  }
0x81: {  	v1 =	vbroadcast v1, $0x0;
	v5 =	vmul.f32 v3, v2  }
0x82: {  	v3 =	vmul.f32 v6, v2;
	v6 =	vmul.f32 v7, v2  }
0x83: {  	v0 =	vmul.f32 v4, v2;
	[tilespmem:s25+$0x10] =	vst v5  }
0x84: {  	[tilespmem:s25+$0x0] =	vst v6  }
0x85: {  	s17 =	sadd.s32 $0x40, s26;
	[tilespmem:s25+$0xFFFFFFE0] =	vst v0  }
0x86: {  	v0 =	vld [tilespmem:s17+$0xFFFFFFF0];
	[tilespmem:s25+$0xFFFFFFF0] =	vst v3  }
0x87: {  	v1 =	vld.idx.msk [tilespmem:v1+s24+$0x0], $0xffff  }
0x88: {  	v2 =	vld [tilespmem:s17+$0x10]  }
0x89: {  	v3 =	vld [tilespmem:s17+$0x0]  }
0x8a: {  	v4 =	vld [tilespmem:s17+$0xFFFFFFE0];
	_ =	sdelay $0x2  }
0x8b: {  	v2 =	vmul.f32 v2, v1  }
0x8c: {  	v3 =	vmul.f32 v3, v1  }
0x8d: {  	v4 =	vmul.f32 v4, v1;
	[tilespmem:s17+$0x10] =	vst v2  }
0x8e: {  	v0 =	vmul.f32 v0, v1;
	[tilespmem:s17+$0x0] =	vst v3  }
0x8f: {  	s11 =	sand.u32 $0x3FFFFF00, s11;
	[tilespmem:s17+$0xFFFFFFE0] =	vst v4  }
0x90: {  	s11 =	sadd.s32 $0x2800, s11;
	[tilespmem:s17+$0xFFFFFFF0] =	vst v0  }
0x91: {  	[spmem:s3] =	stream.indirect.scatter.add.f32 [tilespmem:s28], [sflag:$0x7], $0x40, s11, s23, $0xb8;
	[tilespmem:$0x1F080] =	vst v63  }
0x92: {  	_ =	swait.ge [sflag:s22], $0x2000  }
0x93: {  	[sflag:s22] =	ssyncset.done $0x0  }
0x94: {  	s1 =	sadd.s32 $0x2, s1;
	[sflag:s22] =	ssyncadd.s32 $0xFFFFE000  }
0x95: {  	p2 =	seq.s32 s13, $0x13;
	s26 =	simm.s32 $0x0;
	_ =	swait.ge [sflag:s9], $0x2000  }
0x96: {  	s25 =	simm.s32 @!p2 $0x7800;
	s11 =	sshll.u32 @!p2 s1, $0x7;
	[sflag:s9] =	ssyncset.done $0x0  }
0x97: {  	s17 =	simm.s32 @!p2 $0x80;
	s11 =	sand.u32 @!p2 $0x3FFFFF80, s11;
	[sflag:s9] =	ssyncadd.s32 $0xFFFFE000  }
0x98: {  	[tilespmem:s25], [sflag:$0x5] =	stream.indirect.gather @!p2 [spmem:s2], $0x40, s11, s17, $0xb8;
	[tilespmem:$0x1F080] =	vst v63  }
0x99: {  	s30 =	sshll.u32 s31, $0x7;
	v1 =	vmov s26;
	p2 =	sne.s32 s1, $0x28  }
0x9a: {  	v1 =	vand.u32 $0x7F, v1;
	v0 =	vmov s30;
	s11 =	simm.s32 @!p2 $0x2  }
0x9b: {  	v1 =	vor.u32 v0, v1;
	_ =	swait.ge @!p2 [sflag:s11], $0x1400  }
0x9c: {  	v2 =	vbroadcast v1, $0x0;
	s1 =	simm.s32 @!p2 $0x80;
	[sflag:s11] =	ssyncset.done @!p2 $0x0  }
0x9d: {  	s17 =	simm.s32 @!p2 $0x7800;
	[sflag:s11] =	ssyncadd.s32 @!p2 $0xFFFFEC00;
	s11 =	simm.s32 @!p2 $0x1400  }
0x9e: {  	[tilespmem:s17], [sflag:$0x5] =	stream.indirect.gather @!p2 [spmem:s2], $0x40, s11, s1, $0xb8;
	[tilespmem:$0x1F080] =	vst v63  }
0x9f: {  	s1 =	simm.s32 $0x9830  }
0xa0: {  	v1 =	vld [tilespmem:s1+$0xFFFFFFF0]  }
0xa1: {  	v3 =	vld [tilespmem:s1+$0xFFFFFFE0]  }
0xa2: {  	v2 =	vld.idx.msk [tilespmem:v2+s24+$0x0], $0xffff  }
0xa3: {  	s31 =	simm.s32 $0x1;
	v5 =	vld [tilespmem:s1+$0xFFFFFFD0]  }
0xa4: {  	v6 =	vmov s31;
	v4 =	vld [tilespmem:s1+$0x0]  }
0xa5: {  	v6 =	vand.u32 $0x7F, v6;
	s25 =	simm.s32 $0x2;
	s11 =	simm.s32 $0x9830  }
.LBB2_7:
0xa6: {  	p2 =	sne.s32 s25, $0x7F;
	v6 =	vor.u32 v0, v6  }
0xa7: {  	v6 =	vbroadcast v6, $0x0  }
0xa8: {  	v3 =	vmul.f32 v3, v2;
	v5 =	vmul.f32 v5, v2  }
0xa9: {  	v7 =	vmul.f32 v1, v2;
	v2 =	vmul.f32 v4, v2  }
0xaa: {  	[tilespmem:s1+$0xFFFFFFD0] =	vst v5  }
0xab: {  	s1 =	sadd.s32 $0x40, s1;
	[tilespmem:s11+$0xFFFFFFE0] =	vst v3  }
0xac: {  	v1 =	vld [tilespmem:s1+$0xFFFFFFF0];
	[tilespmem:s11+$0xFFFFFFF0] =	vst v7  }
.Ltmp5:
0xad: {  	v3 =	vld [tilespmem:s1+$0xFFFFFFE0];
	[tilespmem:s11+$0x0] =	vst v2;
	s11 =	smov.u32 s1;
	(pc) =	sbr.rel @p2 .LBB2_7-.Ltmp5, $4  }
0xae: {  	v2 =	vld.idx.msk [tilespmem:v6+s24+$0x0], $0xffff  }
0xaf: {  	v5 =	vld [tilespmem:s1+$0xFFFFFFD0]  }
0xb0: {  	v6 =	vmov s25;
	v4 =	vld [tilespmem:s1+$0x0]  }
0xb1: {  	s25 =	sadd.s32 $0x1, s25;
	v6 =	vand.u32 $0x7F, v6  }
0xb2: {  	_ = 	snop  }
0xb3: {  	v0 =	vor.u32 v0, v6  }
0xb4: {  	v0 =	vbroadcast v0, $0x0;
	v5 =	vmul.f32 v5, v2  }
0xb5: {  	v3 =	vmul.f32 v3, v2  }
0xb6: {  	v1 =	vmul.f32 v1, v2;
	[tilespmem:s1+$0xFFFFFFD0] =	vst v5  }
0xb7: {  	s30 =	sadd.s32 $0x40, s1;
	v62 =	vmul.f32 v4, v2;
	[tilespmem:s11+$0xFFFFFFE0] =	vst v3  }
0xb8: {  	v3 =	vld [tilespmem:s30+$0xFFFFFFF0];
	[tilespmem:s11+$0xFFFFFFF0] =	vst v1  }
0xb9: {  	v1 =	vld [tilespmem:s30+$0xFFFFFFE0];
	[tilespmem:s11+$0x0] =	vst v62  }
0xba: {  	v0 =	vld.idx.msk [tilespmem:v0+s24+$0x0], $0xffff  }
0xbb: {  	v2 =	vld [tilespmem:s30+$0xFFFFFFD0];
	_ =	sdelay $0x2  }
0xbc: {  	v63 =	vld [tilespmem:s30+$0x0];
	_ =	sdelay $0x1  }
0xbd: {  	v2 =	vmul.f32 v2, v0  }
0xbe: {  	v1 =	vmul.f32 v1, v0  }
0xbf: {  	v3 =	vmul.f32 v3, v0;
	[tilespmem:s30+$0xFFFFFFD0] =	vst v2  }
0xc0: {  	s13 =	sadd.s32 $0x1, s13;
	v0 =	vmul.f32 v63, v0;
	[tilespmem:s30+$0xFFFFFFE0] =	vst v1  }
0xc1: {  	p2 =	sne.s32 s13, $0x14;
	[tilespmem:s30+$0xFFFFFFF0] =	vst v3  }
.Ltmp6:
0xc2: {  	s31 =	sadd.s32 $0x2800, s4;
	[tilespmem:s30+$0x0] =	vst v0;
	(pc) =	sbr.rel @p2 .LBB2_4-.Ltmp6, $4  }
0xc3: {  	[spmem:s3] =	stream.indirect.scatter.add.f32 [tilespmem:s8], [sflag:$0x7], $0x40, s31, s23, $0xb8;
	[tilespmem:$0x1F080] =	vst v63  }
0xc4: {  	_ =	swait.ge [sflag:s22], $0x2000  }
0xc5: {  	[sflag:s22] =	ssyncset.done $0x0  }
0xc6: {  	[sflag:s22] =	ssyncadd.s32 $0xFFFFE000  }
0xc7: {  	s1 =	simm.s32 @p1 $0x0  }
0xc8: {  	[tilespmem:s1], [sflag:$0x1] =	stream.linear.gather @p1 [hbm4b:s14+s1], $0x1400, $0x38;
	[tilespmem:$0x1F080] =	vst v63  }
0xc9: {  	s4 =	simm.s32 @p1 $0x2800  }
0xca: {  	[tilespmem:s4], [sflag:$0x3] =	stream.linear.gather @p1 [hbm4b:s15+s1], $0x1400, $0x38;
	[tilespmem:$0x1F080] =	vst v63  }
0xcb: {  	s4 =	simm.s32 @p1 $0x5000  }
0xcc: {  	[tilespmem:s4], [sflag:$0x3] =	stream.linear.gather @p1 [hbm4b:s16+s1], $0x1400, $0x38;
	[tilespmem:$0x1F080] =	vst v63  }
0xcd: {  	_ =	swait.ge [sflag:s10], $0x1400  }
0xce: {  	[sflag:s10] =	ssyncset.done $0x0  }
0xcf: {  	[sflag:s10] =	ssyncadd.s32 $0xFFFFEC00  }
0xd0: {  	_ =	swait.ge [sflag:s10], $0x1400  }
0xd1: {  	s12 =	simm.s32 $0x0;
	[sflag:s10] =	ssyncset.done $0x0  }
0xd2: {  	p2 =	por !p1, !p1;
	s13 =	simm.s32 $0x0;
	[sflag:s10] =	ssyncadd.s32 $0xFFFFEC00  }
.LBB2_10:
0xd3: {  	s11 =	sshll.u32 s13, $0x8  }
0xd4: {  	v1 =	vmov s12;
	v0 =	vmov s11  }
0xd5: {  	v1 =	vand.u32 $0x7F, v1;
	v0 =	vadd.s32 $0x1400, v0  }
0xd6: {  	v1 =	vor.u32 v0, v1  }
0xd7: {  	s31 =	sshllo.u32 s13, $0x1;
	v1 =	vbroadcast v1, $0x0  }
0xd8: {  	_ =	swait.ge [sflag:s0], $0x2000;
	s1 =	sshll.u32 s31, $0x9  }
0xd9: {  	[sflag:s0] =	ssyncset.done $0x0;
	s4 =	sshrl.u32 s1, $0x2  }
0xda: {  	s25 =	simm.s32 $0x7820;
	[sflag:s0] =	ssyncadd.s32 $0xFFFFE000;
	s1 =	sadd.s32 $0x1400, s4  }
0xdb: {  	[tilespmem:s8], [sflag:$0x6] =	stream.indirect.gather [spmem:s2], $0x40, s1, s23, $0xb8;
	[tilespmem:$0x1F080] =	vst v63  }
0xdc: {  	v4 =	vld [tilespmem:s25+$0x10]  }
0xdd: {  	v2 =	vld.idx.msk [tilespmem:v1+s24+$0x0], $0xffff;
	_ =	sdelay $0x1  }
0xde: {  	v3 =	vld [tilespmem:s25+$0xFFFFFFF0]  }
0xdf: {  	s26 =	simm.s32 $0x1;
	v6 =	vld [tilespmem:s25+$0x0]  }
0xe0: {  	v1 =	vmov s26  }
0xe1: {  	v1 =	vand.u32 $0x7F, v1;
	v5 =	vmul.f32 v4, v2;
	v4 =	vld [tilespmem:s25+$0xFFFFFFE0]  }
0xe2: {  	v1 =	vor.u32 v0, v1  }
0xe3: {  	v1 =	vbroadcast v1, $0x0  }
0xe4: {  	s30 =	simm.s32 $0x2;
	s1 =	sshll.u32 s13, $0x1;
	s26 =	simm.s32 $0x7820;
	v3 =	vmul.f32 v3, v2;
	v6 =	vmul.f32 v6, v2  }
.LBB2_11:
0xe5: {  	p3 =	sne.s32 s30, $0x7F  }
0xe6: {  	v2 =	vmul.f32 v4, v2;
	[tilespmem:s25+$0x10] =	vst v5;
	s26 =	sadd.s32 $0x40, s26;
	s17 =	smov.u32 s30;
	s30 =	sadd.s32 $0x1, s30  }
0xe7: {  	[tilespmem:s25+$0x0] =	vst v6  }
0xe8: {  	[tilespmem:s25+$0xFFFFFFE0] =	vst v2  }
0xe9: {  	v6 =	vld [tilespmem:s26+$0xFFFFFFF0];
	[tilespmem:s25+$0xFFFFFFF0] =	vst v3;
	s25 =	smov.u32 s26  }
0xea: {  	v2 =	vld.idx.msk [tilespmem:v1+s24+$0x0], $0xffff  }
0xeb: {  	v3 =	vld [tilespmem:s26+$0x10]  }
0xec: {  	v7 =	vld [tilespmem:s26+$0x0]  }
.Ltmp7:
0xed: {  	v1 =	vmov s17;
	v4 =	vld [tilespmem:s26+$0xFFFFFFE0];
	(pc) =	sbr.rel @p3 .LBB2_11-.Ltmp7, $4  }
0xee: {  	v1 =	vand.u32 $0x7F, v1  }
0xef: {  	v1 =	vor.u32 v0, v1  }
0xf0: {  	v1 =	vbroadcast v1, $0x0;
	v5 =	vmul.f32 v3, v2  }
0xf1: {  	v3 =	vmul.f32 v6, v2;
	v6 =	vmul.f32 v7, v2  }
0xf2: {  	v0 =	vmul.f32 v4, v2;
	[tilespmem:s25+$0x10] =	vst v5  }
0xf3: {  	[tilespmem:s25+$0x0] =	vst v6  }
0xf4: {  	s17 =	sadd.s32 $0x40, s26;
	[tilespmem:s25+$0xFFFFFFE0] =	vst v0  }
0xf5: {  	v0 =	vld [tilespmem:s17+$0xFFFFFFF0];
	[tilespmem:s25+$0xFFFFFFF0] =	vst v3  }
0xf6: {  	v1 =	vld.idx.msk [tilespmem:v1+s24+$0x0], $0xffff  }
0xf7: {  	v2 =	vld [tilespmem:s17+$0x10]  }
0xf8: {  	v3 =	vld [tilespmem:s17+$0x0]  }
0xf9: {  	v4 =	vld [tilespmem:s17+$0xFFFFFFE0];
	_ =	sdelay $0x2  }
0xfa: {  	v2 =	vmul.f32 v2, v1  }
0xfb: {  	v3 =	vmul.f32 v3, v1  }
0xfc: {  	v4 =	vmul.f32 v4, v1;
	[tilespmem:s17+$0x10] =	vst v2  }
0xfd: {  	v0 =	vmul.f32 v0, v1;
	[tilespmem:s17+$0x0] =	vst v3  }
0xfe: {  	s11 =	sand.u32 $0x3FFFFF00, s11;
	[tilespmem:s17+$0xFFFFFFE0] =	vst v4  }
0xff: {  	s11 =	sadd.s32 $0x3C00, s11;
	[tilespmem:s17+$0xFFFFFFF0] =	vst v0  }
0x100: {  	[spmem:s3] =	stream.indirect.scatter.add.f32 [tilespmem:s28], [sflag:$0x7], $0x40, s11, s23, $0xb8;
	[tilespmem:$0x1F080] =	vst v63  }
0x101: {  	_ =	swait.ge [sflag:s22], $0x2000  }
0x102: {  	s1 =	sadd.s32 $0x2, s1;
	p3 =	seq.s32 s13, $0x13;
	[sflag:s22] =	ssyncset.done $0x0  }
0x103: {  	s26 =	sshll.u32 s31, $0x7;
	s30 =	simm.s32 $0x0;
	[sflag:s22] =	ssyncadd.s32 $0xFFFFE000  }
0x104: {  	p6 =	sne.s32 s1, $0x28;
	s11 =	sshll.u32 @!p3 s1, $0x7;
	_ =	swait.ge [sflag:s9], $0x2000  }
0x105: {  	s25 =	simm.s32 @!p3 $0x7800;
	s11 =	sand.u32 @!p3 $0x3FFFFF80, s11;
	[sflag:s9] =	ssyncset.done $0x0  }
0x106: {  	s17 =	simm.s32 @!p3 $0x80;
	s11 =	sadd.s32 @!p3 $0x1400, s11;
	[sflag:s9] =	ssyncadd.s32 $0xFFFFE000  }
0x107: {  	[tilespmem:s25], [sflag:$0x5] =	stream.indirect.gather @!p3 [spmem:s2], $0x40, s11, s17, $0xb8;
	[tilespmem:$0x1F080] =	vst v63  }
0x108: {  	v1 =	vmov s30;
	v0 =	vmov s26;
	p3 =	por p2, p6  }
0x109: {  	v1 =	vand.u32 $0x7F, v1;
	v0 =	vadd.s32 $0x1400, v0;
	s17 =	simm.s32 @!p3 $0x1  }
0x10a: {  	v1 =	vor.u32 v0, v1;
	_ =	swait.ge @!p3 [sflag:s17], $0x1400  }
0x10b: {  	v2 =	vbroadcast v1, $0x0;
	s1 =	simm.s32 @!p3 $0x80;
	[sflag:s17] =	ssyncset.done @!p3 $0x0  }
0x10c: {  	s11 =	simm.s32 @!p3 $0x0;
	[sflag:s17] =	ssyncadd.s32 @!p3 $0xFFFFEC00;
	s17 =	simm.s32 @!p3 $0x7800  }
0x10d: {  	[tilespmem:s17], [sflag:$0x5] =	stream.indirect.gather @!p3 [spmem:s2], $0x40, s11, s1, $0xb8;
	[tilespmem:$0x1F080] =	vst v63  }
0x10e: {  	s1 =	simm.s32 $0x9830  }
0x10f: {  	v1 =	vld [tilespmem:s1+$0xFFFFFFF0]  }
0x110: {  	v3 =	vld [tilespmem:s1+$0xFFFFFFE0]  }
0x111: {  	v2 =	vld.idx.msk [tilespmem:v2+s24+$0x0], $0xffff  }
0x112: {  	s31 =	simm.s32 $0x1;
	v5 =	vld [tilespmem:s1+$0xFFFFFFD0]  }
0x113: {  	v6 =	vmov s31;
	v4 =	vld [tilespmem:s1+$0x0]  }
0x114: {  	v6 =	vand.u32 $0x7F, v6;
	s25 =	simm.s32 $0x2;
	s11 =	simm.s32 $0x9830  }
.LBB2_13:
0x115: {  	p3 =	sne.s32 s25, $0x7F;
	v6 =	vor.u32 v0, v6  }
0x116: {  	v6 =	vbroadcast v6, $0x0  }
0x117: {  	v3 =	vmul.f32 v3, v2;
	v5 =	vmul.f32 v5, v2  }
0x118: {  	v7 =	vmul.f32 v1, v2;
	v2 =	vmul.f32 v4, v2  }
0x119: {  	[tilespmem:s1+$0xFFFFFFD0] =	vst v5  }
0x11a: {  	s1 =	sadd.s32 $0x40, s1;
	[tilespmem:s11+$0xFFFFFFE0] =	vst v3  }
0x11b: {  	v1 =	vld [tilespmem:s1+$0xFFFFFFF0];
	[tilespmem:s11+$0xFFFFFFF0] =	vst v7  }
.Ltmp8:
0x11c: {  	v3 =	vld [tilespmem:s1+$0xFFFFFFE0];
	[tilespmem:s11+$0x0] =	vst v2;
	s11 =	smov.u32 s1;
	(pc) =	sbr.rel @p3 .LBB2_13-.Ltmp8, $4  }
0x11d: {  	v2 =	vld.idx.msk [tilespmem:v6+s24+$0x0], $0xffff  }
0x11e: {  	v5 =	vld [tilespmem:s1+$0xFFFFFFD0]  }
0x11f: {  	v6 =	vmov s25;
	v4 =	vld [tilespmem:s1+$0x0]  }
0x120: {  	s25 =	sadd.s32 $0x1, s25;
	v6 =	vand.u32 $0x7F, v6  }
0x121: {  	_ = 	snop  }
0x122: {  	v0 =	vor.u32 v0, v6  }
0x123: {  	v0 =	vbroadcast v0, $0x0;
	v5 =	vmul.f32 v5, v2  }
0x124: {  	v3 =	vmul.f32 v3, v2  }
0x125: {  	v1 =	vmul.f32 v1, v2;
	[tilespmem:s1+$0xFFFFFFD0] =	vst v5  }
0x126: {  	s30 =	sadd.s32 $0x40, s1;
	v62 =	vmul.f32 v4, v2;
	[tilespmem:s11+$0xFFFFFFE0] =	vst v3  }
0x127: {  	v3 =	vld [tilespmem:s30+$0xFFFFFFF0];
	[tilespmem:s11+$0xFFFFFFF0] =	vst v1  }
0x128: {  	v1 =	vld [tilespmem:s30+$0xFFFFFFE0];
	[tilespmem:s11+$0x0] =	vst v62  }
0x129: {  	v0 =	vld.idx.msk [tilespmem:v0+s24+$0x0], $0xffff  }
0x12a: {  	v2 =	vld [tilespmem:s30+$0xFFFFFFD0];
	_ =	sdelay $0x2  }
0x12b: {  	v63 =	vld [tilespmem:s30+$0x0];
	_ =	sdelay $0x1  }
0x12c: {  	v2 =	vmul.f32 v2, v0  }
0x12d: {  	v1 =	vmul.f32 v1, v0  }
0x12e: {  	v3 =	vmul.f32 v3, v0;
	[tilespmem:s30+$0xFFFFFFD0] =	vst v2  }
0x12f: {  	s13 =	sadd.s32 $0x1, s13;
	v0 =	vmul.f32 v63, v0;
	[tilespmem:s30+$0xFFFFFFE0] =	vst v1  }
0x130: {  	p3 =	sne.s32 s13, $0x14;
	[tilespmem:s30+$0xFFFFFFF0] =	vst v3  }
.Ltmp9:
0x131: {  	s31 =	sadd.s32 $0x3C00, s4;
	[tilespmem:s30+$0x0] =	vst v0;
	(pc) =	sbr.rel @p3 .LBB2_10-.Ltmp9, $4  }
0x132: {  	[spmem:s3] =	stream.indirect.scatter.add.f32 [tilespmem:s8], [sflag:$0x7], $0x40, s31, s23, $0xb8;
	[tilespmem:$0x1F080] =	vst v63  }
0x133: {  	_ =	swait.ge [sflag:s22], $0x2000  }
0x134: {  	[sflag:s22] =	ssyncset.done $0x0  }
0x135: {  	[sflag:s22] =	ssyncadd.s32 $0xFFFFE000  }
.Ltmp10:
0x136: {  	(pc) =	sbr.rel @!p1 .LBB2_17-.Ltmp10, $1  }
0x137: {  	_ =	sdelay $0x3  }
0x138: {  	s1 =	rddreg [dreg:$0xb];
	s4 =	simm.s32 $0x1400  }
0x139: {  	[tilespmem:s4], [sflag:$0x2] =	stream.linear.gather [hbm4b:s1+s5], $0x1400, $0x38;
	[tilespmem:$0x1F080] =	vst v63  }
.Ltmp11:
0x13a: {  	_ = 	snop;
	(pc) =	sbr.rel .LBB2_3-.Ltmp11, $4  }
0x13b: {  	s30 =	simm.s32 $0x3C00  }
0x13c: {  	[tilespmem:s30], [sflag:$0x4] =	stream.linear.gather [hbm4b:s18+s5], $0x1400, $0x38;
	[tilespmem:$0x1F080] =	vst v63  }
0x13d: {  	s31 =	simm.s32 $0x6400;
	p1 =	por $0x0, $0x0  }
0x13e: {  	[tilespmem:s31], [sflag:$0x4] =	stream.linear.gather [hbm4b:s19+s5], $0x1400, $0x38;
	[tilespmem:$0x1F080] =	vst v63  }
.LBB2_17:
0x13f: {  	[bflag:$0x0] =	sbarrier.arrive $0xFFFF;
	s4 =	simm.s32 $0x0;
	s12 =	simm.s32 $0x0  }
.LBB2_18:
0x140: {  	s1 =	smul.u32 $0x68, s12;
	_ =	sdelay $0x1  }
0x141: {  	s1 =	sadd.s32 s6, s1  }
0x142: {  	s13 =	sshll.u32 s1, $0x6  }
0x143: {  	s11 =	sadd.s32 s13, s3  }
0x144: {  	[tilespmem:s28], [sflag:$0x7] =	stream.linear.gather [spmem:s11], $0x1A00, $0x38;
	[tilespmem:$0x1F080] =	vst v63  }
0x145: {  	_ =	swait.ge [sflag:s22], $0x1A00  }
0x146: {  	[sflag:s22] =	ssyncset.done $0x0  }
0x147: {  	s17 =	sadd.s32 s7, s1;
	[sflag:s22] =	ssyncadd.s32 $0xFFFFE600  }
0x148: {  	s17 =	sshll.u32 s17, $0x3;
	s25 =	rddreg [dreg:$0x0]  }
0x149: {  	s17 =	sadd.s32 s25, s17  }
0x14a: {  	[tilespmem:s8], [sflag:$0x7] =	stream.linear.gather [hbm4b:s17+s4], $0x1A00, $0x38;
	[tilespmem:$0x1F080] =	vst v63  }
0x14b: {  	_ =	swait.ge [sflag:s22], $0x1A00  }
0x14c: {  	s1 =	sshll.u32 s1, $0x3;
	[sflag:s22] =	ssyncset.done $0x0  }
0x14d: {  	s1 =	sadd.s32 s21, s1;
	s11 =	sshrl.u32 s11, $0x3;
	[sflag:s22] =	ssyncadd.s32 $0xFFFFE600  }
0x14e: {  	[spmem:s11], [sflag:s20] =	dma.local [hbm:s1], $0x340  }
0x14f: {  	_ =	swait.ge [sflag:s22], $0x340  }
0x150: {  	[sflag:s22] =	ssyncset.done $0x0  }
0x151: {  	s1 =	simm.s32 $0x0;
	[sflag:s22] =	ssyncadd.s32 $0xFFFFFCC0  }
0x152: {  	v3 =	vld [tilespmem:s1+$0x9800]  }
0x153: {  	v2 =	vld [tilespmem:s1+$0x9810]  }
0x154: {  	v1 =	vld [tilespmem:s1+$0x9820]  }
0x155: {  	v0 =	vld [tilespmem:s1+$0x9830]  }
0x156: {  	v6 =	vld [tilespmem:s1+$0x7800]  }
0x157: {  	v5 =	vld [tilespmem:s1+$0x7810]  }
0x158: {  	s11 =	simm.s32 $0x100;
	v4 =	vld [tilespmem:s1+$0x7820]  }
.LBB2_19:
0x159: {  	p1 =	sne.s32 s11, $0x6700;
	v7 =	vld [tilespmem:s1+$0x7830];
	_ =	sdelay $0x1  }
0x15a: {  	s17 =	sshra.s32 s11, $0x2;
	v8 =	vmul.f32 $1.000000010e-01, v3;
	v6 =	vmul.f32 $8.999999760e-01, v6  }
0x15b: {  	v9 =	vmul.f32 $1.000000010e-01, v2;
	v3 =	vld [tilespmem:s17+$0x9800];
	v5 =	vmul.f32 $8.999999760e-01, v5  }
0x15c: {  	v2 =	vld [tilespmem:s17+$0x9810];
	v6 =	vadd.f32 v8, v6;
	v4 =	vmul.f32 $8.999999760e-01, v4;
	v8 =	vmul.f32 $1.000000010e-01, v1  }
.Ltmp12:
0x15d: {  	v1 =	vld [tilespmem:s17+$0x9820];
	v5 =	vadd.f32 v9, v5;
	v7 =	vmul.f32 $8.999999760e-01, v7;
	v9 =	vmul.f32 $1.000000010e-01, v0;
	(pc) =	sbr.rel @p1 .LBB2_19-.Ltmp12, $4  }
0x15e: {  	v0 =	vld [tilespmem:s17+$0x9830];
	[tilespmem:s1+$0x7800] =	vst v6;
	v4 =	vadd.f32 v8, v4  }
0x15f: {  	v6 =	vld [tilespmem:s17+$0x7800];
	[tilespmem:s1+$0x7810] =	vst v5;
	v7 =	vadd.f32 v9, v7  }
0x160: {  	v5 =	vld [tilespmem:s17+$0x7810];
	[tilespmem:s1+$0x7820] =	vst v4  }
0x161: {  	s11 =	sadd.s32 $0x100, s11;
	v4 =	vld [tilespmem:s17+$0x7820];
	[tilespmem:s1+$0x7830] =	vst v7;
	s1 =	smov.u32 s17  }
0x162: {  	v7 =	vld [tilespmem:s1+$0x7830];
	_ =	sdelay $0x1  }
0x163: {  	v3 =	vmul.f32 $1.000000010e-01, v3;
	v6 =	vmul.f32 $8.999999760e-01, v6  }
0x164: {  	v2 =	vmul.f32 $1.000000010e-01, v2;
	v5 =	vmul.f32 $8.999999760e-01, v5  }
0x165: {  	v1 =	vmul.f32 $1.000000010e-01, v1;
	v3 =	vadd.f32 v3, v6;
	v4 =	vmul.f32 $8.999999760e-01, v4  }
0x166: {  	v0 =	vmul.f32 $1.000000010e-01, v0;
	v2 =	vadd.f32 v2, v5;
	v63 =	vmul.f32 $8.999999760e-01, v7  }
0x167: {  	[tilespmem:s1+$0x7800] =	vst v3;
	v1 =	vadd.f32 v1, v4  }
0x168: {  	s12 =	sadd.s32 $0x1, s12;
	[tilespmem:s1+$0x7810] =	vst v2;
	v0 =	vadd.f32 v0, v63  }
0x169: {  	p1 =	sne.s32 s12, $0x6;
	[tilespmem:s1+$0x7820] =	vst v1  }
.Ltmp13:
0x16a: {  	s31 =	sadd.s32 s13, s2;
	[tilespmem:s1+$0x7830] =	vst v0;
	(pc) =	sbr.rel @p1 .LBB2_18-.Ltmp13, $4  }
0x16b: {  	[spmem:s31] =	stream.linear.scatter [tilespmem:s28], [sflag:$0x7], $0x1A00, $0x38;
	[tilespmem:$0x1F080] =	vst v63  }
0x16c: {  	_ =	swait.ge [sflag:s22], $0x1A00  }
0x16d: {  	[sflag:s22] =	ssyncset.done $0x0  }
0x16e: {  	[sflag:s22] =	ssyncadd.s32 $0xFFFFE600  }
.Ltmp14:
0x16f: {  	(pc) =	sbr.rel @p0 .LBB2_25-.Ltmp14, $2  }
0x170: {  	_ =	sdelay $0x2  }
0x171: {  	s1 =	rddreg [dreg:$0x1a]  }
0x172: {  	s11 =	rddreg [dreg:$0x16]  }
0x173: {  	[tilespmem:s28], [sflag:$0x7] =	stream.linear.gather [spmem:s11], $0x400, $0x38;
	[tilespmem:$0x1F080] =	vst v63  }
0x174: {  	_ =	swait.ge [sflag:s22], $0x400  }
0x175: {  	[sflag:s22] =	ssyncset.done $0x0  }
0x176: {  	s1 =	simm.s32 $0x0;
	s4 =	rddreg [dreg:$0x11];
	[sflag:s22] =	ssyncadd.s32 $0xFFFFFC00  }
0x177: {  	[tilespmem:s8], [sflag:$0x7] =	stream.linear.gather [hbm4b:s4+s1], $0x400, $0x38;
	[tilespmem:$0x1F080] =	vst v63  }
0x178: {  	_ =	swait.ge [sflag:s22], $0x400  }
0x179: {  	[sflag:s22] =	ssyncset.done $0x0  }
0x17a: {  	s30 =	sshrl.u32 s11, $0x3;
	s31 =	rddreg [dreg:$0x12];
	[sflag:s22] =	ssyncadd.s32 $0xFFFFFC00  }
0x17b: {  	[spmem:s30], [sflag:s20] =	dma.local [hbm:s31], $0x80  }
0x17c: {  	_ =	swait.ge [sflag:s22], $0x80  }
0x17d: {  	[sflag:s22] =	ssyncset.done $0x0  }
0x17e: {  	s1 =	simm.s32 $0x0;
	[sflag:s22] =	ssyncadd.s32 $0xFFFFFF80  }
0x17f: {  	v3 =	vld [tilespmem:s1+$0x9800]  }
0x180: {  	v2 =	vld [tilespmem:s1+$0x9810]  }
0x181: {  	v1 =	vld [tilespmem:s1+$0x9820]  }
0x182: {  	v0 =	vld [tilespmem:s1+$0x9830]  }
0x183: {  	v6 =	vld [tilespmem:s1+$0x7800]  }
0x184: {  	v5 =	vld [tilespmem:s1+$0x7810]  }
0x185: {  	s4 =	simm.s32 $0x100;
	v4 =	vld [tilespmem:s1+$0x7820]  }
.LBB2_23:
0x186: {  	p1 =	sne.s32 s4, $0xF00;
	v7 =	vld [tilespmem:s1+$0x7830];
	_ =	sdelay $0x1  }
0x187: {  	s11 =	sshra.s32 s4, $0x2;
	v8 =	vmul.f32 $1.000000010e-01, v3;
	v6 =	vmul.f32 $8.999999760e-01, v6  }
0x188: {  	v9 =	vmul.f32 $1.000000010e-01, v2;
	v3 =	vld [tilespmem:s11+$0x9800];
	v5 =	vmul.f32 $8.999999760e-01, v5  }
0x189: {  	v2 =	vld [tilespmem:s11+$0x9810];
	v6 =	vadd.f32 v8, v6;
	v4 =	vmul.f32 $8.999999760e-01, v4;
	v8 =	vmul.f32 $1.000000010e-01, v1  }
.Ltmp15:
0x18a: {  	v1 =	vld [tilespmem:s11+$0x9820];
	v5 =	vadd.f32 v9, v5;
	v7 =	vmul.f32 $8.999999760e-01, v7;
	v9 =	vmul.f32 $1.000000010e-01, v0;
	(pc) =	sbr.rel @p1 .LBB2_23-.Ltmp15, $4  }
0x18b: {  	v0 =	vld [tilespmem:s11+$0x9830];
	[tilespmem:s1+$0x7800] =	vst v6;
	v4 =	vadd.f32 v8, v4  }
0x18c: {  	v6 =	vld [tilespmem:s11+$0x7800];
	[tilespmem:s1+$0x7810] =	vst v5;
	v7 =	vadd.f32 v9, v7  }
0x18d: {  	v5 =	vld [tilespmem:s11+$0x7810];
	[tilespmem:s1+$0x7820] =	vst v4  }
0x18e: {  	s4 =	sadd.s32 $0x100, s4;
	v4 =	vld [tilespmem:s11+$0x7820];
	[tilespmem:s1+$0x7830] =	vst v7;
	s1 =	smov.u32 s11  }
0x18f: {  	v7 =	vld [tilespmem:s1+$0x7830];
	_ =	sdelay $0x1  }
0x190: {  	v3 =	vmul.f32 $1.000000010e-01, v3;
	v6 =	vmul.f32 $8.999999760e-01, v6  }
0x191: {  	v2 =	vmul.f32 $1.000000010e-01, v2;
	v5 =	vmul.f32 $8.999999760e-01, v5  }
0x192: {  	v1 =	vmul.f32 $1.000000010e-01, v1;
	v3 =	vadd.f32 v3, v6;
	v4 =	vmul.f32 $8.999999760e-01, v4  }
0x193: {  	v0 =	vmul.f32 $1.000000010e-01, v0;
	v2 =	vadd.f32 v2, v5;
	v63 =	vmul.f32 $8.999999760e-01, v7  }
0x194: {  	[tilespmem:s1+$0x7800] =	vst v3;
	v1 =	vadd.f32 v1, v4  }
0x195: {  	[tilespmem:s1+$0x7810] =	vst v2;
	v0 =	vadd.f32 v0, v63  }
0x196: {  	[tilespmem:s1+$0x7820] =	vst v1  }
.Ltmp16:
0x197: {  	s31 =	rddreg [dreg:$0x15];
	[tilespmem:s1+$0x7830] =	vst v0;
	(pc) =	sbr.rel .LBB2_25-.Ltmp16, $4  }
0x198: {  	[spmem:s31] =	stream.linear.scatter [tilespmem:s28], [sflag:$0x7], $0x400, $0x38;
	[tilespmem:$0x1F080] =	vst v63  }
0x199: {  	_ =	swait.ge [sflag:s22], $0x400  }
0x19a: {  	[sflag:s22] =	ssyncset.done $0x0  }
0x19b: {  	s1 =	rddreg [dreg:$0x1a];
	[sflag:s22] =	ssyncadd.s32 $0xFFFFFC00  }
.LBB2_27:
0x19c: {  	_ =	sfence.sel $0x180000  }
0x19d: {  	[bflag:$0x0] =	sbarrier.arrive $0xFFFF  }
0x19e: {  	_ =	strace $0x90000047  }
0x19f: {  	s0 =	stileid.u32;
	[bflag:$0x2] =	sbarrier.arrive $0xFFFF  }
0x1a0: {  	p0 =	sne.s32 s0, $0x0;
	s0 =	rddreg [dreg:$0x4]  }
0x1a1: {  	s0 =	sadd.s32 @!p0 $0x100000, s0  }
0x1a2: {  	[sflag:s0] =	ssyncadd.tile.s32 @!p0 $0x1;
	_ =	shalt  }
.Lfunc_end2:
_tile_overlayer_lowered:
.L_overlay_start_2:
0x1a3: {  	(tag) =	ssettag $0x2  }
0x1a4: {  	s0 =	rddreg [dreg:$0x0];
	s2 =	stileid.u32  }
0x1a5: {  	s1 =	rddreg [dreg:$0x1];
	p0 =	sne.s32 s2, $0x0  }
0x1a6: {  	s3 =	rddreg [dreg:$0x2];
	[bflag:$0x3] =	sbarrier.arrive $0xFFFF;
	s2 =	simm.s32 @!p0 $0x1C07  }
0x1a7: {  	[timem:s3], [sflag:s2] =	dma.local @!p0 [hbm:s0], s1  }
0x1a8: {  	s0 =	simm.s32 @!p0 $0x7  }
0x1a9: {  	_ =	swait.ge @!p0 [sflag:s0], s1  }
0x1aa: {  	s1 =	ssub.s32 @!p0 $0x0, s1;
	[sflag:s0] =	ssyncset.done @!p0 $0x0  }
0x1ab: {  	[sflag:s0] =	ssyncadd.s32 @!p0 s1  }
0x1ac: {  	[bflag:$0x3] =	sbarrier.arrive $0xFFFF  }
0x1ad: {  	_ =	shalt  }

</sc_bundles>
